<compile_context>
chip_gen: v7x
topology: tpu7x:2x2x1
jax: 0.10.2.dev20260603
libtpu: 0.0.44.dev20260713+nightly
codegen_flags: <defaults>
</compile_context>

<pallas_src>
import functools

import jax
import jax.numpy as jnp
from jax import lax
from jax.experimental import pallas as pl
from jax.experimental.pallas import tpu as pltpu
from jax.experimental.pallas import tpu_sc as plsc

NC, NS, L = 2, 16, 16
NW = NC * NS
CHUNK = 128
SCH_EDGES = 64
TRASH = 16


def _mesh():
    return plsc.VectorSubcoreMesh(
        core_axis_name="c", subcore_axis_name="s",
        num_cores=NC, num_subcores=NS)


@functools.lru_cache(maxsize=None)
def _build(N, E, C):
    EPT = -(-E // (NW * CHUNK * 4)) * CHUNK * 4
    E_pad = NW * EPT
    CPT = EPT // CHUNK
    NBA = -(-(N + TRASH) // (NS * CHUNK)) * NS * CHUNK
    DPT = NBA // NS

    NBH = N + TRASH
    RPH = (N // NS) // 8 * 8
    RTH = N - RPH * NS
    SCH = SCH_EDGES
    CPS = EPT // SCH
    WIN = 40
    assert CPS % WIN == 0 and WIN % 4 == 0 and WIN >= 8

    @functools.partial(
        pl.kernel, mesh=_mesh(),
        out_type=jax.ShapeDtypeStruct((NC, NBA), jnp.float32),
        scratch_types=[
            pltpu.VMEM((CPT, CHUNK), jnp.int32),
            pltpu.VMEM((CHUNK,), jnp.float32),
            pltpu.VMEM_SHARED((NBA,), jnp.float32),
            pltpu.SemaphoreType.DMA,
        ],
    )
    def deg_kernel(row3_hbm, out_hbm, idx_v, stage_v, sdeg, sem):
        cid = lax.axis_index("c")
        sid = lax.axis_index("s")
        wid = sid * NC + cid
        pltpu.sync_copy(row3_hbm.at[wid], idx_v)

        def fill(val):
            def fb(i, _):
                stage_v[pl.ds(i * L, L)] = jnp.full((L,), val, jnp.float32)
                return 0
            lax.fori_loop(0, CHUNK // L, fb, 0)

        fill(0.0)
        z0 = sid * DPT
        for j in range(DPT // CHUNK):
            pltpu.sync_copy(stage_v, sdeg.at[pl.ds(z0 + j * CHUNK, CHUNK)])
        plsc.subcore_barrier()
        fill(1.0)

        def hb(g, _):
            c = g * 4
            s0 = pltpu.async_copy(stage_v, sdeg.at[idx_v.at[c]], sem, add=True)
            s1 = pltpu.async_copy(stage_v, sdeg.at[idx_v.at[c + 1]], sem, add=True)
            s2 = pltpu.async_copy(stage_v, sdeg.at[idx_v.at[c + 2]], sem, add=True)
            s3 = pltpu.async_copy(stage_v, sdeg.at[idx_v.at[c + 3]], sem, add=True)
            s0.wait(); s1.wait(); s2.wait(); s3.wait()
            return 0
        lax.fori_loop(0, CPT // 4, hb, 0)

        plsc.subcore_barrier()
        pltpu.sync_copy(sdeg.at[pl.ds(z0, DPT)],
                        out_hbm.at[cid].at[pl.ds(z0, DPT)])

    def _scale_body(ptsT_ref, x_ref, h_ref, dinv_ref):
        deg = jnp.sum(ptsT_ref[...], axis=1, keepdims=True)
        dinv = lax.rsqrt(deg + 1.0)
        dinv_ref[...] = dinv
        h_ref[...] = x_ref[...] * dinv

    scale_call = pl.pallas_call(
        _scale_body,
        out_shape=(jax.ShapeDtypeStruct((N, C), jnp.float32),
                   jax.ShapeDtypeStruct((N, 1), jnp.float32)),
    )

    @functools.partial(
        pl.kernel, mesh=_mesh(),
        out_type=jax.ShapeDtypeStruct((NC, N, C), jnp.float32),
        scratch_types=[
            pltpu.VMEM((WIN, SCH), jnp.int32),
            pltpu.VMEM((WIN, SCH), jnp.int32),
            pltpu.VMEM((SCH, C), jnp.float32),
            pltpu.VMEM((SCH, C), jnp.float32),
            pltpu.VMEM((SCH, C), jnp.float32),
            pltpu.VMEM((SCH, C), jnp.float32),
            pltpu.VMEM_SHARED((NBH, C), jnp.float32),
            pltpu.SemaphoreType.DMA,
            pltpu.SemaphoreType.DMA,
            pltpu.SemaphoreType.DMA,
            pltpu.SemaphoreType.DMA,
            pltpu.SemaphoreType.DMA,
            pltpu.SemaphoreType.DMA,
            pltpu.SemaphoreType.DMA,
            pltpu.SemaphoreType.DMA,
        ],
    )
    def scat_kernel(h_hbm, col3_hbm, row3_hbm, out_hbm,
                    col_v, row_v, b0, b1, b2, b3, acc,
                    gs0, gs1, gs2, gs3, ss0, ss1, ss2, ss3):
        cid = lax.axis_index("c")
        sid = lax.axis_index("s")
        wid = sid * NC + cid
        buf = (b0, b1, b2, b3)
        gsem = (gs0, gs1, gs2, gs3)
        ssem = (ss0, ss1, ss2, ss3)

        r0 = sid * RPH
        pltpu.sync_copy(h_hbm.at[pl.ds(r0, RPH)], acc.at[pl.ds(r0, RPH)])
        if RTH:
            @pl.when(sid == 0)
            def _():
                pltpu.sync_copy(h_hbm.at[pl.ds(RPH * NS, RTH)],
                                acc.at[pl.ds(RPH * NS, RTH)])
        plsc.subcore_barrier()

        def drain(sem, k):
            pltpu.make_async_copy(h_hbm.at[pl.ds(0, SCH)], buf[k], sem).wait()

        def gath(k, lc):
            pltpu.async_copy(h_hbm.at[col_v.at[lc]], buf[k], gsem[k])

        def scat(k, lc):
            pltpu.async_copy(buf[k], acc.at[row_v.at[lc]], ssem[k], add=True)

        def mbody(m, _):
            a = m * 4
            drain(gsem[2], 2); scat(2, a + 2)
            drain(gsem[3], 3); scat(3, a + 3)
            drain(ssem[0], 0); gath(0, a + 4)
            drain(ssem[1], 1); gath(1, a + 5)
            drain(gsem[0], 0); scat(0, a + 4)
            drain(gsem[1], 1); scat(1, a + 5)
            drain(ssem[2], 2); gath(2, a + 6)
            drain(ssem[3], 3); gath(3, a + 7)
            return 0

        for w in range(CPS // WIN):
            pltpu.sync_copy(col3_hbm.at[wid].at[pl.ds(w * WIN, WIN)], col_v)
            pltpu.sync_copy(row3_hbm.at[wid].at[pl.ds(w * WIN, WIN)], row_v)
            gath(0, 0)
            gath(1, 1)
            drain(gsem[0], 0); scat(0, 0)
            drain(gsem[1], 1); scat(1, 1)
            gath(2, 2)
            gath(3, 3)
            lax.fori_loop(0, (WIN - 8) // 4 + 1, mbody, 0)
            drain(gsem[2], 2); scat(2, WIN - 2)
            drain(gsem[3], 3); scat(3, WIN - 1)
            for k in range(4):
                drain(ssem[k], k)

        plsc.subcore_barrier()
        pltpu.sync_copy(acc.at[pl.ds(r0, RPH)],
                        out_hbm.at[cid].at[pl.ds(r0, RPH)])
        if RTH:
            @pl.when(sid == 0)
            def _():
                pltpu.sync_copy(acc.at[pl.ds(RPH * NS, RTH)],
                                out_hbm.at[cid].at[pl.ds(RPH * NS, RTH)])

    def _final_body(p_ref, h_ref, dinv_ref, wt_ref, o_ref):
        a = (p_ref[0] + p_ref[1] - h_ref[...]) * dinv_ref[...]
        o_ref[...] = lax.dot_general(
            a, wt_ref[...], (((1,), (0,)), ((), ())),
            preferred_element_type=jnp.float32)

    final_call = pl.pallas_call(
        _final_body,
        out_shape=jax.ShapeDtypeStruct((N, C), jnp.float32),
    )

    return deg_kernel, scale_call, scat_kernel, final_call, E_pad, EPT

def kernel(x, edge_index, W):
    N, C = x.shape
    E = edge_index.shape[1]
    deg_kernel, scale_call, scat_kernel, final_call, E_pad, EPT = \
        _build(N, E, C)

    row = edge_index[0]
    col = edge_index[1]
    pad = E_pad - E
    if pad:
        pad_iota = jnp.arange(pad, dtype=jnp.int32)
        row = jnp.concatenate([row, N + (pad_iota % TRASH)])
        col = jnp.concatenate([col, pad_iota % TRASH])
    rowd = row.reshape(NW, EPT // CHUNK, CHUNK)
    rows = row.reshape(NW, EPT // SCH_EDGES, SCH_EDGES)
    cols = col.reshape(NW, EPT // SCH_EDGES, SCH_EDGES)

    parts = deg_kernel(rowd)
    partsT = parts.T[:N]
    h, dinv = scale_call(partsT, x)
    p = scat_kernel(h, cols, rows)
    return final_call(p, h, dinv, W.T)

# --- scband reference (transcript-rebuilt; emitter-appended) ---
"""Pipeline reference for scband-gcnconv-6390911336704 (READ-ONLY COPY).

The authoritative reference and input builder live on the scoring server;
editing this copy changes nothing except your own understanding.
"""

import jax, jax.numpy as jnp
import numpy as np

N, E, C_IN, C_OUT = 10000, 320000, 128, 128

def setup_inputs(seed: int = 0) -> dict:
    key = jax.random.key(seed)
    k1, k2, k3 = jax.random.split(key, 3)
    x = jax.random.normal(k1, (N, C_IN), dtype=jnp.float32)
    edge_index = jax.random.randint(k2, (2, E), 0, N, dtype=jnp.int32)
    # Linear(in_channels, out_channels, bias=False) weight: [out_channels, in_channels]
    W = jax.random.normal(k3, (C_OUT, C_IN), dtype=jnp.float32) * (1.0 / np.sqrt(C_IN))
    return {"x": x, "edge_index": edge_index, "W": W}

def reference(x, edge_index, W):
    n = x.shape[0]
    row = edge_index[0]  # A[row, col] = 1 per sparse_coo_tensor(indices=edge_index)
    col = edge_index[1]
    # degree(edge_index, N): count occurrences of source/row index per node
    deg = jnp.zeros((n,), dtype=x.dtype).at[row].add(1.0)
    # D_tilde = D + I (diagonal); D_tilde ** (-0.5) acts elementwise on diagonal values
    d_inv_sqrt = jnp.power(deg + 1.0, -0.5)
    # x = D_tilde^{-1/2} x
    h = x * d_inv_sqrt[:, None]
    # x = A_tilde x = (A + I) x : gather from col, scatter-add to row, plus identity
    agg = jnp.zeros_like(h).at[row].add(h[col]) + h
    # x = D_tilde^{-1/2} x
    h2 = agg * d_inv_sqrt[:, None]
    # x = x @ W.T
    return h2 @ W.T

if __name__ == "__main__":
    import jax
    _d = setup_inputs()
    print(jax.jit(kernel)(*tuple(_d.values())))

</pallas_src>

<mosaic_0001>
#map = affine_map<(d0, d1) -> (0, 0, 0)>
#map1 = affine_map<(d0, d1) -> (0, 0)>
module attributes {stable_mosaic.version = 14 : i64} {
  func.func @deg_kernel(%arg0: i32, %arg1: i32, %arg2: memref<32x80x128xi32, #tpu.memory_space<hbm>>, %arg3: memref<2x10240xf32, #tpu.memory_space<hbm>>, %arg4: memref<80x128xi32, #tpu.memory_space<vmem>>, %arg5: memref<128xf32, #tpu.memory_space<vmem>>, %arg6: memref<10240xf32, #tpu.memory_space<vmem_shared>>, %arg7: memref<!tpu.dma_semaphore, #tpu.memory_space<semaphore_mem>>) attributes {dimension_semantics = [#tpu.dimension_semantics<core_parallel>, #tpu.dimension_semantics<subcore_parallel>], iteration_bounds = array<i64: 2, 16>, scalar_prefetch = 0 : i64, scratch_operands = 4 : i64, tpu.core_type = #tpu.core_type<sc_vector_subcore>, window_params = [{transform_indices = #map}, {transform_indices = #map1}]} {
    %mul3A = arith.constant 2 : i32
    %mul3A_0 = arith.muli %arg1, %mul3A : i32
    %add3A = arith.addi %mul3A_0, %arg0 : i32
    "tpu.region"() ({
      %run_scoped3A = tpu.sem_alloc : memref<!tpu.dma_semaphore, #tpu.memory_space<semaphore_mem>>
      %dma_start3A = arith.constant 0 : i32
      %dma_start3A_34 = arith.constant 0 : i32
      %dma_start3A_35 = tpu.memref_slice %arg2[%add3A, %dma_start3A, %dma_start3A_34] : memref<32x80x128xi32, #tpu.memory_space<hbm>> -> memref<1x80x128xi32, #tpu.memory_space<hbm>>
      %dma_start3A_36 = tpu.memref_squeeze %dma_start3A_35 : memref<1x80x128xi32, #tpu.memory_space<hbm>> -> memref<80x128xi32, #tpu.memory_space<hbm>>
      %dma_start3A_37 = arith.constant 0 : i32
      %dma_start3A_38 = arith.constant 0 : i32
      %dma_start3A_39 = tpu.memref_slice %arg2[%add3A, %dma_start3A_37, %dma_start3A_38] : memref<32x80x128xi32, #tpu.memory_space<hbm>> -> memref<1x80x128xi32, #tpu.memory_space<hbm>>
      %dma_start3A_40 = tpu.memref_squeeze %dma_start3A_39 : memref<1x80x128xi32, #tpu.memory_space<hbm>> -> memref<80x128xi32, #tpu.memory_space<hbm>>
      tpu.enqueue_dma source(%dma_start3A_40 : memref<80x128xi32, #tpu.memory_space<hbm>>) target(%arg4 : memref<80x128xi32, #tpu.memory_space<vmem>>) target_semaphore(%run_scoped3A : memref<!tpu.dma_semaphore, #tpu.memory_space<semaphore_mem>>)
      %dma_wait3A = arith.constant 0 : i32
      %dma_wait3A_41 = arith.constant 0 : i32
      %dma_wait3A_42 = tpu.memref_slice %arg2[%add3A, %dma_wait3A, %dma_wait3A_41] : memref<32x80x128xi32, #tpu.memory_space<hbm>> -> memref<1x80x128xi32, #tpu.memory_space<hbm>>
      %dma_wait3A_43 = tpu.memref_squeeze %dma_wait3A_42 : memref<1x80x128xi32, #tpu.memory_space<hbm>> -> memref<80x128xi32, #tpu.memory_space<hbm>>
      %dma_wait3A_44 = arith.constant 0 : i32
      %dma_wait3A_45 = arith.constant 0 : i32
      %dma_wait3A_46 = tpu.memref_slice %arg2[%add3A, %dma_wait3A_44, %dma_wait3A_45] : memref<32x80x128xi32, #tpu.memory_space<hbm>> -> memref<1x80x128xi32, #tpu.memory_space<hbm>>
      %dma_wait3A_47 = tpu.memref_squeeze %dma_wait3A_46 : memref<1x80x128xi32, #tpu.memory_space<hbm>> -> memref<80x128xi32, #tpu.memory_space<hbm>>
      tpu.wait_dma2 semaphore(%run_scoped3A : memref<!tpu.dma_semaphore, #tpu.memory_space<semaphore_mem>>) src(%dma_wait3A_47 : memref<80x128xi32, #tpu.memory_space<hbm>>) dst(%arg4 : memref<80x128xi32, #tpu.memory_space<vmem>>)
      tpu.yield
    }) : () -> ()
    %scan3A = arith.constant 0 : i32
    %scan3A_1 = arith.constant 0 : i32
    %scan3A_2 = arith.constant 8 : i32
    %scan3A_3 = arith.addi %scan3A_1, %scan3A_2 : i32
    %scan3A_4 = arith.constant 1 : i32
    %scan3A_5 = scf.for %scan3A_34 = %scan3A_1 to %scan3A_3 step %scan3A_4 iter_args(%scan3A_35 = %scan3A) -> (i32)  : i32 {
      %broadcast_in_dim3A = arith.constant 0.000000e+00 : f32
      %broadcast_in_dim3A_36 = vector.broadcast %broadcast_in_dim3A : f32 to vector<16xf32>
      %mul3A_37 = arith.constant 16 : i32
      %mul3A_38 = arith.muli %scan3A_34, %mul3A_37 : i32
      %swap3A = arith.index_cast %mul3A_38 : i32 to index
      %swap3A_39 = tpu.vector_load %arg5[%swap3A] {strides = array<i32>} : memref<128xf32, #tpu.memory_space<vmem>>, vector<16xf32>,
      %swap3A_40 = vector.shape_cast %swap3A_39 : vector<16xf32> to vector<16xf32>
      %swap3A_41 = vector.shape_cast %broadcast_in_dim3A_36 : vector<16xf32> to vector<16xf32>
      tpu.vector_store %arg5[%swap3A], %swap3A_41 {strides = array<i32>} : memref<128xf32, #tpu.memory_space<vmem>>, vector<16xf32>,
      %scan3A_42 = arith.constant 0 : i32
      scf.yield %scan3A_42 : i32
    }
    %scan3A_6 = arith.constant 8 : i32
    %mul3A_7 = arith.constant 640 : i32
    %mul3A_8 = arith.muli %arg1, %mul3A_7 : i32
    %add3A_9 = arith.constant 0 : i32
    %add3A_10 = arith.addi %mul3A_8, %add3A_9 : i32
    "tpu.region"() ({
      %run_scoped3A = tpu.sem_alloc : memref<!tpu.dma_semaphore, #tpu.memory_space<semaphore_mem>>
      %dma_start3A = tpu.memref_slice %arg6[%add3A_10] : memref<10240xf32, #tpu.memory_space<vmem_shared>> -> memref<128xf32, #tpu.memory_space<vmem_shared>>
      %dma_start3A_34 = tpu.memref_slice %arg6[%add3A_10] : memref<10240xf32, #tpu.memory_space<vmem_shared>> -> memref<128xf32, #tpu.memory_space<vmem_shared>>
      tpu.enqueue_dma source(%arg5 : memref<128xf32, #tpu.memory_space<vmem>>) target(%dma_start3A_34 : memref<128xf32, #tpu.memory_space<vmem_shared>>) target_semaphore(%run_scoped3A : memref<!tpu.dma_semaphore, #tpu.memory_space<semaphore_mem>>)
      %dma_wait3A = tpu.memref_slice %arg6[%add3A_10] : memref<10240xf32, #tpu.memory_space<vmem_shared>> -> memref<128xf32, #tpu.memory_space<vmem_shared>>
      %dma_wait3A_35 = tpu.memref_slice %arg6[%add3A_10] : memref<10240xf32, #tpu.memory_space<vmem_shared>> -> memref<128xf32, #tpu.memory_space<vmem_shared>>
      tpu.wait_dma2 semaphore(%run_scoped3A : memref<!tpu.dma_semaphore, #tpu.memory_space<semaphore_mem>>) src(%arg5 : memref<128xf32, #tpu.memory_space<vmem>>) dst(%dma_wait3A_35 : memref<128xf32, #tpu.memory_space<vmem_shared>>)
      tpu.yield
    }) : () -> ()
    %add3A_11 = arith.constant 128 : i32
    %add3A_12 = arith.addi %mul3A_8, %add3A_11 : i32
    "tpu.region"() ({
      %run_scoped3A = tpu.sem_alloc : memref<!tpu.dma_semaphore, #tpu.memory_space<semaphore_mem>>
      %dma_start3A = tpu.memref_slice %arg6[%add3A_12] : memref<10240xf32, #tpu.memory_space<vmem_shared>> -> memref<128xf32, #tpu.memory_space<vmem_shared>>
      %dma_start3A_34 = tpu.memref_slice %arg6[%add3A_12] : memref<10240xf32, #tpu.memory_space<vmem_shared>> -> memref<128xf32, #tpu.memory_space<vmem_shared>>
      tpu.enqueue_dma source(%arg5 : memref<128xf32, #tpu.memory_space<vmem>>) target(%dma_start3A_34 : memref<128xf32, #tpu.memory_space<vmem_shared>>) target_semaphore(%run_scoped3A : memref<!tpu.dma_semaphore, #tpu.memory_space<semaphore_mem>>)
      %dma_wait3A = tpu.memref_slice %arg6[%add3A_12] : memref<10240xf32, #tpu.memory_space<vmem_shared>> -> memref<128xf32, #tpu.memory_space<vmem_shared>>
      %dma_wait3A_35 = tpu.memref_slice %arg6[%add3A_12] : memref<10240xf32, #tpu.memory_space<vmem_shared>> -> memref<128xf32, #tpu.memory_space<vmem_shared>>
      tpu.wait_dma2 semaphore(%run_scoped3A : memref<!tpu.dma_semaphore, #tpu.memory_space<semaphore_mem>>) src(%arg5 : memref<128xf32, #tpu.memory_space<vmem>>) dst(%dma_wait3A_35 : memref<128xf32, #tpu.memory_space<vmem_shared>>)
      tpu.yield
    }) : () -> ()
    %add3A_13 = arith.constant 256 : i32
    %add3A_14 = arith.addi %mul3A_8, %add3A_13 : i32
    "tpu.region"() ({
      %run_scoped3A = tpu.sem_alloc : memref<!tpu.dma_semaphore, #tpu.memory_space<semaphore_mem>>
      %dma_start3A = tpu.memref_slice %arg6[%add3A_14] : memref<10240xf32, #tpu.memory_space<vmem_shared>> -> memref<128xf32, #tpu.memory_space<vmem_shared>>
      %dma_start3A_34 = tpu.memref_slice %arg6[%add3A_14] : memref<10240xf32, #tpu.memory_space<vmem_shared>> -> memref<128xf32, #tpu.memory_space<vmem_shared>>
      tpu.enqueue_dma source(%arg5 : memref<128xf32, #tpu.memory_space<vmem>>) target(%dma_start3A_34 : memref<128xf32, #tpu.memory_space<vmem_shared>>) target_semaphore(%run_scoped3A : memref<!tpu.dma_semaphore, #tpu.memory_space<semaphore_mem>>)
      %dma_wait3A = tpu.memref_slice %arg6[%add3A_14] : memref<10240xf32, #tpu.memory_space<vmem_shared>> -> memref<128xf32, #tpu.memory_space<vmem_shared>>
      %dma_wait3A_35 = tpu.memref_slice %arg6[%add3A_14] : memref<10240xf32, #tpu.memory_space<vmem_shared>> -> memref<128xf32, #tpu.memory_space<vmem_shared>>
      tpu.wait_dma2 semaphore(%run_scoped3A : memref<!tpu.dma_semaphore, #tpu.memory_space<semaphore_mem>>) src(%arg5 : memref<128xf32, #tpu.memory_space<vmem>>) dst(%dma_wait3A_35 : memref<128xf32, #tpu.memory_space<vmem_shared>>)
      tpu.yield
    }) : () -> ()
    %add3A_15 = arith.constant 384 : i32
    %add3A_16 = arith.addi %mul3A_8, %add3A_15 : i32
    "tpu.region"() ({
      %run_scoped3A = tpu.sem_alloc : memref<!tpu.dma_semaphore, #tpu.memory_space<semaphore_mem>>
      %dma_start3A = tpu.memref_slice %arg6[%add3A_16] : memref<10240xf32, #tpu.memory_space<vmem_shared>> -> memref<128xf32, #tpu.memory_space<vmem_shared>>
      %dma_start3A_34 = tpu.memref_slice %arg6[%add3A_16] : memref<10240xf32, #tpu.memory_space<vmem_shared>> -> memref<128xf32, #tpu.memory_space<vmem_shared>>
      tpu.enqueue_dma source(%arg5 : memref<128xf32, #tpu.memory_space<vmem>>) target(%dma_start3A_34 : memref<128xf32, #tpu.memory_space<vmem_shared>>) target_semaphore(%run_scoped3A : memref<!tpu.dma_semaphore, #tpu.memory_space<semaphore_mem>>)
      %dma_wait3A = tpu.memref_slice %arg6[%add3A_16] : memref<10240xf32, #tpu.memory_space<vmem_shared>> -> memref<128xf32, #tpu.memory_space<vmem_shared>>
      %dma_wait3A_35 = tpu.memref_slice %arg6[%add3A_16] : memref<10240xf32, #tpu.memory_space<vmem_shared>> -> memref<128xf32, #tpu.memory_space<vmem_shared>>
      tpu.wait_dma2 semaphore(%run_scoped3A : memref<!tpu.dma_semaphore, #tpu.memory_space<semaphore_mem>>) src(%arg5 : memref<128xf32, #tpu.memory_space<vmem>>) dst(%dma_wait3A_35 : memref<128xf32, #tpu.memory_space<vmem_shared>>)
      tpu.yield
    }) : () -> ()
    %add3A_17 = arith.constant 512 : i32
    %add3A_18 = arith.addi %mul3A_8, %add3A_17 : i32
    "tpu.region"() ({
      %run_scoped3A = tpu.sem_alloc : memref<!tpu.dma_semaphore, #tpu.memory_space<semaphore_mem>>
      %dma_start3A = tpu.memref_slice %arg6[%add3A_18] : memref<10240xf32, #tpu.memory_space<vmem_shared>> -> memref<128xf32, #tpu.memory_space<vmem_shared>>
      %dma_start3A_34 = tpu.memref_slice %arg6[%add3A_18] : memref<10240xf32, #tpu.memory_space<vmem_shared>> -> memref<128xf32, #tpu.memory_space<vmem_shared>>
      tpu.enqueue_dma source(%arg5 : memref<128xf32, #tpu.memory_space<vmem>>) target(%dma_start3A_34 : memref<128xf32, #tpu.memory_space<vmem_shared>>) target_semaphore(%run_scoped3A : memref<!tpu.dma_semaphore, #tpu.memory_space<semaphore_mem>>)
      %dma_wait3A = tpu.memref_slice %arg6[%add3A_18] : memref<10240xf32, #tpu.memory_space<vmem_shared>> -> memref<128xf32, #tpu.memory_space<vmem_shared>>
      %dma_wait3A_35 = tpu.memref_slice %arg6[%add3A_18] : memref<10240xf32, #tpu.memory_space<vmem_shared>> -> memref<128xf32, #tpu.memory_space<vmem_shared>>
      tpu.wait_dma2 semaphore(%run_scoped3A : memref<!tpu.dma_semaphore, #tpu.memory_space<semaphore_mem>>) src(%arg5 : memref<128xf32, #tpu.memory_space<vmem>>) dst(%dma_wait3A_35 : memref<128xf32, #tpu.memory_space<vmem_shared>>)
      tpu.yield
    }) : () -> ()
    %barrier3A = arith.constant 0 : index
    tpu.barrier barrier_id(%barrier3A)
    %scan3A_19 = arith.constant 0 : i32
    %scan3A_20 = arith.constant 0 : i32
    %scan3A_21 = arith.constant 8 : i32
    %scan3A_22 = arith.addi %scan3A_20, %scan3A_21 : i32
    %scan3A_23 = arith.constant 1 : i32
    %scan3A_24 = scf.for %scan3A_34 = %scan3A_20 to %scan3A_22 step %scan3A_23 iter_args(%scan3A_35 = %scan3A_19) -> (i32)  : i32 {
      %broadcast_in_dim3A = arith.constant 1.000000e+00 : f32
      %broadcast_in_dim3A_36 = vector.broadcast %broadcast_in_dim3A : f32 to vector<16xf32>
      %mul3A_37 = arith.constant 16 : i32
      %mul3A_38 = arith.muli %scan3A_34, %mul3A_37 : i32
      %swap3A = arith.index_cast %mul3A_38 : i32 to index
      %swap3A_39 = tpu.vector_load %arg5[%swap3A] {strides = array<i32>} : memref<128xf32, #tpu.memory_space<vmem>>, vector<16xf32>,
      %swap3A_40 = vector.shape_cast %swap3A_39 : vector<16xf32> to vector<16xf32>
      %swap3A_41 = vector.shape_cast %broadcast_in_dim3A_36 : vector<16xf32> to vector<16xf32>
      tpu.vector_store %arg5[%swap3A], %swap3A_41 {strides = array<i32>} : memref<128xf32, #tpu.memory_space<vmem>>, vector<16xf32>,
      %scan3A_42 = arith.constant 0 : i32
      scf.yield %scan3A_42 : i32
    }
    %scan3A_25 = arith.constant 8 : i32
    %scan3A_26 = arith.constant 0 : i32
    %scan3A_27 = arith.constant 0 : i32
    %scan3A_28 = arith.constant 20 : i32
    %scan3A_29 = arith.addi %scan3A_27, %scan3A_28 : i32
    %scan3A_30 = arith.constant 1 : i32
    %scan3A_31 = scf.for %scan3A_34 = %scan3A_27 to %scan3A_29 step %scan3A_30 iter_args(%scan3A_35 = %scan3A_26) -> (i32)  : i32 {
      %mul3A_36 = arith.constant 4 : i32
      %mul3A_37 = arith.muli %scan3A_34, %mul3A_36 : i32
      %dma_start3A = arith.constant 0 : i32
      %dma_start3A_38 = tpu.memref_slice %arg4[%mul3A_37, %dma_start3A] : memref<80x128xi32, #tpu.memory_space<vmem>> -> memref<1x128xi32, #tpu.memory_space<vmem>>
      %dma_start3A_39 = tpu.memref_squeeze %dma_start3A_38 : memref<1x128xi32, #tpu.memory_space<vmem>> -> memref<128xi32, #tpu.memory_space<vmem>>
      %dma_start3A_40 = arith.constant 0 : i32
      %dma_start3A_41 = tpu.memref_slice %arg6[%dma_start3A_40] : memref<10240xf32, #tpu.memory_space<vmem_shared>> -> memref<10240xf32, #tpu.memory_space<vmem_shared>>
      tpu.enqueue_indirect_dma source(%arg5 : memref<128xf32, #tpu.memory_space<vmem>>) target(%dma_start3A_41 : memref<10240xf32, #tpu.memory_space<vmem_shared>>) offsets(%dma_start3A_39 : memref<128xi32, #tpu.memory_space<vmem>>) semaphore(%arg7 : memref<!tpu.dma_semaphore, #tpu.memory_space<semaphore_mem>>) {add = true}
      %add3A_42 = arith.constant 1 : i32
      %add3A_43 = arith.addi %mul3A_37, %add3A_42 : i32
      %dma_start3A_44 = arith.constant 0 : i32
      %dma_start3A_45 = tpu.memref_slice %arg4[%add3A_43, %dma_start3A_44] : memref<80x128xi32, #tpu.memory_space<vmem>> -> memref<1x128xi32, #tpu.memory_space<vmem>>
      %dma_start3A_46 = tpu.memref_squeeze %dma_start3A_45 : memref<1x128xi32, #tpu.memory_space<vmem>> -> memref<128xi32, #tpu.memory_space<vmem>>
      %dma_start3A_47 = arith.constant 0 : i32
      %dma_start3A_48 = tpu.memref_slice %arg6[%dma_start3A_47] : memref<10240xf32, #tpu.memory_space<vmem_shared>> -> memref<10240xf32, #tpu.memory_space<vmem_shared>>
      tpu.enqueue_indirect_dma source(%arg5 : memref<128xf32, #tpu.memory_space<vmem>>) target(%dma_start3A_48 : memref<10240xf32, #tpu.memory_space<vmem_shared>>) offsets(%dma_start3A_46 : memref<128xi32, #tpu.memory_space<vmem>>) semaphore(%arg7 : memref<!tpu.dma_semaphore, #tpu.memory_space<semaphore_mem>>) {add = true}
      %add3A_49 = arith.constant 2 : i32
      %add3A_50 = arith.addi %mul3A_37, %add3A_49 : i32
      %dma_start3A_51 = arith.constant 0 : i32
      %dma_start3A_52 = tpu.memref_slice %arg4[%add3A_50, %dma_start3A_51] : memref<80x128xi32, #tpu.memory_space<vmem>> -> memref<1x128xi32, #tpu.memory_space<vmem>>
      %dma_start3A_53 = tpu.memref_squeeze %dma_start3A_52 : memref<1x128xi32, #tpu.memory_space<vmem>> -> memref<128xi32, #tpu.memory_space<vmem>>
      %dma_start3A_54 = arith.constant 0 : i32
      %dma_start3A_55 = tpu.memref_slice %arg6[%dma_start3A_54] : memref<10240xf32, #tpu.memory_space<vmem_shared>> -> memref<10240xf32, #tpu.memory_space<vmem_shared>>
      tpu.enqueue_indirect_dma source(%arg5 : memref<128xf32, #tpu.memory_space<vmem>>) target(%dma_start3A_55 : memref<10240xf32, #tpu.memory_space<vmem_shared>>) offsets(%dma_start3A_53 : memref<128xi32, #tpu.memory_space<vmem>>) semaphore(%arg7 : memref<!tpu.dma_semaphore, #tpu.memory_space<semaphore_mem>>) {add = true}
      %add3A_56 = arith.constant 3 : i32
      %add3A_57 = arith.addi %mul3A_37, %add3A_56 : i32
      %dma_start3A_58 = arith.constant 0 : i32
      %dma_start3A_59 = tpu.memref_slice %arg4[%add3A_57, %dma_start3A_58] : memref<80x128xi32, #tpu.memory_space<vmem>> -> memref<1x128xi32, #tpu.memory_space<vmem>>
      %dma_start3A_60 = tpu.memref_squeeze %dma_start3A_59 : memref<1x128xi32, #tpu.memory_space<vmem>> -> memref<128xi32, #tpu.memory_space<vmem>>
      %dma_start3A_61 = arith.constant 0 : i32
      %dma_start3A_62 = tpu.memref_slice %arg6[%dma_start3A_61] : memref<10240xf32, #tpu.memory_space<vmem_shared>> -> memref<10240xf32, #tpu.memory_space<vmem_shared>>
      tpu.enqueue_indirect_dma source(%arg5 : memref<128xf32, #tpu.memory_space<vmem>>) target(%dma_start3A_62 : memref<10240xf32, #tpu.memory_space<vmem_shared>>) offsets(%dma_start3A_60 : memref<128xi32, #tpu.memory_space<vmem>>) semaphore(%arg7 : memref<!tpu.dma_semaphore, #tpu.memory_space<semaphore_mem>>) {add = true}
      %dma_wait3A = arith.constant 0 : i32
      %dma_wait3A_63 = tpu.memref_slice %arg4[%mul3A_37, %dma_wait3A] : memref<80x128xi32, #tpu.memory_space<vmem>> -> memref<1x128xi32, #tpu.memory_space<vmem>>
      %dma_wait3A_64 = tpu.memref_squeeze %dma_wait3A_63 : memref<1x128xi32, #tpu.memory_space<vmem>> -> memref<128xi32, #tpu.memory_space<vmem>>
      %dma_wait3A_65 = arith.constant 0 : i32
      %dma_wait3A_66 = tpu.memref_slice %arg6[%dma_wait3A_65] : memref<10240xf32, #tpu.memory_space<vmem_shared>> -> memref<10240xf32, #tpu.memory_space<vmem_shared>>
      tpu.wait_indirect_dma semaphore(%arg7 : memref<!tpu.dma_semaphore, #tpu.memory_space<semaphore_mem>>) src(%arg5 : memref<128xf32, #tpu.memory_space<vmem>>) dst(%dma_wait3A_66 : memref<10240xf32, #tpu.memory_space<vmem_shared>>)
      %dma_wait3A_67 = arith.constant 0 : i32
      %dma_wait3A_68 = tpu.memref_slice %arg4[%add3A_43, %dma_wait3A_67] : memref<80x128xi32, #tpu.memory_space<vmem>> -> memref<1x128xi32, #tpu.memory_space<vmem>>
      %dma_wait3A_69 = tpu.memref_squeeze %dma_wait3A_68 : memref<1x128xi32, #tpu.memory_space<vmem>> -> memref<128xi32, #tpu.memory_space<vmem>>
      %dma_wait3A_70 = arith.constant 0 : i32
      %dma_wait3A_71 = tpu.memref_slice %arg6[%dma_wait3A_70] : memref<10240xf32, #tpu.memory_space<vmem_shared>> -> memref<10240xf32, #tpu.memory_space<vmem_shared>>
      tpu.wait_indirect_dma semaphore(%arg7 : memref<!tpu.dma_semaphore, #tpu.memory_space<semaphore_mem>>) src(%arg5 : memref<128xf32, #tpu.memory_space<vmem>>) dst(%dma_wait3A_71 : memref<10240xf32, #tpu.memory_space<vmem_shared>>)
      %dma_wait3A_72 = arith.constant 0 : i32
      %dma_wait3A_73 = tpu.memref_slice %arg4[%add3A_50, %dma_wait3A_72] : memref<80x128xi32, #tpu.memory_space<vmem>> -> memref<1x128xi32, #tpu.memory_space<vmem>>
      %dma_wait3A_74 = tpu.memref_squeeze %dma_wait3A_73 : memref<1x128xi32, #tpu.memory_space<vmem>> -> memref<128xi32, #tpu.memory_space<vmem>>
      %dma_wait3A_75 = arith.constant 0 : i32
      %dma_wait3A_76 = tpu.memref_slice %arg6[%dma_wait3A_75] : memref<10240xf32, #tpu.memory_space<vmem_shared>> -> memref<10240xf32, #tpu.memory_space<vmem_shared>>
      tpu.wait_indirect_dma semaphore(%arg7 : memref<!tpu.dma_semaphore, #tpu.memory_space<semaphore_mem>>) src(%arg5 : memref<128xf32, #tpu.memory_space<vmem>>) dst(%dma_wait3A_76 : memref<10240xf32, #tpu.memory_space<vmem_shared>>)
      %dma_wait3A_77 = arith.constant 0 : i32
      %dma_wait3A_78 = tpu.memref_slice %arg4[%add3A_57, %dma_wait3A_77] : memref<80x128xi32, #tpu.memory_space<vmem>> -> memref<1x128xi32, #tpu.memory_space<vmem>>
      %dma_wait3A_79 = tpu.memref_squeeze %dma_wait3A_78 : memref<1x128xi32, #tpu.memory_space<vmem>> -> memref<128xi32, #tpu.memory_space<vmem>>
      %dma_wait3A_80 = arith.constant 0 : i32
      %dma_wait3A_81 = tpu.memref_slice %arg6[%dma_wait3A_80] : memref<10240xf32, #tpu.memory_space<vmem_shared>> -> memref<10240xf32, #tpu.memory_space<vmem_shared>>
      tpu.wait_indirect_dma semaphore(%arg7 : memref<!tpu.dma_semaphore, #tpu.memory_space<semaphore_mem>>) src(%arg5 : memref<128xf32, #tpu.memory_space<vmem>>) dst(%dma_wait3A_81 : memref<10240xf32, #tpu.memory_space<vmem_shared>>)
      %scan3A_82 = arith.constant 0 : i32
      scf.yield %scan3A_82 : i32
    }
    %scan3A_32 = arith.constant 20 : i32
    %barrier3A_33 = arith.constant 0 : index
    tpu.barrier barrier_id(%barrier3A_33)
    "tpu.region"() ({
      %run_scoped3A = tpu.sem_alloc : memref<!tpu.dma_semaphore, #tpu.memory_space<semaphore_mem>>
      %dma_start3A = arith.constant 0 : i32
      %dma_start3A_34 = tpu.memref_slice %arg3[%arg0, %dma_start3A] : memref<2x10240xf32, #tpu.memory_space<hbm>> -> memref<1x10240xf32, #tpu.memory_space<hbm>>
      %dma_start3A_35 = tpu.memref_squeeze %dma_start3A_34 : memref<1x10240xf32, #tpu.memory_space<hbm>> -> memref<10240xf32, #tpu.memory_space<hbm>>
      %dma_start3A_36 = tpu.memref_slice %dma_start3A_35[%mul3A_8] : memref<10240xf32, #tpu.memory_space<hbm>> -> memref<640xf32, #tpu.memory_space<hbm>>
      %dma_start3A_37 = tpu.memref_slice %arg6[%mul3A_8] : memref<10240xf32, #tpu.memory_space<vmem_shared>> -> memref<640xf32, #tpu.memory_space<vmem_shared>>
      tpu.enqueue_dma source(%dma_start3A_37 : memref<640xf32, #tpu.memory_space<vmem_shared>>) target(%dma_start3A_36 : memref<640xf32, #tpu.memory_space<hbm>>) target_semaphore(%run_scoped3A : memref<!tpu.dma_semaphore, #tpu.memory_space<semaphore_mem>>)
      %dma_wait3A = arith.constant 0 : i32
      %dma_wait3A_38 = tpu.memref_slice %arg3[%arg0, %dma_wait3A] : memref<2x10240xf32, #tpu.memory_space<hbm>> -> memref<1x10240xf32, #tpu.memory_space<hbm>>
      %dma_wait3A_39 = tpu.memref_squeeze %dma_wait3A_38 : memref<1x10240xf32, #tpu.memory_space<hbm>> -> memref<10240xf32, #tpu.memory_space<hbm>>
      %dma_wait3A_40 = tpu.memref_slice %dma_wait3A_39[%mul3A_8] : memref<10240xf32, #tpu.memory_space<hbm>> -> memref<640xf32, #tpu.memory_space<hbm>>
      %dma_wait3A_41 = tpu.memref_slice %arg6[%mul3A_8] : memref<10240xf32, #tpu.memory_space<vmem_shared>> -> memref<640xf32, #tpu.memory_space<vmem_shared>>
      tpu.wait_dma2 semaphore(%run_scoped3A : memref<!tpu.dma_semaphore, #tpu.memory_space<semaphore_mem>>) src(%dma_wait3A_41 : memref<640xf32, #tpu.memory_space<vmem_shared>>) dst(%dma_wait3A_40 : memref<640xf32, #tpu.memory_space<hbm>>)
      tpu.yield
    }) : () -> ()
    return
  }
}

#map = affine_map<(d0, d1) -> (0, 0)>
#map1 = affine_map<(d0, d1) -> (0, 0, 0)>
module attributes {stable_mosaic.version = 14 : i64} {
  func.func @scat_kernel(%arg0: i32, %arg1: i32, %arg2: memref<10000x128xf32, #tpu.memory_space<hbm>>, %arg3: memref<32x160x64xi32, #tpu.memory_space<hbm>>, %arg4: memref<32x160x64xi32, #tpu.memory_space<hbm>>, %arg5: memref<2x10000x128xf32, #tpu.memory_space<hbm>>, %arg6: memref<40x64xi32, #tpu.memory_space<vmem>>, %arg7: memref<40x64xi32, #tpu.memory_space<vmem>>, %arg8: memref<64x128xf32, #tpu.memory_space<vmem>>, %arg9: memref<64x128xf32, #tpu.memory_space<vmem>>, %arg10: memref<64x128xf32, #tpu.memory_space<vmem>>, %arg11: memref<64x128xf32, #tpu.memory_space<vmem>>, %arg12: memref<10016x128xf32, #tpu.memory_space<vmem_shared>>, %arg13: memref<!tpu.dma_semaphore, #tpu.memory_space<semaphore_mem>>, %arg14: memref<!tpu.dma_semaphore, #tpu.memory_space<semaphore_mem>>, %arg15: memref<!tpu.dma_semaphore, #tpu.memory_space<semaphore_mem>>, %arg16: memref<!tpu.dma_semaphore, #tpu.memory_space<semaphore_mem>>, %arg17: memref<!tpu.dma_semaphore, #tpu.memory_space<semaphore_mem>>, %arg18: memref<!tpu.dma_semaphore, #tpu.memory_space<semaphore_mem>>, %arg19: memref<!tpu.dma_semaphore, #tpu.memory_space<semaphore_mem>>, %arg20: memref<!tpu.dma_semaphore, #tpu.memory_space<semaphore_mem>>) attributes {dimension_semantics = [#tpu.dimension_semantics<core_parallel>, #tpu.dimension_semantics<subcore_parallel>], iteration_bounds = array<i64: 2, 16>, scalar_prefetch = 0 : i64, scratch_operands = 15 : i64, tpu.core_type = #tpu.core_type<sc_vector_subcore>, window_params = [{transform_indices = #map}, {transform_indices = #map1}, {transform_indices = #map1}, {transform_indices = #map1}]} {
    %mul3A = arith.constant 2 : i32
    %mul3A_0 = arith.muli %arg1, %mul3A : i32
    %add3A = arith.addi %mul3A_0, %arg0 : i32
    %mul3A_1 = arith.constant 624 : i32
    %mul3A_2 = arith.muli %arg1, %mul3A_1 : i32
    "tpu.region"() ({
      %run_scoped3A = tpu.sem_alloc : memref<!tpu.dma_semaphore, #tpu.memory_space<semaphore_mem>>
      %dma_start3A_452 = arith.constant 0 : i32
      %dma_start3A_453 = tpu.memref_slice %arg12[%mul3A_2, %dma_start3A_452] : memref<10016x128xf32, #tpu.memory_space<vmem_shared>> -> memref<624x128xf32, #tpu.memory_space<vmem_shared>>
      %dma_start3A_454 = arith.constant 0 : i32
      %dma_start3A_455 = tpu.memref_slice %arg2[%mul3A_2, %dma_start3A_454] : memref<10000x128xf32, #tpu.memory_space<hbm>> -> memref<624x128xf32, #tpu.memory_space<hbm>>
      tpu.enqueue_dma source(%dma_start3A_455 : memref<624x128xf32, #tpu.memory_space<hbm>>) target(%dma_start3A_453 : memref<624x128xf32, #tpu.memory_space<vmem_shared>>) target_semaphore(%run_scoped3A : memref<!tpu.dma_semaphore, #tpu.memory_space<semaphore_mem>>)
      %dma_wait3A_456 = arith.constant 0 : i32
      %dma_wait3A_457 = tpu.memref_slice %arg12[%mul3A_2, %dma_wait3A_456] : memref<10016x128xf32, #tpu.memory_space<vmem_shared>> -> memref<624x128xf32, #tpu.memory_space<vmem_shared>>
      %dma_wait3A_458 = arith.constant 0 : i32
      %dma_wait3A_459 = tpu.memref_slice %arg2[%mul3A_2, %dma_wait3A_458] : memref<10000x128xf32, #tpu.memory_space<hbm>> -> memref<624x128xf32, #tpu.memory_space<hbm>>
      tpu.wait_dma2 semaphore(%run_scoped3A : memref<!tpu.dma_semaphore, #tpu.memory_space<semaphore_mem>>) src(%dma_wait3A_459 : memref<624x128xf32, #tpu.memory_space<hbm>>) dst(%dma_wait3A_457 : memref<624x128xf32, #tpu.memory_space<vmem_shared>>)
      tpu.yield
    }) : () -> ()
    %eq3A = arith.constant 0 : i32
    %eq3A_3 = arith.cmpi eq, %arg1, %eq3A : i32
    %convert_element_type3A = arith.extui %eq3A_3 : i1 to i32
    %cond3A = arith.constant 0 : i32
    %cond3A_4 = arith.cmpi ne, %convert_element_type3A, %cond3A : i32
    scf.if %cond3A_4 {
      "tpu.region"() ({
        %run_scoped3A = tpu.sem_alloc : memref<!tpu.dma_semaphore, #tpu.memory_space<semaphore_mem>>
        %dma_start3A_452 = arith.constant 9984 : i32
        %dma_start3A_453 = arith.constant 0 : i32
        %dma_start3A_454 = tpu.memref_slice %arg12[%dma_start3A_452, %dma_start3A_453] : memref<10016x128xf32, #tpu.memory_space<vmem_shared>> -> memref<16x128xf32, #tpu.memory_space<vmem_shared>>
        %dma_start3A_455 = arith.constant 9984 : i32
        %dma_start3A_456 = arith.constant 0 : i32
        %dma_start3A_457 = tpu.memref_slice %arg2[%dma_start3A_455, %dma_start3A_456] : memref<10000x128xf32, #tpu.memory_space<hbm>> -> memref<16x128xf32, #tpu.memory_space<hbm>>
        tpu.enqueue_dma source(%dma_start3A_457 : memref<16x128xf32, #tpu.memory_space<hbm>>) target(%dma_start3A_454 : memref<16x128xf32, #tpu.memory_space<vmem_shared>>) target_semaphore(%run_scoped3A : memref<!tpu.dma_semaphore, #tpu.memory_space<semaphore_mem>>)
        %dma_wait3A_458 = arith.constant 9984 : i32
        %dma_wait3A_459 = arith.constant 0 : i32
        %dma_wait3A_460 = tpu.memref_slice %arg12[%dma_wait3A_458, %dma_wait3A_459] : memref<10016x128xf32, #tpu.memory_space<vmem_shared>> -> memref<16x128xf32, #tpu.memory_space<vmem_shared>>
        %dma_wait3A_461 = arith.constant 9984 : i32
        %dma_wait3A_462 = arith.constant 0 : i32
        %dma_wait3A_463 = tpu.memref_slice %arg2[%dma_wait3A_461, %dma_wait3A_462] : memref<10000x128xf32, #tpu.memory_space<hbm>> -> memref<16x128xf32, #tpu.memory_space<hbm>>
        tpu.wait_dma2 semaphore(%run_scoped3A : memref<!tpu.dma_semaphore, #tpu.memory_space<semaphore_mem>>) src(%dma_wait3A_463 : memref<16x128xf32, #tpu.memory_space<hbm>>) dst(%dma_wait3A_460 : memref<16x128xf32, #tpu.memory_space<vmem_shared>>)
        tpu.yield
      }) : () -> ()
    } else {
    }
    %barrier3A = arith.constant 0 : index
    tpu.barrier barrier_id(%barrier3A)
    "tpu.region"() ({
      %run_scoped3A = tpu.sem_alloc : memref<!tpu.dma_semaphore, #tpu.memory_space<semaphore_mem>>
      %dma_start3A_452 = arith.constant 0 : i32
      %dma_start3A_453 = arith.constant 0 : i32
      %dma_start3A_454 = tpu.memref_slice %arg3[%add3A, %dma_start3A_452, %dma_start3A_453] : memref<32x160x64xi32, #tpu.memory_space<hbm>> -> memref<1x160x64xi32, #tpu.memory_space<hbm>>
      %dma_start3A_455 = tpu.memref_squeeze %dma_start3A_454 : memref<1x160x64xi32, #tpu.memory_space<hbm>> -> memref<160x64xi32, #tpu.memory_space<hbm>>
      %dma_start3A_456 = arith.constant 0 : i32
      %dma_start3A_457 = arith.constant 0 : i32
      %dma_start3A_458 = tpu.memref_slice %dma_start3A_455[%dma_start3A_456, %dma_start3A_457] : memref<160x64xi32, #tpu.memory_space<hbm>> -> memref<40x64xi32, #tpu.memory_space<hbm>>
      %dma_start3A_459 = arith.constant 0 : i32
      %dma_start3A_460 = arith.constant 0 : i32
      %dma_start3A_461 = tpu.memref_slice %arg3[%add3A, %dma_start3A_459, %dma_start3A_460] : memref<32x160x64xi32, #tpu.memory_space<hbm>> -> memref<1x160x64xi32, #tpu.memory_space<hbm>>
      %dma_start3A_462 = tpu.memref_squeeze %dma_start3A_461 : memref<1x160x64xi32, #tpu.memory_space<hbm>> -> memref<160x64xi32, #tpu.memory_space<hbm>>
      %dma_start3A_463 = arith.constant 0 : i32
      %dma_start3A_464 = arith.constant 0 : i32
      %dma_start3A_465 = tpu.memref_slice %dma_start3A_462[%dma_start3A_463, %dma_start3A_464] : memref<160x64xi32, #tpu.memory_space<hbm>> -> memref<40x64xi32, #tpu.memory_space<hbm>>
      tpu.enqueue_dma source(%dma_start3A_465 : memref<40x64xi32, #tpu.memory_space<hbm>>) target(%arg6 : memref<40x64xi32, #tpu.memory_space<vmem>>) target_semaphore(%run_scoped3A : memref<!tpu.dma_semaphore, #tpu.memory_space<semaphore_mem>>)
      %dma_wait3A_466 = arith.constant 0 : i32
      %dma_wait3A_467 = arith.constant 0 : i32
      %dma_wait3A_468 = tpu.memref_slice %arg3[%add3A, %dma_wait3A_466, %dma_wait3A_467] : memref<32x160x64xi32, #tpu.memory_space<hbm>> -> memref<1x160x64xi32, #tpu.memory_space<hbm>>
      %dma_wait3A_469 = tpu.memref_squeeze %dma_wait3A_468 : memref<1x160x64xi32, #tpu.memory_space<hbm>> -> memref<160x64xi32, #tpu.memory_space<hbm>>
      %dma_wait3A_470 = arith.constant 0 : i32
      %dma_wait3A_471 = arith.constant 0 : i32
      %dma_wait3A_472 = tpu.memref_slice %dma_wait3A_469[%dma_wait3A_470, %dma_wait3A_471] : memref<160x64xi32, #tpu.memory_space<hbm>> -> memref<40x64xi32, #tpu.memory_space<hbm>>
      %dma_wait3A_473 = arith.constant 0 : i32
      %dma_wait3A_474 = arith.constant 0 : i32
      %dma_wait3A_475 = tpu.memref_slice %arg3[%add3A, %dma_wait3A_473, %dma_wait3A_474] : memref<32x160x64xi32, #tpu.memory_space<hbm>> -> memref<1x160x64xi32, #tpu.memory_space<hbm>>
      %dma_wait3A_476 = tpu.memref_squeeze %dma_wait3A_475 : memref<1x160x64xi32, #tpu.memory_space<hbm>> -> memref<160x64xi32, #tpu.memory_space<hbm>>
      %dma_wait3A_477 = arith.constant 0 : i32
      %dma_wait3A_478 = arith.constant 0 : i32
      %dma_wait3A_479 = tpu.memref_slice %dma_wait3A_476[%dma_wait3A_477, %dma_wait3A_478] : memref<160x64xi32, #tpu.memory_space<hbm>> -> memref<40x64xi32, #tpu.memory_space<hbm>>
      tpu.wait_dma2 semaphore(%run_scoped3A : memref<!tpu.dma_semaphore, #tpu.memory_space<semaphore_mem>>) src(%dma_wait3A_479 : memref<40x64xi32, #tpu.memory_space<hbm>>) dst(%arg6 : memref<40x64xi32, #tpu.memory_space<vmem>>)
      tpu.yield
    }) : () -> ()
    "tpu.region"() ({
      %run_scoped3A = tpu.sem_alloc : memref<!tpu.dma_semaphore, #tpu.memory_space<semaphore_mem>>
      %dma_start3A_452 = arith.constant 0 : i32
      %dma_start3A_453 = arith.constant 0 : i32
      %dma_start3A_454 = tpu.memref_slice %arg4[%add3A, %dma_start3A_452, %dma_start3A_453] : memref<32x160x64xi32, #tpu.memory_space<hbm>> -> memref<1x160x64xi32, #tpu.memory_space<hbm>>
      %dma_start3A_455 = tpu.memref_squeeze %dma_start3A_454 : memref<1x160x64xi32, #tpu.memory_space<hbm>> -> memref<160x64xi32, #tpu.memory_space<hbm>>
      %dma_start3A_456 = arith.constant 0 : i32
      %dma_start3A_457 = arith.constant 0 : i32
      %dma_start3A_458 = tpu.memref_slice %dma_start3A_455[%dma_start3A_456, %dma_start3A_457] : memref<160x64xi32, #tpu.memory_space<hbm>> -> memref<40x64xi32, #tpu.memory_space<hbm>>
      %dma_start3A_459 = arith.constant 0 : i32
      %dma_start3A_460 = arith.constant 0 : i32
      %dma_start3A_461 = tpu.memref_slice %arg4[%add3A, %dma_start3A_459, %dma_start3A_460] : memref<32x160x64xi32, #tpu.memory_space<hbm>> -> memref<1x160x64xi32, #tpu.memory_space<hbm>>
      %dma_start3A_462 = tpu.memref_squeeze %dma_start3A_461 : memref<1x160x64xi32, #tpu.memory_space<hbm>> -> memref<160x64xi32, #tpu.memory_space<hbm>>
      %dma_start3A_463 = arith.constant 0 : i32
      %dma_start3A_464 = arith.constant 0 : i32
      %dma_start3A_465 = tpu.memref_slice %dma_start3A_462[%dma_start3A_463, %dma_start3A_464] : memref<160x64xi32, #tpu.memory_space<hbm>> -> memref<40x64xi32, #tpu.memory_space<hbm>>
      tpu.enqueue_dma source(%dma_start3A_465 : memref<40x64xi32, #tpu.memory_space<hbm>>) target(%arg7 : memref<40x64xi32, #tpu.memory_space<vmem>>) target_semaphore(%run_scoped3A : memref<!tpu.dma_semaphore, #tpu.memory_space<semaphore_mem>>)
      %dma_wait3A_466 = arith.constant 0 : i32
      %dma_wait3A_467 = arith.constant 0 : i32
      %dma_wait3A_468 = tpu.memref_slice %arg4[%add3A, %dma_wait3A_466, %dma_wait3A_467] : memref<32x160x64xi32, #tpu.memory_space<hbm>> -> memref<1x160x64xi32, #tpu.memory_space<hbm>>
      %dma_wait3A_469 = tpu.memref_squeeze %dma_wait3A_468 : memref<1x160x64xi32, #tpu.memory_space<hbm>> -> memref<160x64xi32, #tpu.memory_space<hbm>>
      %dma_wait3A_470 = arith.constant 0 : i32
      %dma_wait3A_471 = arith.constant 0 : i32
      %dma_wait3A_472 = tpu.memref_slice %dma_wait3A_469[%dma_wait3A_470, %dma_wait3A_471] : memref<160x64xi32, #tpu.memory_space<hbm>> -> memref<40x64xi32, #tpu.memory_space<hbm>>
      %dma_wait3A_473 = arith.constant 0 : i32
      %dma_wait3A_474 = arith.constant 0 : i32
      %dma_wait3A_475 = tpu.memref_slice %arg4[%add3A, %dma_wait3A_473, %dma_wait3A_474] : memref<32x160x64xi32, #tpu.memory_space<hbm>> -> memref<1x160x64xi32, #tpu.memory_space<hbm>>
      %dma_wait3A_476 = tpu.memref_squeeze %dma_wait3A_475 : memref<1x160x64xi32, #tpu.memory_space<hbm>> -> memref<160x64xi32, #tpu.memory_space<hbm>>
      %dma_wait3A_477 = arith.constant 0 : i32
      %dma_wait3A_478 = arith.constant 0 : i32
      %dma_wait3A_479 = tpu.memref_slice %dma_wait3A_476[%dma_wait3A_477, %dma_wait3A_478] : memref<160x64xi32, #tpu.memory_space<hbm>> -> memref<40x64xi32, #tpu.memory_space<hbm>>
      tpu.wait_dma2 semaphore(%run_scoped3A : memref<!tpu.dma_semaphore, #tpu.memory_space<semaphore_mem>>) src(%dma_wait3A_479 : memref<40x64xi32, #tpu.memory_space<hbm>>) dst(%arg7 : memref<40x64xi32, #tpu.memory_space<vmem>>)
      tpu.yield
    }) : () -> ()
    %dma_start3A = arith.constant 0 : i32
    %dma_start3A_5 = arith.constant 0 : i32
    %dma_start3A_6 = tpu.memref_slice %arg6[%dma_start3A, %dma_start3A_5] : memref<40x64xi32, #tpu.memory_space<vmem>> -> memref<1x64xi32, #tpu.memory_space<vmem>>
    %dma_start3A_7 = tpu.memref_squeeze %dma_start3A_6 : memref<1x64xi32, #tpu.memory_space<vmem>> -> memref<64xi32, #tpu.memory_space<vmem>>
    %dma_start3A_8 = arith.constant 0 : i32
    %dma_start3A_9 = arith.constant 0 : i32
    %dma_start3A_10 = tpu.memref_slice %arg2[%dma_start3A_8, %dma_start3A_9] : memref<10000x128xf32, #tpu.memory_space<hbm>> -> memref<10000x128xf32, #tpu.memory_space<hbm>>
    tpu.enqueue_indirect_dma source(%dma_start3A_10 : memref<10000x128xf32, #tpu.memory_space<hbm>>) target(%arg8 : memref<64x128xf32, #tpu.memory_space<vmem>>) offsets(%dma_start3A_7 : memref<64xi32, #tpu.memory_space<vmem>>) semaphore(%arg13 : memref<!tpu.dma_semaphore, #tpu.memory_space<semaphore_mem>>)
    %dma_start3A_11 = arith.constant 1 : i32
    %dma_start3A_12 = arith.constant 0 : i32
    %dma_start3A_13 = tpu.memref_slice %arg6[%dma_start3A_11, %dma_start3A_12] : memref<40x64xi32, #tpu.memory_space<vmem>> -> memref<1x64xi32, #tpu.memory_space<vmem>>
    %dma_start3A_14 = tpu.memref_squeeze %dma_start3A_13 : memref<1x64xi32, #tpu.memory_space<vmem>> -> memref<64xi32, #tpu.memory_space<vmem>>
    %dma_start3A_15 = arith.constant 0 : i32
    %dma_start3A_16 = arith.constant 0 : i32
    %dma_start3A_17 = tpu.memref_slice %arg2[%dma_start3A_15, %dma_start3A_16] : memref<10000x128xf32, #tpu.memory_space<hbm>> -> memref<10000x128xf32, #tpu.memory_space<hbm>>
    tpu.enqueue_indirect_dma source(%dma_start3A_17 : memref<10000x128xf32, #tpu.memory_space<hbm>>) target(%arg9 : memref<64x128xf32, #tpu.memory_space<vmem>>) offsets(%dma_start3A_14 : memref<64xi32, #tpu.memory_space<vmem>>) semaphore(%arg14 : memref<!tpu.dma_semaphore, #tpu.memory_space<semaphore_mem>>)
    %dma_wait3A = arith.constant 0 : i32
    %dma_wait3A_18 = arith.constant 0 : i32
    %dma_wait3A_19 = tpu.memref_slice %arg2[%dma_wait3A, %dma_wait3A_18] : memref<10000x128xf32, #tpu.memory_space<hbm>> -> memref<64x128xf32, #tpu.memory_space<hbm>>
    %dma_wait3A_20 = arith.constant 0 : i32
    %dma_wait3A_21 = arith.constant 0 : i32
    %dma_wait3A_22 = tpu.memref_slice %arg2[%dma_wait3A_20, %dma_wait3A_21] : memref<10000x128xf32, #tpu.memory_space<hbm>> -> memref<64x128xf32, #tpu.memory_space<hbm>>
    tpu.wait_dma2 semaphore(%arg13 : memref<!tpu.dma_semaphore, #tpu.memory_space<semaphore_mem>>) src(%dma_wait3A_22 : memref<64x128xf32, #tpu.memory_space<hbm>>) dst(%arg8 : memref<64x128xf32, #tpu.memory_space<vmem>>)
    %dma_start3A_23 = arith.constant 0 : i32
    %dma_start3A_24 = arith.constant 0 : i32
    %dma_start3A_25 = tpu.memref_slice %arg7[%dma_start3A_23, %dma_start3A_24] : memref<40x64xi32, #tpu.memory_space<vmem>> -> memref<1x64xi32, #tpu.memory_space<vmem>>
    %dma_start3A_26 = tpu.memref_squeeze %dma_start3A_25 : memref<1x64xi32, #tpu.memory_space<vmem>> -> memref<64xi32, #tpu.memory_space<vmem>>
    %dma_start3A_27 = arith.constant 0 : i32
    %dma_start3A_28 = arith.constant 0 : i32
    %dma_start3A_29 = tpu.memref_slice %arg12[%dma_start3A_27, %dma_start3A_28] : memref<10016x128xf32, #tpu.memory_space<vmem_shared>> -> memref<10016x128xf32, #tpu.memory_space<vmem_shared>>
    tpu.enqueue_indirect_dma source(%arg8 : memref<64x128xf32, #tpu.memory_space<vmem>>) target(%dma_start3A_29 : memref<10016x128xf32, #tpu.memory_space<vmem_shared>>) offsets(%dma_start3A_26 : memref<64xi32, #tpu.memory_space<vmem>>) semaphore(%arg17 : memref<!tpu.dma_semaphore, #tpu.memory_space<semaphore_mem>>) {add = true}
    %dma_wait3A_30 = arith.constant 0 : i32
    %dma_wait3A_31 = arith.constant 0 : i32
    %dma_wait3A_32 = tpu.memref_slice %arg2[%dma_wait3A_30, %dma_wait3A_31] : memref<10000x128xf32, #tpu.memory_space<hbm>> -> memref<64x128xf32, #tpu.memory_space<hbm>>
    %dma_wait3A_33 = arith.constant 0 : i32
    %dma_wait3A_34 = arith.constant 0 : i32
    %dma_wait3A_35 = tpu.memref_slice %arg2[%dma_wait3A_33, %dma_wait3A_34] : memref<10000x128xf32, #tpu.memory_space<hbm>> -> memref<64x128xf32, #tpu.memory_space<hbm>>
    tpu.wait_dma2 semaphore(%arg14 : memref<!tpu.dma_semaphore, #tpu.memory_space<semaphore_mem>>) src(%dma_wait3A_35 : memref<64x128xf32, #tpu.memory_space<hbm>>) dst(%arg9 : memref<64x128xf32, #tpu.memory_space<vmem>>)
    %dma_start3A_36 = arith.constant 1 : i32
    %dma_start3A_37 = arith.constant 0 : i32
    %dma_start3A_38 = tpu.memref_slice %arg7[%dma_start3A_36, %dma_start3A_37] : memref<40x64xi32, #tpu.memory_space<vmem>> -> memref<1x64xi32, #tpu.memory_space<vmem>>
    %dma_start3A_39 = tpu.memref_squeeze %dma_start3A_38 : memref<1x64xi32, #tpu.memory_space<vmem>> -> memref<64xi32, #tpu.memory_space<vmem>>
    %dma_start3A_40 = arith.constant 0 : i32
    %dma_start3A_41 = arith.constant 0 : i32
    %dma_start3A_42 = tpu.memref_slice %arg12[%dma_start3A_40, %dma_start3A_41] : memref<10016x128xf32, #tpu.memory_space<vmem_shared>> -> memref<10016x128xf32, #tpu.memory_space<vmem_shared>>
    tpu.enqueue_indirect_dma source(%arg9 : memref<64x128xf32, #tpu.memory_space<vmem>>) target(%dma_start3A_42 : memref<10016x128xf32, #tpu.memory_space<vmem_shared>>) offsets(%dma_start3A_39 : memref<64xi32, #tpu.memory_space<vmem>>) semaphore(%arg18 : memref<!tpu.dma_semaphore, #tpu.memory_space<semaphore_mem>>) {add = true}
    %dma_start3A_43 = arith.constant 2 : i32
    %dma_start3A_44 = arith.constant 0 : i32
    %dma_start3A_45 = tpu.memref_slice %arg6[%dma_start3A_43, %dma_start3A_44] : memref<40x64xi32, #tpu.memory_space<vmem>> -> memref<1x64xi32, #tpu.memory_space<vmem>>
    %dma_start3A_46 = tpu.memref_squeeze %dma_start3A_45 : memref<1x64xi32, #tpu.memory_space<vmem>> -> memref<64xi32, #tpu.memory_space<vmem>>
    %dma_start3A_47 = arith.constant 0 : i32
    %dma_start3A_48 = arith.constant 0 : i32
    %dma_start3A_49 = tpu.memref_slice %arg2[%dma_start3A_47, %dma_start3A_48] : memref<10000x128xf32, #tpu.memory_space<hbm>> -> memref<10000x128xf32, #tpu.memory_space<hbm>>
    tpu.enqueue_indirect_dma source(%dma_start3A_49 : memref<10000x128xf32, #tpu.memory_space<hbm>>) target(%arg10 : memref<64x128xf32, #tpu.memory_space<vmem>>) offsets(%dma_start3A_46 : memref<64xi32, #tpu.memory_space<vmem>>) semaphore(%arg15 : memref<!tpu.dma_semaphore, #tpu.memory_space<semaphore_mem>>)
    %dma_start3A_50 = arith.constant 3 : i32
    %dma_start3A_51 = arith.constant 0 : i32
    %dma_start3A_52 = tpu.memref_slice %arg6[%dma_start3A_50, %dma_start3A_51] : memref<40x64xi32, #tpu.memory_space<vmem>> -> memref<1x64xi32, #tpu.memory_space<vmem>>
    %dma_start3A_53 = tpu.memref_squeeze %dma_start3A_52 : memref<1x64xi32, #tpu.memory_space<vmem>> -> memref<64xi32, #tpu.memory_space<vmem>>
    %dma_start3A_54 = arith.constant 0 : i32
    %dma_start3A_55 = arith.constant 0 : i32
    %dma_start3A_56 = tpu.memref_slice %arg2[%dma_start3A_54, %dma_start3A_55] : memref<10000x128xf32, #tpu.memory_space<hbm>> -> memref<10000x128xf32, #tpu.memory_space<hbm>>
    tpu.enqueue_indirect_dma source(%dma_start3A_56 : memref<10000x128xf32, #tpu.memory_space<hbm>>) target(%arg11 : memref<64x128xf32, #tpu.memory_space<vmem>>) offsets(%dma_start3A_53 : memref<64xi32, #tpu.memory_space<vmem>>) semaphore(%arg16 : memref<!tpu.dma_semaphore, #tpu.memory_space<semaphore_mem>>)
    %scan3A = arith.constant 0 : i32
    %scan3A_57 = arith.constant 0 : i32
    %scan3A_58 = arith.constant 9 : i32
    %scan3A_59 = arith.addi %scan3A_57, %scan3A_58 : i32
    %scan3A_60 = arith.constant 1 : i32
    %scan3A_61 = scf.for %scan3A_452 = %scan3A_57 to %scan3A_59 step %scan3A_60 iter_args(%scan3A_453 = %scan3A) -> (i32)  : i32 {
      %mul3A_454 = arith.constant 4 : i32
      %mul3A_455 = arith.muli %scan3A_452, %mul3A_454 : i32
      %dma_wait3A_456 = arith.constant 0 : i32
      %dma_wait3A_457 = arith.constant 0 : i32
      %dma_wait3A_458 = tpu.memref_slice %arg2[%dma_wait3A_456, %dma_wait3A_457] : memref<10000x128xf32, #tpu.memory_space<hbm>> -> memref<64x128xf32, #tpu.memory_space<hbm>>
      %dma_wait3A_459 = arith.constant 0 : i32
      %dma_wait3A_460 = arith.constant 0 : i32
      %dma_wait3A_461 = tpu.memref_slice %arg2[%dma_wait3A_459, %dma_wait3A_460] : memref<10000x128xf32, #tpu.memory_space<hbm>> -> memref<64x128xf32, #tpu.memory_space<hbm>>
      tpu.wait_dma2 semaphore(%arg15 : memref<!tpu.dma_semaphore, #tpu.memory_space<semaphore_mem>>) src(%dma_wait3A_461 : memref<64x128xf32, #tpu.memory_space<hbm>>) dst(%arg10 : memref<64x128xf32, #tpu.memory_space<vmem>>)
      %add3A_462 = arith.constant 2 : i32
      %add3A_463 = arith.addi %mul3A_455, %add3A_462 : i32
      %dma_start3A_464 = arith.constant 0 : i32
      %dma_start3A_465 = tpu.memref_slice %arg7[%add3A_463, %dma_start3A_464] : memref<40x64xi32, #tpu.memory_space<vmem>> -> memref<1x64xi32, #tpu.memory_space<vmem>>
      %dma_start3A_466 = tpu.memref_squeeze %dma_start3A_465 : memref<1x64xi32, #tpu.memory_space<vmem>> -> memref<64xi32, #tpu.memory_space<vmem>>
      %dma_start3A_467 = arith.constant 0 : i32
      %dma_start3A_468 = arith.constant 0 : i32
      %dma_start3A_469 = tpu.memref_slice %arg12[%dma_start3A_467, %dma_start3A_468] : memref<10016x128xf32, #tpu.memory_space<vmem_shared>> -> memref<10016x128xf32, #tpu.memory_space<vmem_shared>>
      tpu.enqueue_indirect_dma source(%arg10 : memref<64x128xf32, #tpu.memory_space<vmem>>) target(%dma_start3A_469 : memref<10016x128xf32, #tpu.memory_space<vmem_shared>>) offsets(%dma_start3A_466 : memref<64xi32, #tpu.memory_space<vmem>>) semaphore(%arg19 : memref<!tpu.dma_semaphore, #tpu.memory_space<semaphore_mem>>) {add = true}
      %dma_wait3A_470 = arith.constant 0 : i32
      %dma_wait3A_471 = arith.constant 0 : i32
      %dma_wait3A_472 = tpu.memref_slice %arg2[%dma_wait3A_470, %dma_wait3A_471] : memref<10000x128xf32, #tpu.memory_space<hbm>> -> memref<64x128xf32, #tpu.memory_space<hbm>>
      %dma_wait3A_473 = arith.constant 0 : i32
      %dma_wait3A_474 = arith.constant 0 : i32
      %dma_wait3A_475 = tpu.memref_slice %arg2[%dma_wait3A_473, %dma_wait3A_474] : memref<10000x128xf32, #tpu.memory_space<hbm>> -> memref<64x128xf32, #tpu.memory_space<hbm>>
      tpu.wait_dma2 semaphore(%arg16 : memref<!tpu.dma_semaphore, #tpu.memory_space<semaphore_mem>>) src(%dma_wait3A_475 : memref<64x128xf32, #tpu.memory_space<hbm>>) dst(%arg11 : memref<64x128xf32, #tpu.memory_space<vmem>>)
      %add3A_476 = arith.constant 3 : i32
      %add3A_477 = arith.addi %mul3A_455, %add3A_476 : i32
      %dma_start3A_478 = arith.constant 0 : i32
      %dma_start3A_479 = tpu.memref_slice %arg7[%add3A_477, %dma_start3A_478] : memref<40x64xi32, #tpu.memory_space<vmem>> -> memref<1x64xi32, #tpu.memory_space<vmem>>
      %dma_start3A_480 = tpu.memref_squeeze %dma_start3A_479 : memref<1x64xi32, #tpu.memory_space<vmem>> -> memref<64xi32, #tpu.memory_space<vmem>>
      %dma_start3A_481 = arith.constant 0 : i32
      %dma_start3A_482 = arith.constant 0 : i32
      %dma_start3A_483 = tpu.memref_slice %arg12[%dma_start3A_481, %dma_start3A_482] : memref<10016x128xf32, #tpu.memory_space<vmem_shared>> -> memref<10016x128xf32, #tpu.memory_space<vmem_shared>>
      tpu.enqueue_indirect_dma source(%arg11 : memref<64x128xf32, #tpu.memory_space<vmem>>) target(%dma_start3A_483 : memref<10016x128xf32, #tpu.memory_space<vmem_shared>>) offsets(%dma_start3A_480 : memref<64xi32, #tpu.memory_space<vmem>>) semaphore(%arg20 : memref<!tpu.dma_semaphore, #tpu.memory_space<semaphore_mem>>) {add = true}
      %dma_wait3A_484 = arith.constant 0 : i32
      %dma_wait3A_485 = arith.constant 0 : i32
      %dma_wait3A_486 = tpu.memref_slice %arg2[%dma_wait3A_484, %dma_wait3A_485] : memref<10000x128xf32, #tpu.memory_space<hbm>> -> memref<64x128xf32, #tpu.memory_space<hbm>>
      %dma_wait3A_487 = arith.constant 0 : i32
      %dma_wait3A_488 = arith.constant 0 : i32
      %dma_wait3A_489 = tpu.memref_slice %arg2[%dma_wait3A_487, %dma_wait3A_488] : memref<10000x128xf32, #tpu.memory_space<hbm>> -> memref<64x128xf32, #tpu.memory_space<hbm>>
      tpu.wait_dma2 semaphore(%arg17 : memref<!tpu.dma_semaphore, #tpu.memory_space<semaphore_mem>>) src(%dma_wait3A_489 : memref<64x128xf32, #tpu.memory_space<hbm>>) dst(%arg8 : memref<64x128xf32, #tpu.memory_space<vmem>>)
      %add3A_490 = arith.constant 4 : i32
      %add3A_491 = arith.addi %mul3A_455, %add3A_490 : i32
      %dma_start3A_492 = arith.constant 0 : i32
      %dma_start3A_493 = tpu.memref_slice %arg6[%add3A_491, %dma_start3A_492] : memref<40x64xi32, #tpu.memory_space<vmem>> -> memref<1x64xi32, #tpu.memory_space<vmem>>
      %dma_start3A_494 = tpu.memref_squeeze %dma_start3A_493 : memref<1x64xi32, #tpu.memory_space<vmem>> -> memref<64xi32, #tpu.memory_space<vmem>>
      %dma_start3A_495 = arith.constant 0 : i32
      %dma_start3A_496 = arith.constant 0 : i32
      %dma_start3A_497 = tpu.memref_slice %arg2[%dma_start3A_495, %dma_start3A_496] : memref<10000x128xf32, #tpu.memory_space<hbm>> -> memref<10000x128xf32, #tpu.memory_space<hbm>>
      tpu.enqueue_indirect_dma source(%dma_start3A_497 : memref<10000x128xf32, #tpu.memory_space<hbm>>) target(%arg8 : memref<64x128xf32, #tpu.memory_space<vmem>>) offsets(%dma_start3A_494 : memref<64xi32, #tpu.memory_space<vmem>>) semaphore(%arg13 : memref<!tpu.dma_semaphore, #tpu.memory_space<semaphore_mem>>)
      %dma_wait3A_498 = arith.constant 0 : i32
      %dma_wait3A_499 = arith.constant 0 : i32
      %dma_wait3A_500 = tpu.memref_slice %arg2[%dma_wait3A_498, %dma_wait3A_499] : memref<10000x128xf32, #tpu.memory_space<hbm>> -> memref<64x128xf32, #tpu.memory_space<hbm>>
      %dma_wait3A_501 = arith.constant 0 : i32
      %dma_wait3A_502 = arith.constant 0 : i32
      %dma_wait3A_503 = tpu.memref_slice %arg2[%dma_wait3A_501, %dma_wait3A_502] : memref<10000x128xf32, #tpu.memory_space<hbm>> -> memref<64x128xf32, #tpu.memory_space<hbm>>
      tpu.wait_dma2 semaphore(%arg18 : memref<!tpu.dma_semaphore, #tpu.memory_space<semaphore_mem>>) src(%dma_wait3A_503 : memref<64x128xf32, #tpu.memory_space<hbm>>) dst(%arg9 : memref<64x128xf32, #tpu.memory_space<vmem>>)
      %add3A_504 = arith.constant 5 : i32
      %add3A_505 = arith.addi %mul3A_455, %add3A_504 : i32
      %dma_start3A_506 = arith.constant 0 : i32
      %dma_start3A_507 = tpu.memref_slice %arg6[%add3A_505, %dma_start3A_506] : memref<40x64xi32, #tpu.memory_space<vmem>> -> memref<1x64xi32, #tpu.memory_space<vmem>>
      %dma_start3A_508 = tpu.memref_squeeze %dma_start3A_507 : memref<1x64xi32, #tpu.memory_space<vmem>> -> memref<64xi32, #tpu.memory_space<vmem>>
      %dma_start3A_509 = arith.constant 0 : i32
      %dma_start3A_510 = arith.constant 0 : i32
      %dma_start3A_511 = tpu.memref_slice %arg2[%dma_start3A_509, %dma_start3A_510] : memref<10000x128xf32, #tpu.memory_space<hbm>> -> memref<10000x128xf32, #tpu.memory_space<hbm>>
      tpu.enqueue_indirect_dma source(%dma_start3A_511 : memref<10000x128xf32, #tpu.memory_space<hbm>>) target(%arg9 : memref<64x128xf32, #tpu.memory_space<vmem>>) offsets(%dma_start3A_508 : memref<64xi32, #tpu.memory_space<vmem>>) semaphore(%arg14 : memref<!tpu.dma_semaphore, #tpu.memory_space<semaphore_mem>>)
      %dma_wait3A_512 = arith.constant 0 : i32
      %dma_wait3A_513 = arith.constant 0 : i32
      %dma_wait3A_514 = tpu.memref_slice %arg2[%dma_wait3A_512, %dma_wait3A_513] : memref<10000x128xf32, #tpu.memory_space<hbm>> -> memref<64x128xf32, #tpu.memory_space<hbm>>
      %dma_wait3A_515 = arith.constant 0 : i32
      %dma_wait3A_516 = arith.constant 0 : i32
      %dma_wait3A_517 = tpu.memref_slice %arg2[%dma_wait3A_515, %dma_wait3A_516] : memref<10000x128xf32, #tpu.memory_space<hbm>> -> memref<64x128xf32, #tpu.memory_space<hbm>>
      tpu.wait_dma2 semaphore(%arg13 : memref<!tpu.dma_semaphore, #tpu.memory_space<semaphore_mem>>) src(%dma_wait3A_517 : memref<64x128xf32, #tpu.memory_space<hbm>>) dst(%arg8 : memref<64x128xf32, #tpu.memory_space<vmem>>)
      %add3A_518 = arith.constant 4 : i32
      %add3A_519 = arith.addi %mul3A_455, %add3A_518 : i32
      %dma_start3A_520 = arith.constant 0 : i32
      %dma_start3A_521 = tpu.memref_slice %arg7[%add3A_519, %dma_start3A_520] : memref<40x64xi32, #tpu.memory_space<vmem>> -> memref<1x64xi32, #tpu.memory_space<vmem>>
      %dma_start3A_522 = tpu.memref_squeeze %dma_start3A_521 : memref<1x64xi32, #tpu.memory_space<vmem>> -> memref<64xi32, #tpu.memory_space<vmem>>
      %dma_start3A_523 = arith.constant 0 : i32
      %dma_start3A_524 = arith.constant 0 : i32
      %dma_start3A_525 = tpu.memref_slice %arg12[%dma_start3A_523, %dma_start3A_524] : memref<10016x128xf32, #tpu.memory_space<vmem_shared>> -> memref<10016x128xf32, #tpu.memory_space<vmem_shared>>
      tpu.enqueue_indirect_dma source(%arg8 : memref<64x128xf32, #tpu.memory_space<vmem>>) target(%dma_start3A_525 : memref<10016x128xf32, #tpu.memory_space<vmem_shared>>) offsets(%dma_start3A_522 : memref<64xi32, #tpu.memory_space<vmem>>) semaphore(%arg17 : memref<!tpu.dma_semaphore, #tpu.memory_space<semaphore_mem>>) {add = true}
      %dma_wait3A_526 = arith.constant 0 : i32
      %dma_wait3A_527 = arith.constant 0 : i32
      %dma_wait3A_528 = tpu.memref_slice %arg2[%dma_wait3A_526, %dma_wait3A_527] : memref<10000x128xf32, #tpu.memory_space<hbm>> -> memref<64x128xf32, #tpu.memory_space<hbm>>
      %dma_wait3A_529 = arith.constant 0 : i32
      %dma_wait3A_530 = arith.constant 0 : i32
      %dma_wait3A_531 = tpu.memref_slice %arg2[%dma_wait3A_529, %dma_wait3A_530] : memref<10000x128xf32, #tpu.memory_space<hbm>> -> memref<64x128xf32, #tpu.memory_space<hbm>>
      tpu.wait_dma2 semaphore(%arg14 : memref<!tpu.dma_semaphore, #tpu.memory_space<semaphore_mem>>) src(%dma_wait3A_531 : memref<64x128xf32, #tpu.memory_space<hbm>>) dst(%arg9 : memref<64x128xf32, #tpu.memory_space<vmem>>)
      %add3A_532 = arith.constant 5 : i32
      %add3A_533 = arith.addi %mul3A_455, %add3A_532 : i32
      %dma_start3A_534 = arith.constant 0 : i32
      %dma_start3A_535 = tpu.memref_slice %arg7[%add3A_533, %dma_start3A_534] : memref<40x64xi32, #tpu.memory_space<vmem>> -> memref<1x64xi32, #tpu.memory_space<vmem>>
      %dma_start3A_536 = tpu.memref_squeeze %dma_start3A_535 : memref<1x64xi32, #tpu.memory_space<vmem>> -> memref<64xi32, #tpu.memory_space<vmem>>
      %dma_start3A_537 = arith.constant 0 : i32
      %dma_start3A_538 = arith.constant 0 : i32
      %dma_start3A_539 = tpu.memref_slice %arg12[%dma_start3A_537, %dma_start3A_538] : memref<10016x128xf32, #tpu.memory_space<vmem_shared>> -> memref<10016x128xf32, #tpu.memory_space<vmem_shared>>
      tpu.enqueue_indirect_dma source(%arg9 : memref<64x128xf32, #tpu.memory_space<vmem>>) target(%dma_start3A_539 : memref<10016x128xf32, #tpu.memory_space<vmem_shared>>) offsets(%dma_start3A_536 : memref<64xi32, #tpu.memory_space<vmem>>) semaphore(%arg18 : memref<!tpu.dma_semaphore, #tpu.memory_space<semaphore_mem>>) {add = true}
      %dma_wait3A_540 = arith.constant 0 : i32
      %dma_wait3A_541 = arith.constant 0 : i32
      %dma_wait3A_542 = tpu.memref_slice %arg2[%dma_wait3A_540, %dma_wait3A_541] : memref<10000x128xf32, #tpu.memory_space<hbm>> -> memref<64x128xf32, #tpu.memory_space<hbm>>
      %dma_wait3A_543 = arith.constant 0 : i32
      %dma_wait3A_544 = arith.constant 0 : i32
      %dma_wait3A_545 = tpu.memref_slice %arg2[%dma_wait3A_543, %dma_wait3A_544] : memref<10000x128xf32, #tpu.memory_space<hbm>> -> memref<64x128xf32, #tpu.memory_space<hbm>>
      tpu.wait_dma2 semaphore(%arg19 : memref<!tpu.dma_semaphore, #tpu.memory_space<semaphore_mem>>) src(%dma_wait3A_545 : memref<64x128xf32, #tpu.memory_space<hbm>>) dst(%arg10 : memref<64x128xf32, #tpu.memory_space<vmem>>)
      %add3A_546 = arith.constant 6 : i32
      %add3A_547 = arith.addi %mul3A_455, %add3A_546 : i32
      %dma_start3A_548 = arith.constant 0 : i32
      %dma_start3A_549 = tpu.memref_slice %arg6[%add3A_547, %dma_start3A_548] : memref<40x64xi32, #tpu.memory_space<vmem>> -> memref<1x64xi32, #tpu.memory_space<vmem>>
      %dma_start3A_550 = tpu.memref_squeeze %dma_start3A_549 : memref<1x64xi32, #tpu.memory_space<vmem>> -> memref<64xi32, #tpu.memory_space<vmem>>
      %dma_start3A_551 = arith.constant 0 : i32
      %dma_start3A_552 = arith.constant 0 : i32
      %dma_start3A_553 = tpu.memref_slice %arg2[%dma_start3A_551, %dma_start3A_552] : memref<10000x128xf32, #tpu.memory_space<hbm>> -> memref<10000x128xf32, #tpu.memory_space<hbm>>
      tpu.enqueue_indirect_dma source(%dma_start3A_553 : memref<10000x128xf32, #tpu.memory_space<hbm>>) target(%arg10 : memref<64x128xf32, #tpu.memory_space<vmem>>) offsets(%dma_start3A_550 : memref<64xi32, #tpu.memory_space<vmem>>) semaphore(%arg15 : memref<!tpu.dma_semaphore, #tpu.memory_space<semaphore_mem>>)
      %dma_wait3A_554 = arith.constant 0 : i32
      %dma_wait3A_555 = arith.constant 0 : i32
      %dma_wait3A_556 = tpu.memref_slice %arg2[%dma_wait3A_554, %dma_wait3A_555] : memref<10000x128xf32, #tpu.memory_space<hbm>> -> memref<64x128xf32, #tpu.memory_space<hbm>>
      %dma_wait3A_557 = arith.constant 0 : i32
      %dma_wait3A_558 = arith.constant 0 : i32
      %dma_wait3A_559 = tpu.memref_slice %arg2[%dma_wait3A_557, %dma_wait3A_558] : memref<10000x128xf32, #tpu.memory_space<hbm>> -> memref<64x128xf32, #tpu.memory_space<hbm>>
      tpu.wait_dma2 semaphore(%arg20 : memref<!tpu.dma_semaphore, #tpu.memory_space<semaphore_mem>>) src(%dma_wait3A_559 : memref<64x128xf32, #tpu.memory_space<hbm>>) dst(%arg11 : memref<64x128xf32, #tpu.memory_space<vmem>>)
      %add3A_560 = arith.constant 7 : i32
      %add3A_561 = arith.addi %mul3A_455, %add3A_560 : i32
      %dma_start3A_562 = arith.constant 0 : i32
      %dma_start3A_563 = tpu.memref_slice %arg6[%add3A_561, %dma_start3A_562] : memref<40x64xi32, #tpu.memory_space<vmem>> -> memref<1x64xi32, #tpu.memory_space<vmem>>
      %dma_start3A_564 = tpu.memref_squeeze %dma_start3A_563 : memref<1x64xi32, #tpu.memory_space<vmem>> -> memref<64xi32, #tpu.memory_space<vmem>>
      %dma_start3A_565 = arith.constant 0 : i32
      %dma_start3A_566 = arith.constant 0 : i32
      %dma_start3A_567 = tpu.memref_slice %arg2[%dma_start3A_565, %dma_start3A_566] : memref<10000x128xf32, #tpu.memory_space<hbm>> -> memref<10000x128xf32, #tpu.memory_space<hbm>>
      tpu.enqueue_indirect_dma source(%dma_start3A_567 : memref<10000x128xf32, #tpu.memory_space<hbm>>) target(%arg11 : memref<64x128xf32, #tpu.memory_space<vmem>>) offsets(%dma_start3A_564 : memref<64xi32, #tpu.memory_space<vmem>>) semaphore(%arg16 : memref<!tpu.dma_semaphore, #tpu.memory_space<semaphore_mem>>)
      %scan3A_568 = arith.constant 0 : i32
      scf.yield %scan3A_568 : i32
    }
    %scan3A_62 = arith.constant 9 : i32
    %dma_wait3A_63 = arith.constant 0 : i32
    %dma_wait3A_64 = arith.constant 0 : i32
    %dma_wait3A_65 = tpu.memref_slice %arg2[%dma_wait3A_63, %dma_wait3A_64] : memref<10000x128xf32, #tpu.memory_space<hbm>> -> memref<64x128xf32, #tpu.memory_space<hbm>>
    %dma_wait3A_66 = arith.constant 0 : i32
    %dma_wait3A_67 = arith.constant 0 : i32
    %dma_wait3A_68 = tpu.memref_slice %arg2[%dma_wait3A_66, %dma_wait3A_67] : memref<10000x128xf32, #tpu.memory_space<hbm>> -> memref<64x128xf32, #tpu.memory_space<hbm>>
    tpu.wait_dma2 semaphore(%arg15 : memref<!tpu.dma_semaphore, #tpu.memory_space<semaphore_mem>>) src(%dma_wait3A_68 : memref<64x128xf32, #tpu.memory_space<hbm>>) dst(%arg10 : memref<64x128xf32, #tpu.memory_space<vmem>>)
    %dma_start3A_69 = arith.constant 38 : i32
    %dma_start3A_70 = arith.constant 0 : i32
    %dma_start3A_71 = tpu.memref_slice %arg7[%dma_start3A_69, %dma_start3A_70] : memref<40x64xi32, #tpu.memory_space<vmem>> -> memref<1x64xi32, #tpu.memory_space<vmem>>
    %dma_start3A_72 = tpu.memref_squeeze %dma_start3A_71 : memref<1x64xi32, #tpu.memory_space<vmem>> -> memref<64xi32, #tpu.memory_space<vmem>>
    %dma_start3A_73 = arith.constant 0 : i32
    %dma_start3A_74 = arith.constant 0 : i32
    %dma_start3A_75 = tpu.memref_slice %arg12[%dma_start3A_73, %dma_start3A_74] : memref<10016x128xf32, #tpu.memory_space<vmem_shared>> -> memref<10016x128xf32, #tpu.memory_space<vmem_shared>>
    tpu.enqueue_indirect_dma source(%arg10 : memref<64x128xf32, #tpu.memory_space<vmem>>) target(%dma_start3A_75 : memref<10016x128xf32, #tpu.memory_space<vmem_shared>>) offsets(%dma_start3A_72 : memref<64xi32, #tpu.memory_space<vmem>>) semaphore(%arg19 : memref<!tpu.dma_semaphore, #tpu.memory_space<semaphore_mem>>) {add = true}
    %dma_wait3A_76 = arith.constant 0 : i32
    %dma_wait3A_77 = arith.constant 0 : i32
    %dma_wait3A_78 = tpu.memref_slice %arg2[%dma_wait3A_76, %dma_wait3A_77] : memref<10000x128xf32, #tpu.memory_space<hbm>> -> memref<64x128xf32, #tpu.memory_space<hbm>>
    %dma_wait3A_79 = arith.constant 0 : i32
    %dma_wait3A_80 = arith.constant 0 : i32
    %dma_wait3A_81 = tpu.memref_slice %arg2[%dma_wait3A_79, %dma_wait3A_80] : memref<10000x128xf32, #tpu.memory_space<hbm>> -> memref<64x128xf32, #tpu.memory_space<hbm>>
    tpu.wait_dma2 semaphore(%arg16 : memref<!tpu.dma_semaphore, #tpu.memory_space<semaphore_mem>>) src(%dma_wait3A_81 : memref<64x128xf32, #tpu.memory_space<hbm>>) dst(%arg11 : memref<64x128xf32, #tpu.memory_space<vmem>>)
    %dma_start3A_82 = arith.constant 39 : i32
    %dma_start3A_83 = arith.constant 0 : i32
    %dma_start3A_84 = tpu.memref_slice %arg7[%dma_start3A_82, %dma_start3A_83] : memref<40x64xi32, #tpu.memory_space<vmem>> -> memref<1x64xi32, #tpu.memory_space<vmem>>
    %dma_start3A_85 = tpu.memref_squeeze %dma_start3A_84 : memref<1x64xi32, #tpu.memory_space<vmem>> -> memref<64xi32, #tpu.memory_space<vmem>>
    %dma_start3A_86 = arith.constant 0 : i32
    %dma_start3A_87 = arith.constant 0 : i32
    %dma_start3A_88 = tpu.memref_slice %arg12[%dma_start3A_86, %dma_start3A_87] : memref<10016x128xf32, #tpu.memory_space<vmem_shared>> -> memref<10016x128xf32, #tpu.memory_space<vmem_shared>>
    tpu.enqueue_indirect_dma source(%arg11 : memref<64x128xf32, #tpu.memory_space<vmem>>) target(%dma_start3A_88 : memref<10016x128xf32, #tpu.memory_space<vmem_shared>>) offsets(%dma_start3A_85 : memref<64xi32, #tpu.memory_space<vmem>>) semaphore(%arg20 : memref<!tpu.dma_semaphore, #tpu.memory_space<semaphore_mem>>) {add = true}
    %dma_wait3A_89 = arith.constant 0 : i32
    %dma_wait3A_90 = arith.constant 0 : i32
    %dma_wait3A_91 = tpu.memref_slice %arg2[%dma_wait3A_89, %dma_wait3A_90] : memref<10000x128xf32, #tpu.memory_space<hbm>> -> memref<64x128xf32, #tpu.memory_space<hbm>>
    %dma_wait3A_92 = arith.constant 0 : i32
    %dma_wait3A_93 = arith.constant 0 : i32
    %dma_wait3A_94 = tpu.memref_slice %arg2[%dma_wait3A_92, %dma_wait3A_93] : memref<10000x128xf32, #tpu.memory_space<hbm>> -> memref<64x128xf32, #tpu.memory_space<hbm>>
    tpu.wait_dma2 semaphore(%arg17 : memref<!tpu.dma_semaphore, #tpu.memory_space<semaphore_mem>>) src(%dma_wait3A_94 : memref<64x128xf32, #tpu.memory_space<hbm>>) dst(%arg8 : memref<64x128xf32, #tpu.memory_space<vmem>>)
    %dma_wait3A_95 = arith.constant 0 : i32
    %dma_wait3A_96 = arith.constant 0 : i32
    %dma_wait3A_97 = tpu.memref_slice %arg2[%dma_wait3A_95, %dma_wait3A_96] : memref<10000x128xf32, #tpu.memory_space<hbm>> -> memref<64x128xf32, #tpu.memory_space<hbm>>
    %dma_wait3A_98 = arith.constant 0 : i32
    %dma_wait3A_99 = arith.constant 0 : i32
    %dma_wait3A_100 = tpu.memref_slice %arg2[%dma_wait3A_98, %dma_wait3A_99] : memref<10000x128xf32, #tpu.memory_space<hbm>> -> memref<64x128xf32, #tpu.memory_space<hbm>>
    tpu.wait_dma2 semaphore(%arg18 : memref<!tpu.dma_semaphore, #tpu.memory_space<semaphore_mem>>) src(%dma_wait3A_100 : memref<64x128xf32, #tpu.memory_space<hbm>>) dst(%arg9 : memref<64x128xf32, #tpu.memory_space<vmem>>)
    %dma_wait3A_101 = arith.constant 0 : i32
    %dma_wait3A_102 = arith.constant 0 : i32
    %dma_wait3A_103 = tpu.memref_slice %arg2[%dma_wait3A_101, %dma_wait3A_102] : memref<10000x128xf32, #tpu.memory_space<hbm>> -> memref<64x128xf32, #tpu.memory_space<hbm>>
    %dma_wait3A_104 = arith.constant 0 : i32
    %dma_wait3A_105 = arith.constant 0 : i32
    %dma_wait3A_106 = tpu.memref_slice %arg2[%dma_wait3A_104, %dma_wait3A_105] : memref<10000x128xf32, #tpu.memory_space<hbm>> -> memref<64x128xf32, #tpu.memory_space<hbm>>
    tpu.wait_dma2 semaphore(%arg19 : memref<!tpu.dma_semaphore, #tpu.memory_space<semaphore_mem>>) src(%dma_wait3A_106 : memref<64x128xf32, #tpu.memory_space<hbm>>) dst(%arg10 : memref<64x128xf32, #tpu.memory_space<vmem>>)
    %dma_wait3A_107 = arith.constant 0 : i32
    %dma_wait3A_108 = arith.constant 0 : i32
    %dma_wait3A_109 = tpu.memref_slice %arg2[%dma_wait3A_107, %dma_wait3A_108] : memref<10000x128xf32, #tpu.memory_space<hbm>> -> memref<64x128xf32, #tpu.memory_space<hbm>>
    %dma_wait3A_110 = arith.constant 0 : i32
    %dma_wait3A_111 = arith.constant 0 : i32
    %dma_wait3A_112 = tpu.memref_slice %arg2[%dma_wait3A_110, %dma_wait3A_111] : memref<10000x128xf32, #tpu.memory_space<hbm>> -> memref<64x128xf32, #tpu.memory_space<hbm>>
    tpu.wait_dma2 semaphore(%arg20 : memref<!tpu.dma_semaphore, #tpu.memory_space<semaphore_mem>>) src(%dma_wait3A_112 : memref<64x128xf32, #tpu.memory_space<hbm>>) dst(%arg11 : memref<64x128xf32, #tpu.memory_space<vmem>>)
    "tpu.region"() ({
      %run_scoped3A = tpu.sem_alloc : memref<!tpu.dma_semaphore, #tpu.memory_space<semaphore_mem>>
      %dma_start3A_452 = arith.constant 0 : i32
      %dma_start3A_453 = arith.constant 0 : i32
      %dma_start3A_454 = tpu.memref_slice %arg3[%add3A, %dma_start3A_452, %dma_start3A_453] : memref<32x160x64xi32, #tpu.memory_space<hbm>> -> memref<1x160x64xi32, #tpu.memory_space<hbm>>
      %dma_start3A_455 = tpu.memref_squeeze %dma_start3A_454 : memref<1x160x64xi32, #tpu.memory_space<hbm>> -> memref<160x64xi32, #tpu.memory_space<hbm>>
      %dma_start3A_456 = arith.constant 40 : i32
      %dma_start3A_457 = arith.constant 0 : i32
      %dma_start3A_458 = tpu.memref_slice %dma_start3A_455[%dma_start3A_456, %dma_start3A_457] : memref<160x64xi32, #tpu.memory_space<hbm>> -> memref<40x64xi32, #tpu.memory_space<hbm>>
      %dma_start3A_459 = arith.constant 0 : i32
      %dma_start3A_460 = arith.constant 0 : i32
      %dma_start3A_461 = tpu.memref_slice %arg3[%add3A, %dma_start3A_459, %dma_start3A_460] : memref<32x160x64xi32, #tpu.memory_space<hbm>> -> memref<1x160x64xi32, #tpu.memory_space<hbm>>
      %dma_start3A_462 = tpu.memref_squeeze %dma_start3A_461 : memref<1x160x64xi32, #tpu.memory_space<hbm>> -> memref<160x64xi32, #tpu.memory_space<hbm>>
      %dma_start3A_463 = arith.constant 40 : i32
      %dma_start3A_464 = arith.constant 0 : i32
      %dma_start3A_465 = tpu.memref_slice %dma_start3A_462[%dma_start3A_463, %dma_start3A_464] : memref<160x64xi32, #tpu.memory_space<hbm>> -> memref<40x64xi32, #tpu.memory_space<hbm>>
      tpu.enqueue_dma source(%dma_start3A_465 : memref<40x64xi32, #tpu.memory_space<hbm>>) target(%arg6 : memref<40x64xi32, #tpu.memory_space<vmem>>) target_semaphore(%run_scoped3A : memref<!tpu.dma_semaphore, #tpu.memory_space<semaphore_mem>>)
      %dma_wait3A_466 = arith.constant 0 : i32
      %dma_wait3A_467 = arith.constant 0 : i32
      %dma_wait3A_468 = tpu.memref_slice %arg3[%add3A, %dma_wait3A_466, %dma_wait3A_467] : memref<32x160x64xi32, #tpu.memory_space<hbm>> -> memref<1x160x64xi32, #tpu.memory_space<hbm>>
      %dma_wait3A_469 = tpu.memref_squeeze %dma_wait3A_468 : memref<1x160x64xi32, #tpu.memory_space<hbm>> -> memref<160x64xi32, #tpu.memory_space<hbm>>
      %dma_wait3A_470 = arith.constant 40 : i32
      %dma_wait3A_471 = arith.constant 0 : i32
      %dma_wait3A_472 = tpu.memref_slice %dma_wait3A_469[%dma_wait3A_470, %dma_wait3A_471] : memref<160x64xi32, #tpu.memory_space<hbm>> -> memref<40x64xi32, #tpu.memory_space<hbm>>
      %dma_wait3A_473 = arith.constant 0 : i32
      %dma_wait3A_474 = arith.constant 0 : i32
      %dma_wait3A_475 = tpu.memref_slice %arg3[%add3A, %dma_wait3A_473, %dma_wait3A_474] : memref<32x160x64xi32, #tpu.memory_space<hbm>> -> memref<1x160x64xi32, #tpu.memory_space<hbm>>
      %dma_wait3A_476 = tpu.memref_squeeze %dma_wait3A_475 : memref<1x160x64xi32, #tpu.memory_space<hbm>> -> memref<160x64xi32, #tpu.memory_space<hbm>>
      %dma_wait3A_477 = arith.constant 40 : i32
      %dma_wait3A_478 = arith.constant 0 : i32
      %dma_wait3A_479 = tpu.memref_slice %dma_wait3A_476[%dma_wait3A_477, %dma_wait3A_478] : memref<160x64xi32, #tpu.memory_space<hbm>> -> memref<40x64xi32, #tpu.memory_space<hbm>>
      tpu.wait_dma2 semaphore(%run_scoped3A : memref<!tpu.dma_semaphore, #tpu.memory_space<semaphore_mem>>) src(%dma_wait3A_479 : memref<40x64xi32, #tpu.memory_space<hbm>>) dst(%arg6 : memref<40x64xi32, #tpu.memory_space<vmem>>)
      tpu.yield
    }) : () -> ()
    "tpu.region"() ({
      %run_scoped3A = tpu.sem_alloc : memref<!tpu.dma_semaphore, #tpu.memory_space<semaphore_mem>>
      %dma_start3A_452 = arith.constant 0 : i32
      %dma_start3A_453 = arith.constant 0 : i32
      %dma_start3A_454 = tpu.memref_slice %arg4[%add3A, %dma_start3A_452, %dma_start3A_453] : memref<32x160x64xi32, #tpu.memory_space<hbm>> -> memref<1x160x64xi32, #tpu.memory_space<hbm>>
      %dma_start3A_455 = tpu.memref_squeeze %dma_start3A_454 : memref<1x160x64xi32, #tpu.memory_space<hbm>> -> memref<160x64xi32, #tpu.memory_space<hbm>>
      %dma_start3A_456 = arith.constant 40 : i32
      %dma_start3A_457 = arith.constant 0 : i32
      %dma_start3A_458 = tpu.memref_slice %dma_start3A_455[%dma_start3A_456, %dma_start3A_457] : memref<160x64xi32, #tpu.memory_space<hbm>> -> memref<40x64xi32, #tpu.memory_space<hbm>>
      %dma_start3A_459 = arith.constant 0 : i32
      %dma_start3A_460 = arith.constant 0 : i32
      %dma_start3A_461 = tpu.memref_slice %arg4[%add3A, %dma_start3A_459, %dma_start3A_460] : memref<32x160x64xi32, #tpu.memory_space<hbm>> -> memref<1x160x64xi32, #tpu.memory_space<hbm>>
      %dma_start3A_462 = tpu.memref_squeeze %dma_start3A_461 : memref<1x160x64xi32, #tpu.memory_space<hbm>> -> memref<160x64xi32, #tpu.memory_space<hbm>>
      %dma_start3A_463 = arith.constant 40 : i32
      %dma_start3A_464 = arith.constant 0 : i32
      %dma_start3A_465 = tpu.memref_slice %dma_start3A_462[%dma_start3A_463, %dma_start3A_464] : memref<160x64xi32, #tpu.memory_space<hbm>> -> memref<40x64xi32, #tpu.memory_space<hbm>>
      tpu.enqueue_dma source(%dma_start3A_465 : memref<40x64xi32, #tpu.memory_space<hbm>>) target(%arg7 : memref<40x64xi32, #tpu.memory_space<vmem>>) target_semaphore(%run_scoped3A : memref<!tpu.dma_semaphore, #tpu.memory_space<semaphore_mem>>)
      %dma_wait3A_466 = arith.constant 0 : i32
      %dma_wait3A_467 = arith.constant 0 : i32
      %dma_wait3A_468 = tpu.memref_slice %arg4[%add3A, %dma_wait3A_466, %dma_wait3A_467] : memref<32x160x64xi32, #tpu.memory_space<hbm>> -> memref<1x160x64xi32, #tpu.memory_space<hbm>>
      %dma_wait3A_469 = tpu.memref_squeeze %dma_wait3A_468 : memref<1x160x64xi32, #tpu.memory_space<hbm>> -> memref<160x64xi32, #tpu.memory_space<hbm>>
      %dma_wait3A_470 = arith.constant 40 : i32
      %dma_wait3A_471 = arith.constant 0 : i32
      %dma_wait3A_472 = tpu.memref_slice %dma_wait3A_469[%dma_wait3A_470, %dma_wait3A_471] : memref<160x64xi32, #tpu.memory_space<hbm>> -> memref<40x64xi32, #tpu.memory_space<hbm>>
      %dma_wait3A_473 = arith.constant 0 : i32
      %dma_wait3A_474 = arith.constant 0 : i32
      %dma_wait3A_475 = tpu.memref_slice %arg4[%add3A, %dma_wait3A_473, %dma_wait3A_474] : memref<32x160x64xi32, #tpu.memory_space<hbm>> -> memref<1x160x64xi32, #tpu.memory_space<hbm>>
      %dma_wait3A_476 = tpu.memref_squeeze %dma_wait3A_475 : memref<1x160x64xi32, #tpu.memory_space<hbm>> -> memref<160x64xi32, #tpu.memory_space<hbm>>
      %dma_wait3A_477 = arith.constant 40 : i32
      %dma_wait3A_478 = arith.constant 0 : i32
      %dma_wait3A_479 = tpu.memref_slice %dma_wait3A_476[%dma_wait3A_477, %dma_wait3A_478] : memref<160x64xi32, #tpu.memory_space<hbm>> -> memref<40x64xi32, #tpu.memory_space<hbm>>
      tpu.wait_dma2 semaphore(%run_scoped3A : memref<!tpu.dma_semaphore, #tpu.memory_space<semaphore_mem>>) src(%dma_wait3A_479 : memref<40x64xi32, #tpu.memory_space<hbm>>) dst(%arg7 : memref<40x64xi32, #tpu.memory_space<vmem>>)
      tpu.yield
    }) : () -> ()
    %dma_start3A_113 = arith.constant 0 : i32
    %dma_start3A_114 = arith.constant 0 : i32
    %dma_start3A_115 = tpu.memref_slice %arg6[%dma_start3A_113, %dma_start3A_114] : memref<40x64xi32, #tpu.memory_space<vmem>> -> memref<1x64xi32, #tpu.memory_space<vmem>>
    %dma_start3A_116 = tpu.memref_squeeze %dma_start3A_115 : memref<1x64xi32, #tpu.memory_space<vmem>> -> memref<64xi32, #tpu.memory_space<vmem>>
    %dma_start3A_117 = arith.constant 0 : i32
    %dma_start3A_118 = arith.constant 0 : i32
    %dma_start3A_119 = tpu.memref_slice %arg2[%dma_start3A_117, %dma_start3A_118] : memref<10000x128xf32, #tpu.memory_space<hbm>> -> memref<10000x128xf32, #tpu.memory_space<hbm>>
    tpu.enqueue_indirect_dma source(%dma_start3A_119 : memref<10000x128xf32, #tpu.memory_space<hbm>>) target(%arg8 : memref<64x128xf32, #tpu.memory_space<vmem>>) offsets(%dma_start3A_116 : memref<64xi32, #tpu.memory_space<vmem>>) semaphore(%arg13 : memref<!tpu.dma_semaphore, #tpu.memory_space<semaphore_mem>>)
    %dma_start3A_120 = arith.constant 1 : i32
    %dma_start3A_121 = arith.constant 0 : i32
    %dma_start3A_122 = tpu.memref_slice %arg6[%dma_start3A_120, %dma_start3A_121] : memref<40x64xi32, #tpu.memory_space<vmem>> -> memref<1x64xi32, #tpu.memory_space<vmem>>
    %dma_start3A_123 = tpu.memref_squeeze %dma_start3A_122 : memref<1x64xi32, #tpu.memory_space<vmem>> -> memref<64xi32, #tpu.memory_space<vmem>>
    %dma_start3A_124 = arith.constant 0 : i32
    %dma_start3A_125 = arith.constant 0 : i32
    %dma_start3A_126 = tpu.memref_slice %arg2[%dma_start3A_124, %dma_start3A_125] : memref<10000x128xf32, #tpu.memory_space<hbm>> -> memref<10000x128xf32, #tpu.memory_space<hbm>>
    tpu.enqueue_indirect_dma source(%dma_start3A_126 : memref<10000x128xf32, #tpu.memory_space<hbm>>) target(%arg9 : memref<64x128xf32, #tpu.memory_space<vmem>>) offsets(%dma_start3A_123 : memref<64xi32, #tpu.memory_space<vmem>>) semaphore(%arg14 : memref<!tpu.dma_semaphore, #tpu.memory_space<semaphore_mem>>)
    %dma_wait3A_127 = arith.constant 0 : i32
    %dma_wait3A_128 = arith.constant 0 : i32
    %dma_wait3A_129 = tpu.memref_slice %arg2[%dma_wait3A_127, %dma_wait3A_128] : memref<10000x128xf32, #tpu.memory_space<hbm>> -> memref<64x128xf32, #tpu.memory_space<hbm>>
    %dma_wait3A_130 = arith.constant 0 : i32
    %dma_wait3A_131 = arith.constant 0 : i32
    %dma_wait3A_132 = tpu.memref_slice %arg2[%dma_wait3A_130, %dma_wait3A_131] : memref<10000x128xf32, #tpu.memory_space<hbm>> -> memref<64x128xf32, #tpu.memory_space<hbm>>
    tpu.wait_dma2 semaphore(%arg13 : memref<!tpu.dma_semaphore, #tpu.memory_space<semaphore_mem>>) src(%dma_wait3A_132 : memref<64x128xf32, #tpu.memory_space<hbm>>) dst(%arg8 : memref<64x128xf32, #tpu.memory_space<vmem>>)
    %dma_start3A_133 = arith.constant 0 : i32
    %dma_start3A_134 = arith.constant 0 : i32
    %dma_start3A_135 = tpu.memref_slice %arg7[%dma_start3A_133, %dma_start3A_134] : memref<40x64xi32, #tpu.memory_space<vmem>> -> memref<1x64xi32, #tpu.memory_space<vmem>>
    %dma_start3A_136 = tpu.memref_squeeze %dma_start3A_135 : memref<1x64xi32, #tpu.memory_space<vmem>> -> memref<64xi32, #tpu.memory_space<vmem>>
    %dma_start3A_137 = arith.constant 0 : i32
    %dma_start3A_138 = arith.constant 0 : i32
    %dma_start3A_139 = tpu.memref_slice %arg12[%dma_start3A_137, %dma_start3A_138] : memref<10016x128xf32, #tpu.memory_space<vmem_shared>> -> memref<10016x128xf32, #tpu.memory_space<vmem_shared>>
    tpu.enqueue_indirect_dma source(%arg8 : memref<64x128xf32, #tpu.memory_space<vmem>>) target(%dma_start3A_139 : memref<10016x128xf32, #tpu.memory_space<vmem_shared>>) offsets(%dma_start3A_136 : memref<64xi32, #tpu.memory_space<vmem>>) semaphore(%arg17 : memref<!tpu.dma_semaphore, #tpu.memory_space<semaphore_mem>>) {add = true}
    %dma_wait3A_140 = arith.constant 0 : i32
    %dma_wait3A_141 = arith.constant 0 : i32
    %dma_wait3A_142 = tpu.memref_slice %arg2[%dma_wait3A_140, %dma_wait3A_141] : memref<10000x128xf32, #tpu.memory_space<hbm>> -> memref<64x128xf32, #tpu.memory_space<hbm>>
    %dma_wait3A_143 = arith.constant 0 : i32
    %dma_wait3A_144 = arith.constant 0 : i32
    %dma_wait3A_145 = tpu.memref_slice %arg2[%dma_wait3A_143, %dma_wait3A_144] : memref<10000x128xf32, #tpu.memory_space<hbm>> -> memref<64x128xf32, #tpu.memory_space<hbm>>
    tpu.wait_dma2 semaphore(%arg14 : memref<!tpu.dma_semaphore, #tpu.memory_space<semaphore_mem>>) src(%dma_wait3A_145 : memref<64x128xf32, #tpu.memory_space<hbm>>) dst(%arg9 : memref<64x128xf32, #tpu.memory_space<vmem>>)
    %dma_start3A_146 = arith.constant 1 : i32
    %dma_start3A_147 = arith.constant 0 : i32
    %dma_start3A_148 = tpu.memref_slice %arg7[%dma_start3A_146, %dma_start3A_147] : memref<40x64xi32, #tpu.memory_space<vmem>> -> memref<1x64xi32, #tpu.memory_space<vmem>>
    %dma_start3A_149 = tpu.memref_squeeze %dma_start3A_148 : memref<1x64xi32, #tpu.memory_space<vmem>> -> memref<64xi32, #tpu.memory_space<vmem>>
    %dma_start3A_150 = arith.constant 0 : i32
    %dma_start3A_151 = arith.constant 0 : i32
    %dma_start3A_152 = tpu.memref_slice %arg12[%dma_start3A_150, %dma_start3A_151] : memref<10016x128xf32, #tpu.memory_space<vmem_shared>> -> memref<10016x128xf32, #tpu.memory_space<vmem_shared>>
    tpu.enqueue_indirect_dma source(%arg9 : memref<64x128xf32, #tpu.memory_space<vmem>>) target(%dma_start3A_152 : memref<10016x128xf32, #tpu.memory_space<vmem_shared>>) offsets(%dma_start3A_149 : memref<64xi32, #tpu.memory_space<vmem>>) semaphore(%arg18 : memref<!tpu.dma_semaphore, #tpu.memory_space<semaphore_mem>>) {add = true}
    %dma_start3A_153 = arith.constant 2 : i32
    %dma_start3A_154 = arith.constant 0 : i32
    %dma_start3A_155 = tpu.memref_slice %arg6[%dma_start3A_153, %dma_start3A_154] : memref<40x64xi32, #tpu.memory_space<vmem>> -> memref<1x64xi32, #tpu.memory_space<vmem>>
    %dma_start3A_156 = tpu.memref_squeeze %dma_start3A_155 : memref<1x64xi32, #tpu.memory_space<vmem>> -> memref<64xi32, #tpu.memory_space<vmem>>
    %dma_start3A_157 = arith.constant 0 : i32
    %dma_start3A_158 = arith.constant 0 : i32
    %dma_start3A_159 = tpu.memref_slice %arg2[%dma_start3A_157, %dma_start3A_158] : memref<10000x128xf32, #tpu.memory_space<hbm>> -> memref<10000x128xf32, #tpu.memory_space<hbm>>
    tpu.enqueue_indirect_dma source(%dma_start3A_159 : memref<10000x128xf32, #tpu.memory_space<hbm>>) target(%arg10 : memref<64x128xf32, #tpu.memory_space<vmem>>) offsets(%dma_start3A_156 : memref<64xi32, #tpu.memory_space<vmem>>) semaphore(%arg15 : memref<!tpu.dma_semaphore, #tpu.memory_space<semaphore_mem>>)
    %dma_start3A_160 = arith.constant 3 : i32
    %dma_start3A_161 = arith.constant 0 : i32
    %dma_start3A_162 = tpu.memref_slice %arg6[%dma_start3A_160, %dma_start3A_161] : memref<40x64xi32, #tpu.memory_space<vmem>> -> memref<1x64xi32, #tpu.memory_space<vmem>>
    %dma_start3A_163 = tpu.memref_squeeze %dma_start3A_162 : memref<1x64xi32, #tpu.memory_space<vmem>> -> memref<64xi32, #tpu.memory_space<vmem>>
    %dma_start3A_164 = arith.constant 0 : i32
    %dma_start3A_165 = arith.constant 0 : i32
    %dma_start3A_166 = tpu.memref_slice %arg2[%dma_start3A_164, %dma_start3A_165] : memref<10000x128xf32, #tpu.memory_space<hbm>> -> memref<10000x128xf32, #tpu.memory_space<hbm>>
    tpu.enqueue_indirect_dma source(%dma_start3A_166 : memref<10000x128xf32, #tpu.memory_space<hbm>>) target(%arg11 : memref<64x128xf32, #tpu.memory_space<vmem>>) offsets(%dma_start3A_163 : memref<64xi32, #tpu.memory_space<vmem>>) semaphore(%arg16 : memref<!tpu.dma_semaphore, #tpu.memory_space<semaphore_mem>>)
    %scan3A_167 = arith.constant 0 : i32
    %scan3A_168 = arith.constant 0 : i32
    %scan3A_169 = arith.constant 9 : i32
    %scan3A_170 = arith.addi %scan3A_168, %scan3A_169 : i32
    %scan3A_171 = arith.constant 1 : i32
    %scan3A_172 = scf.for %scan3A_452 = %scan3A_168 to %scan3A_170 step %scan3A_171 iter_args(%scan3A_453 = %scan3A_167) -> (i32)  : i32 {
      %mul3A_454 = arith.constant 4 : i32
      %mul3A_455 = arith.muli %scan3A_452, %mul3A_454 : i32
      %dma_wait3A_456 = arith.constant 0 : i32
      %dma_wait3A_457 = arith.constant 0 : i32
      %dma_wait3A_458 = tpu.memref_slice %arg2[%dma_wait3A_456, %dma_wait3A_457] : memref<10000x128xf32, #tpu.memory_space<hbm>> -> memref<64x128xf32, #tpu.memory_space<hbm>>
      %dma_wait3A_459 = arith.constant 0 : i32
      %dma_wait3A_460 = arith.constant 0 : i32
      %dma_wait3A_461 = tpu.memref_slice %arg2[%dma_wait3A_459, %dma_wait3A_460] : memref<10000x128xf32, #tpu.memory_space<hbm>> -> memref<64x128xf32, #tpu.memory_space<hbm>>
      tpu.wait_dma2 semaphore(%arg15 : memref<!tpu.dma_semaphore, #tpu.memory_space<semaphore_mem>>) src(%dma_wait3A_461 : memref<64x128xf32, #tpu.memory_space<hbm>>) dst(%arg10 : memref<64x128xf32, #tpu.memory_space<vmem>>)
      %add3A_462 = arith.constant 2 : i32
      %add3A_463 = arith.addi %mul3A_455, %add3A_462 : i32
      %dma_start3A_464 = arith.constant 0 : i32
      %dma_start3A_465 = tpu.memref_slice %arg7[%add3A_463, %dma_start3A_464] : memref<40x64xi32, #tpu.memory_space<vmem>> -> memref<1x64xi32, #tpu.memory_space<vmem>>
      %dma_start3A_466 = tpu.memref_squeeze %dma_start3A_465 : memref<1x64xi32, #tpu.memory_space<vmem>> -> memref<64xi32, #tpu.memory_space<vmem>>
      %dma_start3A_467 = arith.constant 0 : i32
      %dma_start3A_468 = arith.constant 0 : i32
      %dma_start3A_469 = tpu.memref_slice %arg12[%dma_start3A_467, %dma_start3A_468] : memref<10016x128xf32, #tpu.memory_space<vmem_shared>> -> memref<10016x128xf32, #tpu.memory_space<vmem_shared>>
      tpu.enqueue_indirect_dma source(%arg10 : memref<64x128xf32, #tpu.memory_space<vmem>>) target(%dma_start3A_469 : memref<10016x128xf32, #tpu.memory_space<vmem_shared>>) offsets(%dma_start3A_466 : memref<64xi32, #tpu.memory_space<vmem>>) semaphore(%arg19 : memref<!tpu.dma_semaphore, #tpu.memory_space<semaphore_mem>>) {add = true}
      %dma_wait3A_470 = arith.constant 0 : i32
      %dma_wait3A_471 = arith.constant 0 : i32
      %dma_wait3A_472 = tpu.memref_slice %arg2[%dma_wait3A_470, %dma_wait3A_471] : memref<10000x128xf32, #tpu.memory_space<hbm>> -> memref<64x128xf32, #tpu.memory_space<hbm>>
      %dma_wait3A_473 = arith.constant 0 : i32
      %dma_wait3A_474 = arith.constant 0 : i32
      %dma_wait3A_475 = tpu.memref_slice %arg2[%dma_wait3A_473, %dma_wait3A_474] : memref<10000x128xf32, #tpu.memory_space<hbm>> -> memref<64x128xf32, #tpu.memory_space<hbm>>
      tpu.wait_dma2 semaphore(%arg16 : memref<!tpu.dma_semaphore, #tpu.memory_space<semaphore_mem>>) src(%dma_wait3A_475 : memref<64x128xf32, #tpu.memory_space<hbm>>) dst(%arg11 : memref<64x128xf32, #tpu.memory_space<vmem>>)
      %add3A_476 = arith.constant 3 : i32
      %add3A_477 = arith.addi %mul3A_455, %add3A_476 : i32
      %dma_start3A_478 = arith.constant 0 : i32
      %dma_start3A_479 = tpu.memref_slice %arg7[%add3A_477, %dma_start3A_478] : memref<40x64xi32, #tpu.memory_space<vmem>> -> memref<1x64xi32, #tpu.memory_space<vmem>>
      %dma_start3A_480 = tpu.memref_squeeze %dma_start3A_479 : memref<1x64xi32, #tpu.memory_space<vmem>> -> memref<64xi32, #tpu.memory_space<vmem>>
      %dma_start3A_481 = arith.constant 0 : i32
      %dma_start3A_482 = arith.constant 0 : i32
      %dma_start3A_483 = tpu.memref_slice %arg12[%dma_start3A_481, %dma_start3A_482] : memref<10016x128xf32, #tpu.memory_space<vmem_shared>> -> memref<10016x128xf32, #tpu.memory_space<vmem_shared>>
      tpu.enqueue_indirect_dma source(%arg11 : memref<64x128xf32, #tpu.memory_space<vmem>>) target(%dma_start3A_483 : memref<10016x128xf32, #tpu.memory_space<vmem_shared>>) offsets(%dma_start3A_480 : memref<64xi32, #tpu.memory_space<vmem>>) semaphore(%arg20 : memref<!tpu.dma_semaphore, #tpu.memory_space<semaphore_mem>>) {add = true}
      %dma_wait3A_484 = arith.constant 0 : i32
      %dma_wait3A_485 = arith.constant 0 : i32
      %dma_wait3A_486 = tpu.memref_slice %arg2[%dma_wait3A_484, %dma_wait3A_485] : memref<10000x128xf32, #tpu.memory_space<hbm>> -> memref<64x128xf32, #tpu.memory_space<hbm>>
      %dma_wait3A_487 = arith.constant 0 : i32
      %dma_wait3A_488 = arith.constant 0 : i32
      %dma_wait3A_489 = tpu.memref_slice %arg2[%dma_wait3A_487, %dma_wait3A_488] : memref<10000x128xf32, #tpu.memory_space<hbm>> -> memref<64x128xf32, #tpu.memory_space<hbm>>
      tpu.wait_dma2 semaphore(%arg17 : memref<!tpu.dma_semaphore, #tpu.memory_space<semaphore_mem>>) src(%dma_wait3A_489 : memref<64x128xf32, #tpu.memory_space<hbm>>) dst(%arg8 : memref<64x128xf32, #tpu.memory_space<vmem>>)
      %add3A_490 = arith.constant 4 : i32
      %add3A_491 = arith.addi %mul3A_455, %add3A_490 : i32
      %dma_start3A_492 = arith.constant 0 : i32
      %dma_start3A_493 = tpu.memref_slice %arg6[%add3A_491, %dma_start3A_492] : memref<40x64xi32, #tpu.memory_space<vmem>> -> memref<1x64xi32, #tpu.memory_space<vmem>>
      %dma_start3A_494 = tpu.memref_squeeze %dma_start3A_493 : memref<1x64xi32, #tpu.memory_space<vmem>> -> memref<64xi32, #tpu.memory_space<vmem>>
      %dma_start3A_495 = arith.constant 0 : i32
      %dma_start3A_496 = arith.constant 0 : i32
      %dma_start3A_497 = tpu.memref_slice %arg2[%dma_start3A_495, %dma_start3A_496] : memref<10000x128xf32, #tpu.memory_space<hbm>> -> memref<10000x128xf32, #tpu.memory_space<hbm>>
      tpu.enqueue_indirect_dma source(%dma_start3A_497 : memref<10000x128xf32, #tpu.memory_space<hbm>>) target(%arg8 : memref<64x128xf32, #tpu.memory_space<vmem>>) offsets(%dma_start3A_494 : memref<64xi32, #tpu.memory_space<vmem>>) semaphore(%arg13 : memref<!tpu.dma_semaphore, #tpu.memory_space<semaphore_mem>>)
      %dma_wait3A_498 = arith.constant 0 : i32
      %dma_wait3A_499 = arith.constant 0 : i32
      %dma_wait3A_500 = tpu.memref_slice %arg2[%dma_wait3A_498, %dma_wait3A_499] : memref<10000x128xf32, #tpu.memory_space<hbm>> -> memref<64x128xf32, #tpu.memory_space<hbm>>
      %dma_wait3A_501 = arith.constant 0 : i32
      %dma_wait3A_502 = arith.constant 0 : i32
      %dma_wait3A_503 = tpu.memref_slice %arg2[%dma_wait3A_501, %dma_wait3A_502] : memref<10000x128xf32, #tpu.memory_space<hbm>> -> memref<64x128xf32, #tpu.memory_space<hbm>>
      tpu.wait_dma2 semaphore(%arg18 : memref<!tpu.dma_semaphore, #tpu.memory_space<semaphore_mem>>) src(%dma_wait3A_503 : memref<64x128xf32, #tpu.memory_space<hbm>>) dst(%arg9 : memref<64x128xf32, #tpu.memory_space<vmem>>)
      %add3A_504 = arith.constant 5 : i32
      %add3A_505 = arith.addi %mul3A_455, %add3A_504 : i32
      %dma_start3A_506 = arith.constant 0 : i32
      %dma_start3A_507 = tpu.memref_slice %arg6[%add3A_505, %dma_start3A_506] : memref<40x64xi32, #tpu.memory_space<vmem>> -> memref<1x64xi32, #tpu.memory_space<vmem>>
      %dma_start3A_508 = tpu.memref_squeeze %dma_start3A_507 : memref<1x64xi32, #tpu.memory_space<vmem>> -> memref<64xi32, #tpu.memory_space<vmem>>
      %dma_start3A_509 = arith.constant 0 : i32
      %dma_start3A_510 = arith.constant 0 : i32
      %dma_start3A_511 = tpu.memref_slice %arg2[%dma_start3A_509, %dma_start3A_510] : memref<10000x128xf32, #tpu.memory_space<hbm>> -> memref<10000x128xf32, #tpu.memory_space<hbm>>
      tpu.enqueue_indirect_dma source(%dma_start3A_511 : memref<10000x128xf32, #tpu.memory_space<hbm>>) target(%arg9 : memref<64x128xf32, #tpu.memory_space<vmem>>) offsets(%dma_start3A_508 : memref<64xi32, #tpu.memory_space<vmem>>) semaphore(%arg14 : memref<!tpu.dma_semaphore, #tpu.memory_space<semaphore_mem>>)
      %dma_wait3A_512 = arith.constant 0 : i32
      %dma_wait3A_513 = arith.constant 0 : i32
      %dma_wait3A_514 = tpu.memref_slice %arg2[%dma_wait3A_512, %dma_wait3A_513] : memref<10000x128xf32, #tpu.memory_space<hbm>> -> memref<64x128xf32, #tpu.memory_space<hbm>>
      %dma_wait3A_515 = arith.constant 0 : i32
      %dma_wait3A_516 = arith.constant 0 : i32
      %dma_wait3A_517 = tpu.memref_slice %arg2[%dma_wait3A_515, %dma_wait3A_516] : memref<10000x128xf32, #tpu.memory_space<hbm>> -> memref<64x128xf32, #tpu.memory_space<hbm>>
      tpu.wait_dma2 semaphore(%arg13 : memref<!tpu.dma_semaphore, #tpu.memory_space<semaphore_mem>>) src(%dma_wait3A_517 : memref<64x128xf32, #tpu.memory_space<hbm>>) dst(%arg8 : memref<64x128xf32, #tpu.memory_space<vmem>>)
      %add3A_518 = arith.constant 4 : i32
      %add3A_519 = arith.addi %mul3A_455, %add3A_518 : i32
      %dma_start3A_520 = arith.constant 0 : i32
      %dma_start3A_521 = tpu.memref_slice %arg7[%add3A_519, %dma_start3A_520] : memref<40x64xi32, #tpu.memory_space<vmem>> -> memref<1x64xi32, #tpu.memory_space<vmem>>
      %dma_start3A_522 = tpu.memref_squeeze %dma_start3A_521 : memref<1x64xi32, #tpu.memory_space<vmem>> -> memref<64xi32, #tpu.memory_space<vmem>>
      %dma_start3A_523 = arith.constant 0 : i32
      %dma_start3A_524 = arith.constant 0 : i32
      %dma_start3A_525 = tpu.memref_slice %arg12[%dma_start3A_523, %dma_start3A_524] : memref<10016x128xf32, #tpu.memory_space<vmem_shared>> -> memref<10016x128xf32, #tpu.memory_space<vmem_shared>>
      tpu.enqueue_indirect_dma source(%arg8 : memref<64x128xf32, #tpu.memory_space<vmem>>) target(%dma_start3A_525 : memref<10016x128xf32, #tpu.memory_space<vmem_shared>>) offsets(%dma_start3A_522 : memref<64xi32, #tpu.memory_space<vmem>>) semaphore(%arg17 : memref<!tpu.dma_semaphore, #tpu.memory_space<semaphore_mem>>) {add = true}
      %dma_wait3A_526 = arith.constant 0 : i32
      %dma_wait3A_527 = arith.constant 0 : i32
      %dma_wait3A_528 = tpu.memref_slice %arg2[%dma_wait3A_526, %dma_wait3A_527] : memref<10000x128xf32, #tpu.memory_space<hbm>> -> memref<64x128xf32, #tpu.memory_space<hbm>>
      %dma_wait3A_529 = arith.constant 0 : i32
      %dma_wait3A_530 = arith.constant 0 : i32
      %dma_wait3A_531 = tpu.memref_slice %arg2[%dma_wait3A_529, %dma_wait3A_530] : memref<10000x128xf32, #tpu.memory_space<hbm>> -> memref<64x128xf32, #tpu.memory_space<hbm>>
      tpu.wait_dma2 semaphore(%arg14 : memref<!tpu.dma_semaphore, #tpu.memory_space<semaphore_mem>>) src(%dma_wait3A_531 : memref<64x128xf32, #tpu.memory_space<hbm>>) dst(%arg9 : memref<64x128xf32, #tpu.memory_space<vmem>>)
      %add3A_532 = arith.constant 5 : i32
      %add3A_533 = arith.addi %mul3A_455, %add3A_532 : i32
      %dma_start3A_534 = arith.constant 0 : i32
      %dma_start3A_535 = tpu.memref_slice %arg7[%add3A_533, %dma_start3A_534] : memref<40x64xi32, #tpu.memory_space<vmem>> -> memref<1x64xi32, #tpu.memory_space<vmem>>
      %dma_start3A_536 = tpu.memref_squeeze %dma_start3A_535 : memref<1x64xi32, #tpu.memory_space<vmem>> -> memref<64xi32, #tpu.memory_space<vmem>>
      %dma_start3A_537 = arith.constant 0 : i32
      %dma_start3A_538 = arith.constant 0 : i32
      %dma_start3A_539 = tpu.memref_slice %arg12[%dma_start3A_537, %dma_start3A_538] : memref<10016x128xf32, #tpu.memory_space<vmem_shared>> -> memref<10016x128xf32, #tpu.memory_space<vmem_shared>>
      tpu.enqueue_indirect_dma source(%arg9 : memref<64x128xf32, #tpu.memory_space<vmem>>) target(%dma_start3A_539 : memref<10016x128xf32, #tpu.memory_space<vmem_shared>>) offsets(%dma_start3A_536 : memref<64xi32, #tpu.memory_space<vmem>>) semaphore(%arg18 : memref<!tpu.dma_semaphore, #tpu.memory_space<semaphore_mem>>) {add = true}
      %dma_wait3A_540 = arith.constant 0 : i32
      %dma_wait3A_541 = arith.constant 0 : i32
      %dma_wait3A_542 = tpu.memref_slice %arg2[%dma_wait3A_540, %dma_wait3A_541] : memref<10000x128xf32, #tpu.memory_space<hbm>> -> memref<64x128xf32, #tpu.memory_space<hbm>>
      %dma_wait3A_543 = arith.constant 0 : i32
      %dma_wait3A_544 = arith.constant 0 : i32
      %dma_wait3A_545 = tpu.memref_slice %arg2[%dma_wait3A_543, %dma_wait3A_544] : memref<10000x128xf32, #tpu.memory_space<hbm>> -> memref<64x128xf32, #tpu.memory_space<hbm>>
      tpu.wait_dma2 semaphore(%arg19 : memref<!tpu.dma_semaphore, #tpu.memory_space<semaphore_mem>>) src(%dma_wait3A_545 : memref<64x128xf32, #tpu.memory_space<hbm>>) dst(%arg10 : memref<64x128xf32, #tpu.memory_space<vmem>>)
      %add3A_546 = arith.constant 6 : i32
      %add3A_547 = arith.addi %mul3A_455, %add3A_546 : i32
      %dma_start3A_548 = arith.constant 0 : i32
      %dma_start3A_549 = tpu.memref_slice %arg6[%add3A_547, %dma_start3A_548] : memref<40x64xi32, #tpu.memory_space<vmem>> -> memref<1x64xi32, #tpu.memory_space<vmem>>
      %dma_start3A_550 = tpu.memref_squeeze %dma_start3A_549 : memref<1x64xi32, #tpu.memory_space<vmem>> -> memref<64xi32, #tpu.memory_space<vmem>>
      %dma_start3A_551 = arith.constant 0 : i32
      %dma_start3A_552 = arith.constant 0 : i32
      %dma_start3A_553 = tpu.memref_slice %arg2[%dma_start3A_551, %dma_start3A_552] : memref<10000x128xf32, #tpu.memory_space<hbm>> -> memref<10000x128xf32, #tpu.memory_space<hbm>>
      tpu.enqueue_indirect_dma source(%dma_start3A_553 : memref<10000x128xf32, #tpu.memory_space<hbm>>) target(%arg10 : memref<64x128xf32, #tpu.memory_space<vmem>>) offsets(%dma_start3A_550 : memref<64xi32, #tpu.memory_space<vmem>>) semaphore(%arg15 : memref<!tpu.dma_semaphore, #tpu.memory_space<semaphore_mem>>)
      %dma_wait3A_554 = arith.constant 0 : i32
      %dma_wait3A_555 = arith.constant 0 : i32
      %dma_wait3A_556 = tpu.memref_slice %arg2[%dma_wait3A_554, %dma_wait3A_555] : memref<10000x128xf32, #tpu.memory_space<hbm>> -> memref<64x128xf32, #tpu.memory_space<hbm>>
      %dma_wait3A_557 = arith.constant 0 : i32
      %dma_wait3A_558 = arith.constant 0 : i32
      %dma_wait3A_559 = tpu.memref_slice %arg2[%dma_wait3A_557, %dma_wait3A_558] : memref<10000x128xf32, #tpu.memory_space<hbm>> -> memref<64x128xf32, #tpu.memory_space<hbm>>
      tpu.wait_dma2 semaphore(%arg20 : memref<!tpu.dma_semaphore, #tpu.memory_space<semaphore_mem>>) src(%dma_wait3A_559 : memref<64x128xf32, #tpu.memory_space<hbm>>) dst(%arg11 : memref<64x128xf32, #tpu.memory_space<vmem>>)
      %add3A_560 = arith.constant 7 : i32
      %add3A_561 = arith.addi %mul3A_455, %add3A_560 : i32
      %dma_start3A_562 = arith.constant 0 : i32
      %dma_start3A_563 = tpu.memref_slice %arg6[%add3A_561, %dma_start3A_562] : memref<40x64xi32, #tpu.memory_space<vmem>> -> memref<1x64xi32, #tpu.memory_space<vmem>>
      %dma_start3A_564 = tpu.memref_squeeze %dma_start3A_563 : memref<1x64xi32, #tpu.memory_space<vmem>> -> memref<64xi32, #tpu.memory_space<vmem>>
      %dma_start3A_565 = arith.constant 0 : i32
      %dma_start3A_566 = arith.constant 0 : i32
      %dma_start3A_567 = tpu.memref_slice %arg2[%dma_start3A_565, %dma_start3A_566] : memref<10000x128xf32, #tpu.memory_space<hbm>> -> memref<10000x128xf32, #tpu.memory_space<hbm>>
      tpu.enqueue_indirect_dma source(%dma_start3A_567 : memref<10000x128xf32, #tpu.memory_space<hbm>>) target(%arg11 : memref<64x128xf32, #tpu.memory_space<vmem>>) offsets(%dma_start3A_564 : memref<64xi32, #tpu.memory_space<vmem>>) semaphore(%arg16 : memref<!tpu.dma_semaphore, #tpu.memory_space<semaphore_mem>>)
      %scan3A_568 = arith.constant 0 : i32
      scf.yield %scan3A_568 : i32
    }
    %scan3A_173 = arith.constant 9 : i32
    %dma_wait3A_174 = arith.constant 0 : i32
    %dma_wait3A_175 = arith.constant 0 : i32
    %dma_wait3A_176 = tpu.memref_slice %arg2[%dma_wait3A_174, %dma_wait3A_175] : memref<10000x128xf32, #tpu.memory_space<hbm>> -> memref<64x128xf32, #tpu.memory_space<hbm>>
    %dma_wait3A_177 = arith.constant 0 : i32
    %dma_wait3A_178 = arith.constant 0 : i32
    %dma_wait3A_179 = tpu.memref_slice %arg2[%dma_wait3A_177, %dma_wait3A_178] : memref<10000x128xf32, #tpu.memory_space<hbm>> -> memref<64x128xf32, #tpu.memory_space<hbm>>
    tpu.wait_dma2 semaphore(%arg15 : memref<!tpu.dma_semaphore, #tpu.memory_space<semaphore_mem>>) src(%dma_wait3A_179 : memref<64x128xf32, #tpu.memory_space<hbm>>) dst(%arg10 : memref<64x128xf32, #tpu.memory_space<vmem>>)
    %dma_start3A_180 = arith.constant 38 : i32
    %dma_start3A_181 = arith.constant 0 : i32
    %dma_start3A_182 = tpu.memref_slice %arg7[%dma_start3A_180, %dma_start3A_181] : memref<40x64xi32, #tpu.memory_space<vmem>> -> memref<1x64xi32, #tpu.memory_space<vmem>>
    %dma_start3A_183 = tpu.memref_squeeze %dma_start3A_182 : memref<1x64xi32, #tpu.memory_space<vmem>> -> memref<64xi32, #tpu.memory_space<vmem>>
    %dma_start3A_184 = arith.constant 0 : i32
    %dma_start3A_185 = arith.constant 0 : i32
    %dma_start3A_186 = tpu.memref_slice %arg12[%dma_start3A_184, %dma_start3A_185] : memref<10016x128xf32, #tpu.memory_space<vmem_shared>> -> memref<10016x128xf32, #tpu.memory_space<vmem_shared>>
    tpu.enqueue_indirect_dma source(%arg10 : memref<64x128xf32, #tpu.memory_space<vmem>>) target(%dma_start3A_186 : memref<10016x128xf32, #tpu.memory_space<vmem_shared>>) offsets(%dma_start3A_183 : memref<64xi32, #tpu.memory_space<vmem>>) semaphore(%arg19 : memref<!tpu.dma_semaphore, #tpu.memory_space<semaphore_mem>>) {add = true}
    %dma_wait3A_187 = arith.constant 0 : i32
    %dma_wait3A_188 = arith.constant 0 : i32
    %dma_wait3A_189 = tpu.memref_slice %arg2[%dma_wait3A_187, %dma_wait3A_188] : memref<10000x128xf32, #tpu.memory_space<hbm>> -> memref<64x128xf32, #tpu.memory_space<hbm>>
    %dma_wait3A_190 = arith.constant 0 : i32
    %dma_wait3A_191 = arith.constant 0 : i32
    %dma_wait3A_192 = tpu.memref_slice %arg2[%dma_wait3A_190, %dma_wait3A_191] : memref<10000x128xf32, #tpu.memory_space<hbm>> -> memref<64x128xf32, #tpu.memory_space<hbm>>
    tpu.wait_dma2 semaphore(%arg16 : memref<!tpu.dma_semaphore, #tpu.memory_space<semaphore_mem>>) src(%dma_wait3A_192 : memref<64x128xf32, #tpu.memory_space<hbm>>) dst(%arg11 : memref<64x128xf32, #tpu.memory_space<vmem>>)
    %dma_start3A_193 = arith.constant 39 : i32
    %dma_start3A_194 = arith.constant 0 : i32
    %dma_start3A_195 = tpu.memref_slice %arg7[%dma_start3A_193, %dma_start3A_194] : memref<40x64xi32, #tpu.memory_space<vmem>> -> memref<1x64xi32, #tpu.memory_space<vmem>>
    %dma_start3A_196 = tpu.memref_squeeze %dma_start3A_195 : memref<1x64xi32, #tpu.memory_space<vmem>> -> memref<64xi32, #tpu.memory_space<vmem>>
    %dma_start3A_197 = arith.constant 0 : i32
    %dma_start3A_198 = arith.constant 0 : i32
    %dma_start3A_199 = tpu.memref_slice %arg12[%dma_start3A_197, %dma_start3A_198] : memref<10016x128xf32, #tpu.memory_space<vmem_shared>> -> memref<10016x128xf32, #tpu.memory_space<vmem_shared>>
    tpu.enqueue_indirect_dma source(%arg11 : memref<64x128xf32, #tpu.memory_space<vmem>>) target(%dma_start3A_199 : memref<10016x128xf32, #tpu.memory_space<vmem_shared>>) offsets(%dma_start3A_196 : memref<64xi32, #tpu.memory_space<vmem>>) semaphore(%arg20 : memref<!tpu.dma_semaphore, #tpu.memory_space<semaphore_mem>>) {add = true}
    %dma_wait3A_200 = arith.constant 0 : i32
    %dma_wait3A_201 = arith.constant 0 : i32
    %dma_wait3A_202 = tpu.memref_slice %arg2[%dma_wait3A_200, %dma_wait3A_201] : memref<10000x128xf32, #tpu.memory_space<hbm>> -> memref<64x128xf32, #tpu.memory_space<hbm>>
    %dma_wait3A_203 = arith.constant 0 : i32
    %dma_wait3A_204 = arith.constant 0 : i32
    %dma_wait3A_205 = tpu.memref_slice %arg2[%dma_wait3A_203, %dma_wait3A_204] : memref<10000x128xf32, #tpu.memory_space<hbm>> -> memref<64x128xf32, #tpu.memory_space<hbm>>
    tpu.wait_dma2 semaphore(%arg17 : memref<!tpu.dma_semaphore, #tpu.memory_space<semaphore_mem>>) src(%dma_wait3A_205 : memref<64x128xf32, #tpu.memory_space<hbm>>) dst(%arg8 : memref<64x128xf32, #tpu.memory_space<vmem>>)
    %dma_wait3A_206 = arith.constant 0 : i32
    %dma_wait3A_207 = arith.constant 0 : i32
    %dma_wait3A_208 = tpu.memref_slice %arg2[%dma_wait3A_206, %dma_wait3A_207] : memref<10000x128xf32, #tpu.memory_space<hbm>> -> memref<64x128xf32, #tpu.memory_space<hbm>>
    %dma_wait3A_209 = arith.constant 0 : i32
    %dma_wait3A_210 = arith.constant 0 : i32
    %dma_wait3A_211 = tpu.memref_slice %arg2[%dma_wait3A_209, %dma_wait3A_210] : memref<10000x128xf32, #tpu.memory_space<hbm>> -> memref<64x128xf32, #tpu.memory_space<hbm>>
    tpu.wait_dma2 semaphore(%arg18 : memref<!tpu.dma_semaphore, #tpu.memory_space<semaphore_mem>>) src(%dma_wait3A_211 : memref<64x128xf32, #tpu.memory_space<hbm>>) dst(%arg9 : memref<64x128xf32, #tpu.memory_space<vmem>>)
    %dma_wait3A_212 = arith.constant 0 : i32
    %dma_wait3A_213 = arith.constant 0 : i32
    %dma_wait3A_214 = tpu.memref_slice %arg2[%dma_wait3A_212, %dma_wait3A_213] : memref<10000x128xf32, #tpu.memory_space<hbm>> -> memref<64x128xf32, #tpu.memory_space<hbm>>
    %dma_wait3A_215 = arith.constant 0 : i32
    %dma_wait3A_216 = arith.constant 0 : i32
    %dma_wait3A_217 = tpu.memref_slice %arg2[%dma_wait3A_215, %dma_wait3A_216] : memref<10000x128xf32, #tpu.memory_space<hbm>> -> memref<64x128xf32, #tpu.memory_space<hbm>>
    tpu.wait_dma2 semaphore(%arg19 : memref<!tpu.dma_semaphore, #tpu.memory_space<semaphore_mem>>) src(%dma_wait3A_217 : memref<64x128xf32, #tpu.memory_space<hbm>>) dst(%arg10 : memref<64x128xf32, #tpu.memory_space<vmem>>)
    %dma_wait3A_218 = arith.constant 0 : i32
    %dma_wait3A_219 = arith.constant 0 : i32
    %dma_wait3A_220 = tpu.memref_slice %arg2[%dma_wait3A_218, %dma_wait3A_219] : memref<10000x128xf32, #tpu.memory_space<hbm>> -> memref<64x128xf32, #tpu.memory_space<hbm>>
    %dma_wait3A_221 = arith.constant 0 : i32
    %dma_wait3A_222 = arith.constant 0 : i32
    %dma_wait3A_223 = tpu.memref_slice %arg2[%dma_wait3A_221, %dma_wait3A_222] : memref<10000x128xf32, #tpu.memory_space<hbm>> -> memref<64x128xf32, #tpu.memory_space<hbm>>
    tpu.wait_dma2 semaphore(%arg20 : memref<!tpu.dma_semaphore, #tpu.memory_space<semaphore_mem>>) src(%dma_wait3A_223 : memref<64x128xf32, #tpu.memory_space<hbm>>) dst(%arg11 : memref<64x128xf32, #tpu.memory_space<vmem>>)
    "tpu.region"() ({
      %run_scoped3A = tpu.sem_alloc : memref<!tpu.dma_semaphore, #tpu.memory_space<semaphore_mem>>
      %dma_start3A_452 = arith.constant 0 : i32
      %dma_start3A_453 = arith.constant 0 : i32
      %dma_start3A_454 = tpu.memref_slice %arg3[%add3A, %dma_start3A_452, %dma_start3A_453] : memref<32x160x64xi32, #tpu.memory_space<hbm>> -> memref<1x160x64xi32, #tpu.memory_space<hbm>>
      %dma_start3A_455 = tpu.memref_squeeze %dma_start3A_454 : memref<1x160x64xi32, #tpu.memory_space<hbm>> -> memref<160x64xi32, #tpu.memory_space<hbm>>
      %dma_start3A_456 = arith.constant 80 : i32
      %dma_start3A_457 = arith.constant 0 : i32
      %dma_start3A_458 = tpu.memref_slice %dma_start3A_455[%dma_start3A_456, %dma_start3A_457] : memref<160x64xi32, #tpu.memory_space<hbm>> -> memref<40x64xi32, #tpu.memory_space<hbm>>
      %dma_start3A_459 = arith.constant 0 : i32
      %dma_start3A_460 = arith.constant 0 : i32
      %dma_start3A_461 = tpu.memref_slice %arg3[%add3A, %dma_start3A_459, %dma_start3A_460] : memref<32x160x64xi32, #tpu.memory_space<hbm>> -> memref<1x160x64xi32, #tpu.memory_space<hbm>>
      %dma_start3A_462 = tpu.memref_squeeze %dma_start3A_461 : memref<1x160x64xi32, #tpu.memory_space<hbm>> -> memref<160x64xi32, #tpu.memory_space<hbm>>
      %dma_start3A_463 = arith.constant 80 : i32
      %dma_start3A_464 = arith.constant 0 : i32
      %dma_start3A_465 = tpu.memref_slice %dma_start3A_462[%dma_start3A_463, %dma_start3A_464] : memref<160x64xi32, #tpu.memory_space<hbm>> -> memref<40x64xi32, #tpu.memory_space<hbm>>
      tpu.enqueue_dma source(%dma_start3A_465 : memref<40x64xi32, #tpu.memory_space<hbm>>) target(%arg6 : memref<40x64xi32, #tpu.memory_space<vmem>>) target_semaphore(%run_scoped3A : memref<!tpu.dma_semaphore, #tpu.memory_space<semaphore_mem>>)
      %dma_wait3A_466 = arith.constant 0 : i32
      %dma_wait3A_467 = arith.constant 0 : i32
      %dma_wait3A_468 = tpu.memref_slice %arg3[%add3A, %dma_wait3A_466, %dma_wait3A_467] : memref<32x160x64xi32, #tpu.memory_space<hbm>> -> memref<1x160x64xi32, #tpu.memory_space<hbm>>
      %dma_wait3A_469 = tpu.memref_squeeze %dma_wait3A_468 : memref<1x160x64xi32, #tpu.memory_space<hbm>> -> memref<160x64xi32, #tpu.memory_space<hbm>>
      %dma_wait3A_470 = arith.constant 80 : i32
      %dma_wait3A_471 = arith.constant 0 : i32
      %dma_wait3A_472 = tpu.memref_slice %dma_wait3A_469[%dma_wait3A_470, %dma_wait3A_471] : memref<160x64xi32, #tpu.memory_space<hbm>> -> memref<40x64xi32, #tpu.memory_space<hbm>>
      %dma_wait3A_473 = arith.constant 0 : i32
      %dma_wait3A_474 = arith.constant 0 : i32
      %dma_wait3A_475 = tpu.memref_slice %arg3[%add3A, %dma_wait3A_473, %dma_wait3A_474] : memref<32x160x64xi32, #tpu.memory_space<hbm>> -> memref<1x160x64xi32, #tpu.memory_space<hbm>>
      %dma_wait3A_476 = tpu.memref_squeeze %dma_wait3A_475 : memref<1x160x64xi32, #tpu.memory_space<hbm>> -> memref<160x64xi32, #tpu.memory_space<hbm>>
      %dma_wait3A_477 = arith.constant 80 : i32
      %dma_wait3A_478 = arith.constant 0 : i32
      %dma_wait3A_479 = tpu.memref_slice %dma_wait3A_476[%dma_wait3A_477, %dma_wait3A_478] : memref<160x64xi32, #tpu.memory_space<hbm>> -> memref<40x64xi32, #tpu.memory_space<hbm>>
      tpu.wait_dma2 semaphore(%run_scoped3A : memref<!tpu.dma_semaphore, #tpu.memory_space<semaphore_mem>>) src(%dma_wait3A_479 : memref<40x64xi32, #tpu.memory_space<hbm>>) dst(%arg6 : memref<40x64xi32, #tpu.memory_space<vmem>>)
      tpu.yield
    }) : () -> ()
    "tpu.region"() ({
      %run_scoped3A = tpu.sem_alloc : memref<!tpu.dma_semaphore, #tpu.memory_space<semaphore_mem>>
      %dma_start3A_452 = arith.constant 0 : i32
      %dma_start3A_453 = arith.constant 0 : i32
      %dma_start3A_454 = tpu.memref_slice %arg4[%add3A, %dma_start3A_452, %dma_start3A_453] : memref<32x160x64xi32, #tpu.memory_space<hbm>> -> memref<1x160x64xi32, #tpu.memory_space<hbm>>
      %dma_start3A_455 = tpu.memref_squeeze %dma_start3A_454 : memref<1x160x64xi32, #tpu.memory_space<hbm>> -> memref<160x64xi32, #tpu.memory_space<hbm>>
      %dma_start3A_456 = arith.constant 80 : i32
      %dma_start3A_457 = arith.constant 0 : i32
      %dma_start3A_458 = tpu.memref_slice %dma_start3A_455[%dma_start3A_456, %dma_start3A_457] : memref<160x64xi32, #tpu.memory_space<hbm>> -> memref<40x64xi32, #tpu.memory_space<hbm>>
      %dma_start3A_459 = arith.constant 0 : i32
      %dma_start3A_460 = arith.constant 0 : i32
      %dma_start3A_461 = tpu.memref_slice %arg4[%add3A, %dma_start3A_459, %dma_start3A_460] : memref<32x160x64xi32, #tpu.memory_space<hbm>> -> memref<1x160x64xi32, #tpu.memory_space<hbm>>
      %dma_start3A_462 = tpu.memref_squeeze %dma_start3A_461 : memref<1x160x64xi32, #tpu.memory_space<hbm>> -> memref<160x64xi32, #tpu.memory_space<hbm>>
      %dma_start3A_463 = arith.constant 80 : i32
      %dma_start3A_464 = arith.constant 0 : i32
      %dma_start3A_465 = tpu.memref_slice %dma_start3A_462[%dma_start3A_463, %dma_start3A_464] : memref<160x64xi32, #tpu.memory_space<hbm>> -> memref<40x64xi32, #tpu.memory_space<hbm>>
      tpu.enqueue_dma source(%dma_start3A_465 : memref<40x64xi32, #tpu.memory_space<hbm>>) target(%arg7 : memref<40x64xi32, #tpu.memory_space<vmem>>) target_semaphore(%run_scoped3A : memref<!tpu.dma_semaphore, #tpu.memory_space<semaphore_mem>>)
      %dma_wait3A_466 = arith.constant 0 : i32
      %dma_wait3A_467 = arith.constant 0 : i32
      %dma_wait3A_468 = tpu.memref_slice %arg4[%add3A, %dma_wait3A_466, %dma_wait3A_467] : memref<32x160x64xi32, #tpu.memory_space<hbm>> -> memref<1x160x64xi32, #tpu.memory_space<hbm>>
      %dma_wait3A_469 = tpu.memref_squeeze %dma_wait3A_468 : memref<1x160x64xi32, #tpu.memory_space<hbm>> -> memref<160x64xi32, #tpu.memory_space<hbm>>
      %dma_wait3A_470 = arith.constant 80 : i32
      %dma_wait3A_471 = arith.constant 0 : i32
      %dma_wait3A_472 = tpu.memref_slice %dma_wait3A_469[%dma_wait3A_470, %dma_wait3A_471] : memref<160x64xi32, #tpu.memory_space<hbm>> -> memref<40x64xi32, #tpu.memory_space<hbm>>
      %dma_wait3A_473 = arith.constant 0 : i32
      %dma_wait3A_474 = arith.constant 0 : i32
      %dma_wait3A_475 = tpu.memref_slice %arg4[%add3A, %dma_wait3A_473, %dma_wait3A_474] : memref<32x160x64xi32, #tpu.memory_space<hbm>> -> memref<1x160x64xi32, #tpu.memory_space<hbm>>
      %dma_wait3A_476 = tpu.memref_squeeze %dma_wait3A_475 : memref<1x160x64xi32, #tpu.memory_space<hbm>> -> memref<160x64xi32, #tpu.memory_space<hbm>>
      %dma_wait3A_477 = arith.constant 80 : i32
      %dma_wait3A_478 = arith.constant 0 : i32
      %dma_wait3A_479 = tpu.memref_slice %dma_wait3A_476[%dma_wait3A_477, %dma_wait3A_478] : memref<160x64xi32, #tpu.memory_space<hbm>> -> memref<40x64xi32, #tpu.memory_space<hbm>>
      tpu.wait_dma2 semaphore(%run_scoped3A : memref<!tpu.dma_semaphore, #tpu.memory_space<semaphore_mem>>) src(%dma_wait3A_479 : memref<40x64xi32, #tpu.memory_space<hbm>>) dst(%arg7 : memref<40x64xi32, #tpu.memory_space<vmem>>)
      tpu.yield
    }) : () -> ()
    %dma_start3A_224 = arith.constant 0 : i32
    %dma_start3A_225 = arith.constant 0 : i32
    %dma_start3A_226 = tpu.memref_slice %arg6[%dma_start3A_224, %dma_start3A_225] : memref<40x64xi32, #tpu.memory_space<vmem>> -> memref<1x64xi32, #tpu.memory_space<vmem>>
    %dma_start3A_227 = tpu.memref_squeeze %dma_start3A_226 : memref<1x64xi32, #tpu.memory_space<vmem>> -> memref<64xi32, #tpu.memory_space<vmem>>
    %dma_start3A_228 = arith.constant 0 : i32
    %dma_start3A_229 = arith.constant 0 : i32
    %dma_start3A_230 = tpu.memref_slice %arg2[%dma_start3A_228, %dma_start3A_229] : memref<10000x128xf32, #tpu.memory_space<hbm>> -> memref<10000x128xf32, #tpu.memory_space<hbm>>
    tpu.enqueue_indirect_dma source(%dma_start3A_230 : memref<10000x128xf32, #tpu.memory_space<hbm>>) target(%arg8 : memref<64x128xf32, #tpu.memory_space<vmem>>) offsets(%dma_start3A_227 : memref<64xi32, #tpu.memory_space<vmem>>) semaphore(%arg13 : memref<!tpu.dma_semaphore, #tpu.memory_space<semaphore_mem>>)
    %dma_start3A_231 = arith.constant 1 : i32
    %dma_start3A_232 = arith.constant 0 : i32
    %dma_start3A_233 = tpu.memref_slice %arg6[%dma_start3A_231, %dma_start3A_232] : memref<40x64xi32, #tpu.memory_space<vmem>> -> memref<1x64xi32, #tpu.memory_space<vmem>>
    %dma_start3A_234 = tpu.memref_squeeze %dma_start3A_233 : memref<1x64xi32, #tpu.memory_space<vmem>> -> memref<64xi32, #tpu.memory_space<vmem>>
    %dma_start3A_235 = arith.constant 0 : i32
    %dma_start3A_236 = arith.constant 0 : i32
    %dma_start3A_237 = tpu.memref_slice %arg2[%dma_start3A_235, %dma_start3A_236] : memref<10000x128xf32, #tpu.memory_space<hbm>> -> memref<10000x128xf32, #tpu.memory_space<hbm>>
    tpu.enqueue_indirect_dma source(%dma_start3A_237 : memref<10000x128xf32, #tpu.memory_space<hbm>>) target(%arg9 : memref<64x128xf32, #tpu.memory_space<vmem>>) offsets(%dma_start3A_234 : memref<64xi32, #tpu.memory_space<vmem>>) semaphore(%arg14 : memref<!tpu.dma_semaphore, #tpu.memory_space<semaphore_mem>>)
    %dma_wait3A_238 = arith.constant 0 : i32
    %dma_wait3A_239 = arith.constant 0 : i32
    %dma_wait3A_240 = tpu.memref_slice %arg2[%dma_wait3A_238, %dma_wait3A_239] : memref<10000x128xf32, #tpu.memory_space<hbm>> -> memref<64x128xf32, #tpu.memory_space<hbm>>
    %dma_wait3A_241 = arith.constant 0 : i32
    %dma_wait3A_242 = arith.constant 0 : i32
    %dma_wait3A_243 = tpu.memref_slice %arg2[%dma_wait3A_241, %dma_wait3A_242] : memref<10000x128xf32, #tpu.memory_space<hbm>> -> memref<64x128xf32, #tpu.memory_space<hbm>>
    tpu.wait_dma2 semaphore(%arg13 : memref<!tpu.dma_semaphore, #tpu.memory_space<semaphore_mem>>) src(%dma_wait3A_243 : memref<64x128xf32, #tpu.memory_space<hbm>>) dst(%arg8 : memref<64x128xf32, #tpu.memory_space<vmem>>)
    %dma_start3A_244 = arith.constant 0 : i32
    %dma_start3A_245 = arith.constant 0 : i32
    %dma_start3A_246 = tpu.memref_slice %arg7[%dma_start3A_244, %dma_start3A_245] : memref<40x64xi32, #tpu.memory_space<vmem>> -> memref<1x64xi32, #tpu.memory_space<vmem>>
    %dma_start3A_247 = tpu.memref_squeeze %dma_start3A_246 : memref<1x64xi32, #tpu.memory_space<vmem>> -> memref<64xi32, #tpu.memory_space<vmem>>
    %dma_start3A_248 = arith.constant 0 : i32
    %dma_start3A_249 = arith.constant 0 : i32
    %dma_start3A_250 = tpu.memref_slice %arg12[%dma_start3A_248, %dma_start3A_249] : memref<10016x128xf32, #tpu.memory_space<vmem_shared>> -> memref<10016x128xf32, #tpu.memory_space<vmem_shared>>
    tpu.enqueue_indirect_dma source(%arg8 : memref<64x128xf32, #tpu.memory_space<vmem>>) target(%dma_start3A_250 : memref<10016x128xf32, #tpu.memory_space<vmem_shared>>) offsets(%dma_start3A_247 : memref<64xi32, #tpu.memory_space<vmem>>) semaphore(%arg17 : memref<!tpu.dma_semaphore, #tpu.memory_space<semaphore_mem>>) {add = true}
    %dma_wait3A_251 = arith.constant 0 : i32
    %dma_wait3A_252 = arith.constant 0 : i32
    %dma_wait3A_253 = tpu.memref_slice %arg2[%dma_wait3A_251, %dma_wait3A_252] : memref<10000x128xf32, #tpu.memory_space<hbm>> -> memref<64x128xf32, #tpu.memory_space<hbm>>
    %dma_wait3A_254 = arith.constant 0 : i32
    %dma_wait3A_255 = arith.constant 0 : i32
    %dma_wait3A_256 = tpu.memref_slice %arg2[%dma_wait3A_254, %dma_wait3A_255] : memref<10000x128xf32, #tpu.memory_space<hbm>> -> memref<64x128xf32, #tpu.memory_space<hbm>>
    tpu.wait_dma2 semaphore(%arg14 : memref<!tpu.dma_semaphore, #tpu.memory_space<semaphore_mem>>) src(%dma_wait3A_256 : memref<64x128xf32, #tpu.memory_space<hbm>>) dst(%arg9 : memref<64x128xf32, #tpu.memory_space<vmem>>)
    %dma_start3A_257 = arith.constant 1 : i32
    %dma_start3A_258 = arith.constant 0 : i32
    %dma_start3A_259 = tpu.memref_slice %arg7[%dma_start3A_257, %dma_start3A_258] : memref<40x64xi32, #tpu.memory_space<vmem>> -> memref<1x64xi32, #tpu.memory_space<vmem>>
    %dma_start3A_260 = tpu.memref_squeeze %dma_start3A_259 : memref<1x64xi32, #tpu.memory_space<vmem>> -> memref<64xi32, #tpu.memory_space<vmem>>
    %dma_start3A_261 = arith.constant 0 : i32
    %dma_start3A_262 = arith.constant 0 : i32
    %dma_start3A_263 = tpu.memref_slice %arg12[%dma_start3A_261, %dma_start3A_262] : memref<10016x128xf32, #tpu.memory_space<vmem_shared>> -> memref<10016x128xf32, #tpu.memory_space<vmem_shared>>
    tpu.enqueue_indirect_dma source(%arg9 : memref<64x128xf32, #tpu.memory_space<vmem>>) target(%dma_start3A_263 : memref<10016x128xf32, #tpu.memory_space<vmem_shared>>) offsets(%dma_start3A_260 : memref<64xi32, #tpu.memory_space<vmem>>) semaphore(%arg18 : memref<!tpu.dma_semaphore, #tpu.memory_space<semaphore_mem>>) {add = true}
    %dma_start3A_264 = arith.constant 2 : i32
    %dma_start3A_265 = arith.constant 0 : i32
    %dma_start3A_266 = tpu.memref_slice %arg6[%dma_start3A_264, %dma_start3A_265] : memref<40x64xi32, #tpu.memory_space<vmem>> -> memref<1x64xi32, #tpu.memory_space<vmem>>
    %dma_start3A_267 = tpu.memref_squeeze %dma_start3A_266 : memref<1x64xi32, #tpu.memory_space<vmem>> -> memref<64xi32, #tpu.memory_space<vmem>>
    %dma_start3A_268 = arith.constant 0 : i32
    %dma_start3A_269 = arith.constant 0 : i32
    %dma_start3A_270 = tpu.memref_slice %arg2[%dma_start3A_268, %dma_start3A_269] : memref<10000x128xf32, #tpu.memory_space<hbm>> -> memref<10000x128xf32, #tpu.memory_space<hbm>>
    tpu.enqueue_indirect_dma source(%dma_start3A_270 : memref<10000x128xf32, #tpu.memory_space<hbm>>) target(%arg10 : memref<64x128xf32, #tpu.memory_space<vmem>>) offsets(%dma_start3A_267 : memref<64xi32, #tpu.memory_space<vmem>>) semaphore(%arg15 : memref<!tpu.dma_semaphore, #tpu.memory_space<semaphore_mem>>)
    %dma_start3A_271 = arith.constant 3 : i32
    %dma_start3A_272 = arith.constant 0 : i32
    %dma_start3A_273 = tpu.memref_slice %arg6[%dma_start3A_271, %dma_start3A_272] : memref<40x64xi32, #tpu.memory_space<vmem>> -> memref<1x64xi32, #tpu.memory_space<vmem>>
    %dma_start3A_274 = tpu.memref_squeeze %dma_start3A_273 : memref<1x64xi32, #tpu.memory_space<vmem>> -> memref<64xi32, #tpu.memory_space<vmem>>
    %dma_start3A_275 = arith.constant 0 : i32
    %dma_start3A_276 = arith.constant 0 : i32
    %dma_start3A_277 = tpu.memref_slice %arg2[%dma_start3A_275, %dma_start3A_276] : memref<10000x128xf32, #tpu.memory_space<hbm>> -> memref<10000x128xf32, #tpu.memory_space<hbm>>
    tpu.enqueue_indirect_dma source(%dma_start3A_277 : memref<10000x128xf32, #tpu.memory_space<hbm>>) target(%arg11 : memref<64x128xf32, #tpu.memory_space<vmem>>) offsets(%dma_start3A_274 : memref<64xi32, #tpu.memory_space<vmem>>) semaphore(%arg16 : memref<!tpu.dma_semaphore, #tpu.memory_space<semaphore_mem>>)
    %scan3A_278 = arith.constant 0 : i32
    %scan3A_279 = arith.constant 0 : i32
    %scan3A_280 = arith.constant 9 : i32
    %scan3A_281 = arith.addi %scan3A_279, %scan3A_280 : i32
    %scan3A_282 = arith.constant 1 : i32
    %scan3A_283 = scf.for %scan3A_452 = %scan3A_279 to %scan3A_281 step %scan3A_282 iter_args(%scan3A_453 = %scan3A_278) -> (i32)  : i32 {
      %mul3A_454 = arith.constant 4 : i32
      %mul3A_455 = arith.muli %scan3A_452, %mul3A_454 : i32
      %dma_wait3A_456 = arith.constant 0 : i32
      %dma_wait3A_457 = arith.constant 0 : i32
      %dma_wait3A_458 = tpu.memref_slice %arg2[%dma_wait3A_456, %dma_wait3A_457] : memref<10000x128xf32, #tpu.memory_space<hbm>> -> memref<64x128xf32, #tpu.memory_space<hbm>>
      %dma_wait3A_459 = arith.constant 0 : i32
      %dma_wait3A_460 = arith.constant 0 : i32
      %dma_wait3A_461 = tpu.memref_slice %arg2[%dma_wait3A_459, %dma_wait3A_460] : memref<10000x128xf32, #tpu.memory_space<hbm>> -> memref<64x128xf32, #tpu.memory_space<hbm>>
      tpu.wait_dma2 semaphore(%arg15 : memref<!tpu.dma_semaphore, #tpu.memory_space<semaphore_mem>>) src(%dma_wait3A_461 : memref<64x128xf32, #tpu.memory_space<hbm>>) dst(%arg10 : memref<64x128xf32, #tpu.memory_space<vmem>>)
      %add3A_462 = arith.constant 2 : i32
      %add3A_463 = arith.addi %mul3A_455, %add3A_462 : i32
      %dma_start3A_464 = arith.constant 0 : i32
      %dma_start3A_465 = tpu.memref_slice %arg7[%add3A_463, %dma_start3A_464] : memref<40x64xi32, #tpu.memory_space<vmem>> -> memref<1x64xi32, #tpu.memory_space<vmem>>
      %dma_start3A_466 = tpu.memref_squeeze %dma_start3A_465 : memref<1x64xi32, #tpu.memory_space<vmem>> -> memref<64xi32, #tpu.memory_space<vmem>>
      %dma_start3A_467 = arith.constant 0 : i32
      %dma_start3A_468 = arith.constant 0 : i32
      %dma_start3A_469 = tpu.memref_slice %arg12[%dma_start3A_467, %dma_start3A_468] : memref<10016x128xf32, #tpu.memory_space<vmem_shared>> -> memref<10016x128xf32, #tpu.memory_space<vmem_shared>>
      tpu.enqueue_indirect_dma source(%arg10 : memref<64x128xf32, #tpu.memory_space<vmem>>) target(%dma_start3A_469 : memref<10016x128xf32, #tpu.memory_space<vmem_shared>>) offsets(%dma_start3A_466 : memref<64xi32, #tpu.memory_space<vmem>>) semaphore(%arg19 : memref<!tpu.dma_semaphore, #tpu.memory_space<semaphore_mem>>) {add = true}
      %dma_wait3A_470 = arith.constant 0 : i32
      %dma_wait3A_471 = arith.constant 0 : i32
      %dma_wait3A_472 = tpu.memref_slice %arg2[%dma_wait3A_470, %dma_wait3A_471] : memref<10000x128xf32, #tpu.memory_space<hbm>> -> memref<64x128xf32, #tpu.memory_space<hbm>>
      %dma_wait3A_473 = arith.constant 0 : i32
      %dma_wait3A_474 = arith.constant 0 : i32
      %dma_wait3A_475 = tpu.memref_slice %arg2[%dma_wait3A_473, %dma_wait3A_474] : memref<10000x128xf32, #tpu.memory_space<hbm>> -> memref<64x128xf32, #tpu.memory_space<hbm>>
      tpu.wait_dma2 semaphore(%arg16 : memref<!tpu.dma_semaphore, #tpu.memory_space<semaphore_mem>>) src(%dma_wait3A_475 : memref<64x128xf32, #tpu.memory_space<hbm>>) dst(%arg11 : memref<64x128xf32, #tpu.memory_space<vmem>>)
      %add3A_476 = arith.constant 3 : i32
      %add3A_477 = arith.addi %mul3A_455, %add3A_476 : i32
      %dma_start3A_478 = arith.constant 0 : i32
      %dma_start3A_479 = tpu.memref_slice %arg7[%add3A_477, %dma_start3A_478] : memref<40x64xi32, #tpu.memory_space<vmem>> -> memref<1x64xi32, #tpu.memory_space<vmem>>
      %dma_start3A_480 = tpu.memref_squeeze %dma_start3A_479 : memref<1x64xi32, #tpu.memory_space<vmem>> -> memref<64xi32, #tpu.memory_space<vmem>>
      %dma_start3A_481 = arith.constant 0 : i32
      %dma_start3A_482 = arith.constant 0 : i32
      %dma_start3A_483 = tpu.memref_slice %arg12[%dma_start3A_481, %dma_start3A_482] : memref<10016x128xf32, #tpu.memory_space<vmem_shared>> -> memref<10016x128xf32, #tpu.memory_space<vmem_shared>>
      tpu.enqueue_indirect_dma source(%arg11 : memref<64x128xf32, #tpu.memory_space<vmem>>) target(%dma_start3A_483 : memref<10016x128xf32, #tpu.memory_space<vmem_shared>>) offsets(%dma_start3A_480 : memref<64xi32, #tpu.memory_space<vmem>>) semaphore(%arg20 : memref<!tpu.dma_semaphore, #tpu.memory_space<semaphore_mem>>) {add = true}
      %dma_wait3A_484 = arith.constant 0 : i32
      %dma_wait3A_485 = arith.constant 0 : i32
      %dma_wait3A_486 = tpu.memref_slice %arg2[%dma_wait3A_484, %dma_wait3A_485] : memref<10000x128xf32, #tpu.memory_space<hbm>> -> memref<64x128xf32, #tpu.memory_space<hbm>>
      %dma_wait3A_487 = arith.constant 0 : i32
      %dma_wait3A_488 = arith.constant 0 : i32
      %dma_wait3A_489 = tpu.memref_slice %arg2[%dma_wait3A_487, %dma_wait3A_488] : memref<10000x128xf32, #tpu.memory_space<hbm>> -> memref<64x128xf32, #tpu.memory_space<hbm>>
      tpu.wait_dma2 semaphore(%arg17 : memref<!tpu.dma_semaphore, #tpu.memory_space<semaphore_mem>>) src(%dma_wait3A_489 : memref<64x128xf32, #tpu.memory_space<hbm>>) dst(%arg8 : memref<64x128xf32, #tpu.memory_space<vmem>>)
      %add3A_490 = arith.constant 4 : i32
      %add3A_491 = arith.addi %mul3A_455, %add3A_490 : i32
      %dma_start3A_492 = arith.constant 0 : i32
      %dma_start3A_493 = tpu.memref_slice %arg6[%add3A_491, %dma_start3A_492] : memref<40x64xi32, #tpu.memory_space<vmem>> -> memref<1x64xi32, #tpu.memory_space<vmem>>
      %dma_start3A_494 = tpu.memref_squeeze %dma_start3A_493 : memref<1x64xi32, #tpu.memory_space<vmem>> -> memref<64xi32, #tpu.memory_space<vmem>>
      %dma_start3A_495 = arith.constant 0 : i32
      %dma_start3A_496 = arith.constant 0 : i32
      %dma_start3A_497 = tpu.memref_slice %arg2[%dma_start3A_495, %dma_start3A_496] : memref<10000x128xf32, #tpu.memory_space<hbm>> -> memref<10000x128xf32, #tpu.memory_space<hbm>>
      tpu.enqueue_indirect_dma source(%dma_start3A_497 : memref<10000x128xf32, #tpu.memory_space<hbm>>) target(%arg8 : memref<64x128xf32, #tpu.memory_space<vmem>>) offsets(%dma_start3A_494 : memref<64xi32, #tpu.memory_space<vmem>>) semaphore(%arg13 : memref<!tpu.dma_semaphore, #tpu.memory_space<semaphore_mem>>)
      %dma_wait3A_498 = arith.constant 0 : i32
      %dma_wait3A_499 = arith.constant 0 : i32
      %dma_wait3A_500 = tpu.memref_slice %arg2[%dma_wait3A_498, %dma_wait3A_499] : memref<10000x128xf32, #tpu.memory_space<hbm>> -> memref<64x128xf32, #tpu.memory_space<hbm>>
      %dma_wait3A_501 = arith.constant 0 : i32
      %dma_wait3A_502 = arith.constant 0 : i32
      %dma_wait3A_503 = tpu.memref_slice %arg2[%dma_wait3A_501, %dma_wait3A_502] : memref<10000x128xf32, #tpu.memory_space<hbm>> -> memref<64x128xf32, #tpu.memory_space<hbm>>
      tpu.wait_dma2 semaphore(%arg18 : memref<!tpu.dma_semaphore, #tpu.memory_space<semaphore_mem>>) src(%dma_wait3A_503 : memref<64x128xf32, #tpu.memory_space<hbm>>) dst(%arg9 : memref<64x128xf32, #tpu.memory_space<vmem>>)
      %add3A_504 = arith.constant 5 : i32
      %add3A_505 = arith.addi %mul3A_455, %add3A_504 : i32
      %dma_start3A_506 = arith.constant 0 : i32
      %dma_start3A_507 = tpu.memref_slice %arg6[%add3A_505, %dma_start3A_506] : memref<40x64xi32, #tpu.memory_space<vmem>> -> memref<1x64xi32, #tpu.memory_space<vmem>>
      %dma_start3A_508 = tpu.memref_squeeze %dma_start3A_507 : memref<1x64xi32, #tpu.memory_space<vmem>> -> memref<64xi32, #tpu.memory_space<vmem>>
      %dma_start3A_509 = arith.constant 0 : i32
      %dma_start3A_510 = arith.constant 0 : i32
      %dma_start3A_511 = tpu.memref_slice %arg2[%dma_start3A_509, %dma_start3A_510] : memref<10000x128xf32, #tpu.memory_space<hbm>> -> memref<10000x128xf32, #tpu.memory_space<hbm>>
      tpu.enqueue_indirect_dma source(%dma_start3A_511 : memref<10000x128xf32, #tpu.memory_space<hbm>>) target(%arg9 : memref<64x128xf32, #tpu.memory_space<vmem>>) offsets(%dma_start3A_508 : memref<64xi32, #tpu.memory_space<vmem>>) semaphore(%arg14 : memref<!tpu.dma_semaphore, #tpu.memory_space<semaphore_mem>>)
      %dma_wait3A_512 = arith.constant 0 : i32
      %dma_wait3A_513 = arith.constant 0 : i32
      %dma_wait3A_514 = tpu.memref_slice %arg2[%dma_wait3A_512, %dma_wait3A_513] : memref<10000x128xf32, #tpu.memory_space<hbm>> -> memref<64x128xf32, #tpu.memory_space<hbm>>
      %dma_wait3A_515 = arith.constant 0 : i32
      %dma_wait3A_516 = arith.constant 0 : i32
      %dma_wait3A_517 = tpu.memref_slice %arg2[%dma_wait3A_515, %dma_wait3A_516] : memref<10000x128xf32, #tpu.memory_space<hbm>> -> memref<64x128xf32, #tpu.memory_space<hbm>>
      tpu.wait_dma2 semaphore(%arg13 : memref<!tpu.dma_semaphore, #tpu.memory_space<semaphore_mem>>) src(%dma_wait3A_517 : memref<64x128xf32, #tpu.memory_space<hbm>>) dst(%arg8 : memref<64x128xf32, #tpu.memory_space<vmem>>)
      %add3A_518 = arith.constant 4 : i32
      %add3A_519 = arith.addi %mul3A_455, %add3A_518 : i32
      %dma_start3A_520 = arith.constant 0 : i32
      %dma_start3A_521 = tpu.memref_slice %arg7[%add3A_519, %dma_start3A_520] : memref<40x64xi32, #tpu.memory_space<vmem>> -> memref<1x64xi32, #tpu.memory_space<vmem>>
      %dma_start3A_522 = tpu.memref_squeeze %dma_start3A_521 : memref<1x64xi32, #tpu.memory_space<vmem>> -> memref<64xi32, #tpu.memory_space<vmem>>
      %dma_start3A_523 = arith.constant 0 : i32
      %dma_start3A_524 = arith.constant 0 : i32
      %dma_start3A_525 = tpu.memref_slice %arg12[%dma_start3A_523, %dma_start3A_524] : memref<10016x128xf32, #tpu.memory_space<vmem_shared>> -> memref<10016x128xf32, #tpu.memory_space<vmem_shared>>
      tpu.enqueue_indirect_dma source(%arg8 : memref<64x128xf32, #tpu.memory_space<vmem>>) target(%dma_start3A_525 : memref<10016x128xf32, #tpu.memory_space<vmem_shared>>) offsets(%dma_start3A_522 : memref<64xi32, #tpu.memory_space<vmem>>) semaphore(%arg17 : memref<!tpu.dma_semaphore, #tpu.memory_space<semaphore_mem>>) {add = true}
      %dma_wait3A_526 = arith.constant 0 : i32
      %dma_wait3A_527 = arith.constant 0 : i32
      %dma_wait3A_528 = tpu.memref_slice %arg2[%dma_wait3A_526, %dma_wait3A_527] : memref<10000x128xf32, #tpu.memory_space<hbm>> -> memref<64x128xf32, #tpu.memory_space<hbm>>
      %dma_wait3A_529 = arith.constant 0 : i32
      %dma_wait3A_530 = arith.constant 0 : i32
      %dma_wait3A_531 = tpu.memref_slice %arg2[%dma_wait3A_529, %dma_wait3A_530] : memref<10000x128xf32, #tpu.memory_space<hbm>> -> memref<64x128xf32, #tpu.memory_space<hbm>>
      tpu.wait_dma2 semaphore(%arg14 : memref<!tpu.dma_semaphore, #tpu.memory_space<semaphore_mem>>) src(%dma_wait3A_531 : memref<64x128xf32, #tpu.memory_space<hbm>>) dst(%arg9 : memref<64x128xf32, #tpu.memory_space<vmem>>)
      %add3A_532 = arith.constant 5 : i32
      %add3A_533 = arith.addi %mul3A_455, %add3A_532 : i32
      %dma_start3A_534 = arith.constant 0 : i32
      %dma_start3A_535 = tpu.memref_slice %arg7[%add3A_533, %dma_start3A_534] : memref<40x64xi32, #tpu.memory_space<vmem>> -> memref<1x64xi32, #tpu.memory_space<vmem>>
      %dma_start3A_536 = tpu.memref_squeeze %dma_start3A_535 : memref<1x64xi32, #tpu.memory_space<vmem>> -> memref<64xi32, #tpu.memory_space<vmem>>
      %dma_start3A_537 = arith.constant 0 : i32
      %dma_start3A_538 = arith.constant 0 : i32
      %dma_start3A_539 = tpu.memref_slice %arg12[%dma_start3A_537, %dma_start3A_538] : memref<10016x128xf32, #tpu.memory_space<vmem_shared>> -> memref<10016x128xf32, #tpu.memory_space<vmem_shared>>
      tpu.enqueue_indirect_dma source(%arg9 : memref<64x128xf32, #tpu.memory_space<vmem>>) target(%dma_start3A_539 : memref<10016x128xf32, #tpu.memory_space<vmem_shared>>) offsets(%dma_start3A_536 : memref<64xi32, #tpu.memory_space<vmem>>) semaphore(%arg18 : memref<!tpu.dma_semaphore, #tpu.memory_space<semaphore_mem>>) {add = true}
      %dma_wait3A_540 = arith.constant 0 : i32
      %dma_wait3A_541 = arith.constant 0 : i32
      %dma_wait3A_542 = tpu.memref_slice %arg2[%dma_wait3A_540, %dma_wait3A_541] : memref<10000x128xf32, #tpu.memory_space<hbm>> -> memref<64x128xf32, #tpu.memory_space<hbm>>
      %dma_wait3A_543 = arith.constant 0 : i32
      %dma_wait3A_544 = arith.constant 0 : i32
      %dma_wait3A_545 = tpu.memref_slice %arg2[%dma_wait3A_543, %dma_wait3A_544] : memref<10000x128xf32, #tpu.memory_space<hbm>> -> memref<64x128xf32, #tpu.memory_space<hbm>>
      tpu.wait_dma2 semaphore(%arg19 : memref<!tpu.dma_semaphore, #tpu.memory_space<semaphore_mem>>) src(%dma_wait3A_545 : memref<64x128xf32, #tpu.memory_space<hbm>>) dst(%arg10 : memref<64x128xf32, #tpu.memory_space<vmem>>)
      %add3A_546 = arith.constant 6 : i32
      %add3A_547 = arith.addi %mul3A_455, %add3A_546 : i32
      %dma_start3A_548 = arith.constant 0 : i32
      %dma_start3A_549 = tpu.memref_slice %arg6[%add3A_547, %dma_start3A_548] : memref<40x64xi32, #tpu.memory_space<vmem>> -> memref<1x64xi32, #tpu.memory_space<vmem>>
      %dma_start3A_550 = tpu.memref_squeeze %dma_start3A_549 : memref<1x64xi32, #tpu.memory_space<vmem>> -> memref<64xi32, #tpu.memory_space<vmem>>
      %dma_start3A_551 = arith.constant 0 : i32
      %dma_start3A_552 = arith.constant 0 : i32
      %dma_start3A_553 = tpu.memref_slice %arg2[%dma_start3A_551, %dma_start3A_552] : memref<10000x128xf32, #tpu.memory_space<hbm>> -> memref<10000x128xf32, #tpu.memory_space<hbm>>
      tpu.enqueue_indirect_dma source(%dma_start3A_553 : memref<10000x128xf32, #tpu.memory_space<hbm>>) target(%arg10 : memref<64x128xf32, #tpu.memory_space<vmem>>) offsets(%dma_start3A_550 : memref<64xi32, #tpu.memory_space<vmem>>) semaphore(%arg15 : memref<!tpu.dma_semaphore, #tpu.memory_space<semaphore_mem>>)
      %dma_wait3A_554 = arith.constant 0 : i32
      %dma_wait3A_555 = arith.constant 0 : i32
      %dma_wait3A_556 = tpu.memref_slice %arg2[%dma_wait3A_554, %dma_wait3A_555] : memref<10000x128xf32, #tpu.memory_space<hbm>> -> memref<64x128xf32, #tpu.memory_space<hbm>>
      %dma_wait3A_557 = arith.constant 0 : i32
      %dma_wait3A_558 = arith.constant 0 : i32
      %dma_wait3A_559 = tpu.memref_slice %arg2[%dma_wait3A_557, %dma_wait3A_558] : memref<10000x128xf32, #tpu.memory_space<hbm>> -> memref<64x128xf32, #tpu.memory_space<hbm>>
      tpu.wait_dma2 semaphore(%arg20 : memref<!tpu.dma_semaphore, #tpu.memory_space<semaphore_mem>>) src(%dma_wait3A_559 : memref<64x128xf32, #tpu.memory_space<hbm>>) dst(%arg11 : memref<64x128xf32, #tpu.memory_space<vmem>>)
      %add3A_560 = arith.constant 7 : i32
      %add3A_561 = arith.addi %mul3A_455, %add3A_560 : i32
      %dma_start3A_562 = arith.constant 0 : i32
      %dma_start3A_563 = tpu.memref_slice %arg6[%add3A_561, %dma_start3A_562] : memref<40x64xi32, #tpu.memory_space<vmem>> -> memref<1x64xi32, #tpu.memory_space<vmem>>
      %dma_start3A_564 = tpu.memref_squeeze %dma_start3A_563 : memref<1x64xi32, #tpu.memory_space<vmem>> -> memref<64xi32, #tpu.memory_space<vmem>>
      %dma_start3A_565 = arith.constant 0 : i32
      %dma_start3A_566 = arith.constant 0 : i32
      %dma_start3A_567 = tpu.memref_slice %arg2[%dma_start3A_565, %dma_start3A_566] : memref<10000x128xf32, #tpu.memory_space<hbm>> -> memref<10000x128xf32, #tpu.memory_space<hbm>>
      tpu.enqueue_indirect_dma source(%dma_start3A_567 : memref<10000x128xf32, #tpu.memory_space<hbm>>) target(%arg11 : memref<64x128xf32, #tpu.memory_space<vmem>>) offsets(%dma_start3A_564 : memref<64xi32, #tpu.memory_space<vmem>>) semaphore(%arg16 : memref<!tpu.dma_semaphore, #tpu.memory_space<semaphore_mem>>)
      %scan3A_568 = arith.constant 0 : i32
      scf.yield %scan3A_568 : i32
    }
    %scan3A_284 = arith.constant 9 : i32
    %dma_wait3A_285 = arith.constant 0 : i32
    %dma_wait3A_286 = arith.constant 0 : i32
    %dma_wait3A_287 = tpu.memref_slice %arg2[%dma_wait3A_285, %dma_wait3A_286] : memref<10000x128xf32, #tpu.memory_space<hbm>> -> memref<64x128xf32, #tpu.memory_space<hbm>>
    %dma_wait3A_288 = arith.constant 0 : i32
    %dma_wait3A_289 = arith.constant 0 : i32
    %dma_wait3A_290 = tpu.memref_slice %arg2[%dma_wait3A_288, %dma_wait3A_289] : memref<10000x128xf32, #tpu.memory_space<hbm>> -> memref<64x128xf32, #tpu.memory_space<hbm>>
    tpu.wait_dma2 semaphore(%arg15 : memref<!tpu.dma_semaphore, #tpu.memory_space<semaphore_mem>>) src(%dma_wait3A_290 : memref<64x128xf32, #tpu.memory_space<hbm>>) dst(%arg10 : memref<64x128xf32, #tpu.memory_space<vmem>>)
    %dma_start3A_291 = arith.constant 38 : i32
    %dma_start3A_292 = arith.constant 0 : i32
    %dma_start3A_293 = tpu.memref_slice %arg7[%dma_start3A_291, %dma_start3A_292] : memref<40x64xi32, #tpu.memory_space<vmem>> -> memref<1x64xi32, #tpu.memory_space<vmem>>
    %dma_start3A_294 = tpu.memref_squeeze %dma_start3A_293 : memref<1x64xi32, #tpu.memory_space<vmem>> -> memref<64xi32, #tpu.memory_space<vmem>>
    %dma_start3A_295 = arith.constant 0 : i32
    %dma_start3A_296 = arith.constant 0 : i32
    %dma_start3A_297 = tpu.memref_slice %arg12[%dma_start3A_295, %dma_start3A_296] : memref<10016x128xf32, #tpu.memory_space<vmem_shared>> -> memref<10016x128xf32, #tpu.memory_space<vmem_shared>>
    tpu.enqueue_indirect_dma source(%arg10 : memref<64x128xf32, #tpu.memory_space<vmem>>) target(%dma_start3A_297 : memref<10016x128xf32, #tpu.memory_space<vmem_shared>>) offsets(%dma_start3A_294 : memref<64xi32, #tpu.memory_space<vmem>>) semaphore(%arg19 : memref<!tpu.dma_semaphore, #tpu.memory_space<semaphore_mem>>) {add = true}
    %dma_wait3A_298 = arith.constant 0 : i32
    %dma_wait3A_299 = arith.constant 0 : i32
    %dma_wait3A_300 = tpu.memref_slice %arg2[%dma_wait3A_298, %dma_wait3A_299] : memref<10000x128xf32, #tpu.memory_space<hbm>> -> memref<64x128xf32, #tpu.memory_space<hbm>>
    %dma_wait3A_301 = arith.constant 0 : i32
    %dma_wait3A_302 = arith.constant 0 : i32
    %dma_wait3A_303 = tpu.memref_slice %arg2[%dma_wait3A_301, %dma_wait3A_302] : memref<10000x128xf32, #tpu.memory_space<hbm>> -> memref<64x128xf32, #tpu.memory_space<hbm>>
    tpu.wait_dma2 semaphore(%arg16 : memref<!tpu.dma_semaphore, #tpu.memory_space<semaphore_mem>>) src(%dma_wait3A_303 : memref<64x128xf32, #tpu.memory_space<hbm>>) dst(%arg11 : memref<64x128xf32, #tpu.memory_space<vmem>>)
    %dma_start3A_304 = arith.constant 39 : i32
    %dma_start3A_305 = arith.constant 0 : i32
    %dma_start3A_306 = tpu.memref_slice %arg7[%dma_start3A_304, %dma_start3A_305] : memref<40x64xi32, #tpu.memory_space<vmem>> -> memref<1x64xi32, #tpu.memory_space<vmem>>
    %dma_start3A_307 = tpu.memref_squeeze %dma_start3A_306 : memref<1x64xi32, #tpu.memory_space<vmem>> -> memref<64xi32, #tpu.memory_space<vmem>>
    %dma_start3A_308 = arith.constant 0 : i32
    %dma_start3A_309 = arith.constant 0 : i32
    %dma_start3A_310 = tpu.memref_slice %arg12[%dma_start3A_308, %dma_start3A_309] : memref<10016x128xf32, #tpu.memory_space<vmem_shared>> -> memref<10016x128xf32, #tpu.memory_space<vmem_shared>>
    tpu.enqueue_indirect_dma source(%arg11 : memref<64x128xf32, #tpu.memory_space<vmem>>) target(%dma_start3A_310 : memref<10016x128xf32, #tpu.memory_space<vmem_shared>>) offsets(%dma_start3A_307 : memref<64xi32, #tpu.memory_space<vmem>>) semaphore(%arg20 : memref<!tpu.dma_semaphore, #tpu.memory_space<semaphore_mem>>) {add = true}
    %dma_wait3A_311 = arith.constant 0 : i32
    %dma_wait3A_312 = arith.constant 0 : i32
    %dma_wait3A_313 = tpu.memref_slice %arg2[%dma_wait3A_311, %dma_wait3A_312] : memref<10000x128xf32, #tpu.memory_space<hbm>> -> memref<64x128xf32, #tpu.memory_space<hbm>>
    %dma_wait3A_314 = arith.constant 0 : i32
    %dma_wait3A_315 = arith.constant 0 : i32
    %dma_wait3A_316 = tpu.memref_slice %arg2[%dma_wait3A_314, %dma_wait3A_315] : memref<10000x128xf32, #tpu.memory_space<hbm>> -> memref<64x128xf32, #tpu.memory_space<hbm>>
    tpu.wait_dma2 semaphore(%arg17 : memref<!tpu.dma_semaphore, #tpu.memory_space<semaphore_mem>>) src(%dma_wait3A_316 : memref<64x128xf32, #tpu.memory_space<hbm>>) dst(%arg8 : memref<64x128xf32, #tpu.memory_space<vmem>>)
    %dma_wait3A_317 = arith.constant 0 : i32
    %dma_wait3A_318 = arith.constant 0 : i32
    %dma_wait3A_319 = tpu.memref_slice %arg2[%dma_wait3A_317, %dma_wait3A_318] : memref<10000x128xf32, #tpu.memory_space<hbm>> -> memref<64x128xf32, #tpu.memory_space<hbm>>
    %dma_wait3A_320 = arith.constant 0 : i32
    %dma_wait3A_321 = arith.constant 0 : i32
    %dma_wait3A_322 = tpu.memref_slice %arg2[%dma_wait3A_320, %dma_wait3A_321] : memref<10000x128xf32, #tpu.memory_space<hbm>> -> memref<64x128xf32, #tpu.memory_space<hbm>>
    tpu.wait_dma2 semaphore(%arg18 : memref<!tpu.dma_semaphore, #tpu.memory_space<semaphore_mem>>) src(%dma_wait3A_322 : memref<64x128xf32, #tpu.memory_space<hbm>>) dst(%arg9 : memref<64x128xf32, #tpu.memory_space<vmem>>)
    %dma_wait3A_323 = arith.constant 0 : i32
    %dma_wait3A_324 = arith.constant 0 : i32
    %dma_wait3A_325 = tpu.memref_slice %arg2[%dma_wait3A_323, %dma_wait3A_324] : memref<10000x128xf32, #tpu.memory_space<hbm>> -> memref<64x128xf32, #tpu.memory_space<hbm>>
    %dma_wait3A_326 = arith.constant 0 : i32
    %dma_wait3A_327 = arith.constant 0 : i32
    %dma_wait3A_328 = tpu.memref_slice %arg2[%dma_wait3A_326, %dma_wait3A_327] : memref<10000x128xf32, #tpu.memory_space<hbm>> -> memref<64x128xf32, #tpu.memory_space<hbm>>
    tpu.wait_dma2 semaphore(%arg19 : memref<!tpu.dma_semaphore, #tpu.memory_space<semaphore_mem>>) src(%dma_wait3A_328 : memref<64x128xf32, #tpu.memory_space<hbm>>) dst(%arg10 : memref<64x128xf32, #tpu.memory_space<vmem>>)
    %dma_wait3A_329 = arith.constant 0 : i32
    %dma_wait3A_330 = arith.constant 0 : i32
    %dma_wait3A_331 = tpu.memref_slice %arg2[%dma_wait3A_329, %dma_wait3A_330] : memref<10000x128xf32, #tpu.memory_space<hbm>> -> memref<64x128xf32, #tpu.memory_space<hbm>>
    %dma_wait3A_332 = arith.constant 0 : i32
    %dma_wait3A_333 = arith.constant 0 : i32
    %dma_wait3A_334 = tpu.memref_slice %arg2[%dma_wait3A_332, %dma_wait3A_333] : memref<10000x128xf32, #tpu.memory_space<hbm>> -> memref<64x128xf32, #tpu.memory_space<hbm>>
    tpu.wait_dma2 semaphore(%arg20 : memref<!tpu.dma_semaphore, #tpu.memory_space<semaphore_mem>>) src(%dma_wait3A_334 : memref<64x128xf32, #tpu.memory_space<hbm>>) dst(%arg11 : memref<64x128xf32, #tpu.memory_space<vmem>>)
    "tpu.region"() ({
      %run_scoped3A = tpu.sem_alloc : memref<!tpu.dma_semaphore, #tpu.memory_space<semaphore_mem>>
      %dma_start3A_452 = arith.constant 0 : i32
      %dma_start3A_453 = arith.constant 0 : i32
      %dma_start3A_454 = tpu.memref_slice %arg3[%add3A, %dma_start3A_452, %dma_start3A_453] : memref<32x160x64xi32, #tpu.memory_space<hbm>> -> memref<1x160x64xi32, #tpu.memory_space<hbm>>
      %dma_start3A_455 = tpu.memref_squeeze %dma_start3A_454 : memref<1x160x64xi32, #tpu.memory_space<hbm>> -> memref<160x64xi32, #tpu.memory_space<hbm>>
      %dma_start3A_456 = arith.constant 120 : i32
      %dma_start3A_457 = arith.constant 0 : i32
      %dma_start3A_458 = tpu.memref_slice %dma_start3A_455[%dma_start3A_456, %dma_start3A_457] : memref<160x64xi32, #tpu.memory_space<hbm>> -> memref<40x64xi32, #tpu.memory_space<hbm>>
      %dma_start3A_459 = arith.constant 0 : i32
      %dma_start3A_460 = arith.constant 0 : i32
      %dma_start3A_461 = tpu.memref_slice %arg3[%add3A, %dma_start3A_459, %dma_start3A_460] : memref<32x160x64xi32, #tpu.memory_space<hbm>> -> memref<1x160x64xi32, #tpu.memory_space<hbm>>
      %dma_start3A_462 = tpu.memref_squeeze %dma_start3A_461 : memref<1x160x64xi32, #tpu.memory_space<hbm>> -> memref<160x64xi32, #tpu.memory_space<hbm>>
      %dma_start3A_463 = arith.constant 120 : i32
      %dma_start3A_464 = arith.constant 0 : i32
      %dma_start3A_465 = tpu.memref_slice %dma_start3A_462[%dma_start3A_463, %dma_start3A_464] : memref<160x64xi32, #tpu.memory_space<hbm>> -> memref<40x64xi32, #tpu.memory_space<hbm>>
      tpu.enqueue_dma source(%dma_start3A_465 : memref<40x64xi32, #tpu.memory_space<hbm>>) target(%arg6 : memref<40x64xi32, #tpu.memory_space<vmem>>) target_semaphore(%run_scoped3A : memref<!tpu.dma_semaphore, #tpu.memory_space<semaphore_mem>>)
      %dma_wait3A_466 = arith.constant 0 : i32
      %dma_wait3A_467 = arith.constant 0 : i32
      %dma_wait3A_468 = tpu.memref_slice %arg3[%add3A, %dma_wait3A_466, %dma_wait3A_467] : memref<32x160x64xi32, #tpu.memory_space<hbm>> -> memref<1x160x64xi32, #tpu.memory_space<hbm>>
      %dma_wait3A_469 = tpu.memref_squeeze %dma_wait3A_468 : memref<1x160x64xi32, #tpu.memory_space<hbm>> -> memref<160x64xi32, #tpu.memory_space<hbm>>
      %dma_wait3A_470 = arith.constant 120 : i32
      %dma_wait3A_471 = arith.constant 0 : i32
      %dma_wait3A_472 = tpu.memref_slice %dma_wait3A_469[%dma_wait3A_470, %dma_wait3A_471] : memref<160x64xi32, #tpu.memory_space<hbm>> -> memref<40x64xi32, #tpu.memory_space<hbm>>
      %dma_wait3A_473 = arith.constant 0 : i32
      %dma_wait3A_474 = arith.constant 0 : i32
      %dma_wait3A_475 = tpu.memref_slice %arg3[%add3A, %dma_wait3A_473, %dma_wait3A_474] : memref<32x160x64xi32, #tpu.memory_space<hbm>> -> memref<1x160x64xi32, #tpu.memory_space<hbm>>
      %dma_wait3A_476 = tpu.memref_squeeze %dma_wait3A_475 : memref<1x160x64xi32, #tpu.memory_space<hbm>> -> memref<160x64xi32, #tpu.memory_space<hbm>>
      %dma_wait3A_477 = arith.constant 120 : i32
      %dma_wait3A_478 = arith.constant 0 : i32
      %dma_wait3A_479 = tpu.memref_slice %dma_wait3A_476[%dma_wait3A_477, %dma_wait3A_478] : memref<160x64xi32, #tpu.memory_space<hbm>> -> memref<40x64xi32, #tpu.memory_space<hbm>>
      tpu.wait_dma2 semaphore(%run_scoped3A : memref<!tpu.dma_semaphore, #tpu.memory_space<semaphore_mem>>) src(%dma_wait3A_479 : memref<40x64xi32, #tpu.memory_space<hbm>>) dst(%arg6 : memref<40x64xi32, #tpu.memory_space<vmem>>)
      tpu.yield
    }) : () -> ()
    "tpu.region"() ({
      %run_scoped3A = tpu.sem_alloc : memref<!tpu.dma_semaphore, #tpu.memory_space<semaphore_mem>>
      %dma_start3A_452 = arith.constant 0 : i32
      %dma_start3A_453 = arith.constant 0 : i32
      %dma_start3A_454 = tpu.memref_slice %arg4[%add3A, %dma_start3A_452, %dma_start3A_453] : memref<32x160x64xi32, #tpu.memory_space<hbm>> -> memref<1x160x64xi32, #tpu.memory_space<hbm>>
      %dma_start3A_455 = tpu.memref_squeeze %dma_start3A_454 : memref<1x160x64xi32, #tpu.memory_space<hbm>> -> memref<160x64xi32, #tpu.memory_space<hbm>>
      %dma_start3A_456 = arith.constant 120 : i32
      %dma_start3A_457 = arith.constant 0 : i32
      %dma_start3A_458 = tpu.memref_slice %dma_start3A_455[%dma_start3A_456, %dma_start3A_457] : memref<160x64xi32, #tpu.memory_space<hbm>> -> memref<40x64xi32, #tpu.memory_space<hbm>>
      %dma_start3A_459 = arith.constant 0 : i32
      %dma_start3A_460 = arith.constant 0 : i32
      %dma_start3A_461 = tpu.memref_slice %arg4[%add3A, %dma_start3A_459, %dma_start3A_460] : memref<32x160x64xi32, #tpu.memory_space<hbm>> -> memref<1x160x64xi32, #tpu.memory_space<hbm>>
      %dma_start3A_462 = tpu.memref_squeeze %dma_start3A_461 : memref<1x160x64xi32, #tpu.memory_space<hbm>> -> memref<160x64xi32, #tpu.memory_space<hbm>>
      %dma_start3A_463 = arith.constant 120 : i32
      %dma_start3A_464 = arith.constant 0 : i32
      %dma_start3A_465 = tpu.memref_slice %dma_start3A_462[%dma_start3A_463, %dma_start3A_464] : memref<160x64xi32, #tpu.memory_space<hbm>> -> memref<40x64xi32, #tpu.memory_space<hbm>>
      tpu.enqueue_dma source(%dma_start3A_465 : memref<40x64xi32, #tpu.memory_space<hbm>>) target(%arg7 : memref<40x64xi32, #tpu.memory_space<vmem>>) target_semaphore(%run_scoped3A : memref<!tpu.dma_semaphore, #tpu.memory_space<semaphore_mem>>)
      %dma_wait3A_466 = arith.constant 0 : i32
      %dma_wait3A_467 = arith.constant 0 : i32
      %dma_wait3A_468 = tpu.memref_slice %arg4[%add3A, %dma_wait3A_466, %dma_wait3A_467] : memref<32x160x64xi32, #tpu.memory_space<hbm>> -> memref<1x160x64xi32, #tpu.memory_space<hbm>>
      %dma_wait3A_469 = tpu.memref_squeeze %dma_wait3A_468 : memref<1x160x64xi32, #tpu.memory_space<hbm>> -> memref<160x64xi32, #tpu.memory_space<hbm>>
      %dma_wait3A_470 = arith.constant 120 : i32
      %dma_wait3A_471 = arith.constant 0 : i32
      %dma_wait3A_472 = tpu.memref_slice %dma_wait3A_469[%dma_wait3A_470, %dma_wait3A_471] : memref<160x64xi32, #tpu.memory_space<hbm>> -> memref<40x64xi32, #tpu.memory_space<hbm>>
      %dma_wait3A_473 = arith.constant 0 : i32
      %dma_wait3A_474 = arith.constant 0 : i32
      %dma_wait3A_475 = tpu.memref_slice %arg4[%add3A, %dma_wait3A_473, %dma_wait3A_474] : memref<32x160x64xi32, #tpu.memory_space<hbm>> -> memref<1x160x64xi32, #tpu.memory_space<hbm>>
      %dma_wait3A_476 = tpu.memref_squeeze %dma_wait3A_475 : memref<1x160x64xi32, #tpu.memory_space<hbm>> -> memref<160x64xi32, #tpu.memory_space<hbm>>
      %dma_wait3A_477 = arith.constant 120 : i32
      %dma_wait3A_478 = arith.constant 0 : i32
      %dma_wait3A_479 = tpu.memref_slice %dma_wait3A_476[%dma_wait3A_477, %dma_wait3A_478] : memref<160x64xi32, #tpu.memory_space<hbm>> -> memref<40x64xi32, #tpu.memory_space<hbm>>
      tpu.wait_dma2 semaphore(%run_scoped3A : memref<!tpu.dma_semaphore, #tpu.memory_space<semaphore_mem>>) src(%dma_wait3A_479 : memref<40x64xi32, #tpu.memory_space<hbm>>) dst(%arg7 : memref<40x64xi32, #tpu.memory_space<vmem>>)
      tpu.yield
    }) : () -> ()
    %dma_start3A_335 = arith.constant 0 : i32
    %dma_start3A_336 = arith.constant 0 : i32
    %dma_start3A_337 = tpu.memref_slice %arg6[%dma_start3A_335, %dma_start3A_336] : memref<40x64xi32, #tpu.memory_space<vmem>> -> memref<1x64xi32, #tpu.memory_space<vmem>>
    %dma_start3A_338 = tpu.memref_squeeze %dma_start3A_337 : memref<1x64xi32, #tpu.memory_space<vmem>> -> memref<64xi32, #tpu.memory_space<vmem>>
    %dma_start3A_339 = arith.constant 0 : i32
    %dma_start3A_340 = arith.constant 0 : i32
    %dma_start3A_341 = tpu.memref_slice %arg2[%dma_start3A_339, %dma_start3A_340] : memref<10000x128xf32, #tpu.memory_space<hbm>> -> memref<10000x128xf32, #tpu.memory_space<hbm>>
    tpu.enqueue_indirect_dma source(%dma_start3A_341 : memref<10000x128xf32, #tpu.memory_space<hbm>>) target(%arg8 : memref<64x128xf32, #tpu.memory_space<vmem>>) offsets(%dma_start3A_338 : memref<64xi32, #tpu.memory_space<vmem>>) semaphore(%arg13 : memref<!tpu.dma_semaphore, #tpu.memory_space<semaphore_mem>>)
    %dma_start3A_342 = arith.constant 1 : i32
    %dma_start3A_343 = arith.constant 0 : i32
    %dma_start3A_344 = tpu.memref_slice %arg6[%dma_start3A_342, %dma_start3A_343] : memref<40x64xi32, #tpu.memory_space<vmem>> -> memref<1x64xi32, #tpu.memory_space<vmem>>
    %dma_start3A_345 = tpu.memref_squeeze %dma_start3A_344 : memref<1x64xi32, #tpu.memory_space<vmem>> -> memref<64xi32, #tpu.memory_space<vmem>>
    %dma_start3A_346 = arith.constant 0 : i32
    %dma_start3A_347 = arith.constant 0 : i32
    %dma_start3A_348 = tpu.memref_slice %arg2[%dma_start3A_346, %dma_start3A_347] : memref<10000x128xf32, #tpu.memory_space<hbm>> -> memref<10000x128xf32, #tpu.memory_space<hbm>>
    tpu.enqueue_indirect_dma source(%dma_start3A_348 : memref<10000x128xf32, #tpu.memory_space<hbm>>) target(%arg9 : memref<64x128xf32, #tpu.memory_space<vmem>>) offsets(%dma_start3A_345 : memref<64xi32, #tpu.memory_space<vmem>>) semaphore(%arg14 : memref<!tpu.dma_semaphore, #tpu.memory_space<semaphore_mem>>)
    %dma_wait3A_349 = arith.constant 0 : i32
    %dma_wait3A_350 = arith.constant 0 : i32
    %dma_wait3A_351 = tpu.memref_slice %arg2[%dma_wait3A_349, %dma_wait3A_350] : memref<10000x128xf32, #tpu.memory_space<hbm>> -> memref<64x128xf32, #tpu.memory_space<hbm>>
    %dma_wait3A_352 = arith.constant 0 : i32
    %dma_wait3A_353 = arith.constant 0 : i32
    %dma_wait3A_354 = tpu.memref_slice %arg2[%dma_wait3A_352, %dma_wait3A_353] : memref<10000x128xf32, #tpu.memory_space<hbm>> -> memref<64x128xf32, #tpu.memory_space<hbm>>
    tpu.wait_dma2 semaphore(%arg13 : memref<!tpu.dma_semaphore, #tpu.memory_space<semaphore_mem>>) src(%dma_wait3A_354 : memref<64x128xf32, #tpu.memory_space<hbm>>) dst(%arg8 : memref<64x128xf32, #tpu.memory_space<vmem>>)
    %dma_start3A_355 = arith.constant 0 : i32
    %dma_start3A_356 = arith.constant 0 : i32
    %dma_start3A_357 = tpu.memref_slice %arg7[%dma_start3A_355, %dma_start3A_356] : memref<40x64xi32, #tpu.memory_space<vmem>> -> memref<1x64xi32, #tpu.memory_space<vmem>>
    %dma_start3A_358 = tpu.memref_squeeze %dma_start3A_357 : memref<1x64xi32, #tpu.memory_space<vmem>> -> memref<64xi32, #tpu.memory_space<vmem>>
    %dma_start3A_359 = arith.constant 0 : i32
    %dma_start3A_360 = arith.constant 0 : i32
    %dma_start3A_361 = tpu.memref_slice %arg12[%dma_start3A_359, %dma_start3A_360] : memref<10016x128xf32, #tpu.memory_space<vmem_shared>> -> memref<10016x128xf32, #tpu.memory_space<vmem_shared>>
    tpu.enqueue_indirect_dma source(%arg8 : memref<64x128xf32, #tpu.memory_space<vmem>>) target(%dma_start3A_361 : memref<10016x128xf32, #tpu.memory_space<vmem_shared>>) offsets(%dma_start3A_358 : memref<64xi32, #tpu.memory_space<vmem>>) semaphore(%arg17 : memref<!tpu.dma_semaphore, #tpu.memory_space<semaphore_mem>>) {add = true}
    %dma_wait3A_362 = arith.constant 0 : i32
    %dma_wait3A_363 = arith.constant 0 : i32
    %dma_wait3A_364 = tpu.memref_slice %arg2[%dma_wait3A_362, %dma_wait3A_363] : memref<10000x128xf32, #tpu.memory_space<hbm>> -> memref<64x128xf32, #tpu.memory_space<hbm>>
    %dma_wait3A_365 = arith.constant 0 : i32
    %dma_wait3A_366 = arith.constant 0 : i32
    %dma_wait3A_367 = tpu.memref_slice %arg2[%dma_wait3A_365, %dma_wait3A_366] : memref<10000x128xf32, #tpu.memory_space<hbm>> -> memref<64x128xf32, #tpu.memory_space<hbm>>
    tpu.wait_dma2 semaphore(%arg14 : memref<!tpu.dma_semaphore, #tpu.memory_space<semaphore_mem>>) src(%dma_wait3A_367 : memref<64x128xf32, #tpu.memory_space<hbm>>) dst(%arg9 : memref<64x128xf32, #tpu.memory_space<vmem>>)
    %dma_start3A_368 = arith.constant 1 : i32
    %dma_start3A_369 = arith.constant 0 : i32
    %dma_start3A_370 = tpu.memref_slice %arg7[%dma_start3A_368, %dma_start3A_369] : memref<40x64xi32, #tpu.memory_space<vmem>> -> memref<1x64xi32, #tpu.memory_space<vmem>>
    %dma_start3A_371 = tpu.memref_squeeze %dma_start3A_370 : memref<1x64xi32, #tpu.memory_space<vmem>> -> memref<64xi32, #tpu.memory_space<vmem>>
    %dma_start3A_372 = arith.constant 0 : i32
    %dma_start3A_373 = arith.constant 0 : i32
    %dma_start3A_374 = tpu.memref_slice %arg12[%dma_start3A_372, %dma_start3A_373] : memref<10016x128xf32, #tpu.memory_space<vmem_shared>> -> memref<10016x128xf32, #tpu.memory_space<vmem_shared>>
    tpu.enqueue_indirect_dma source(%arg9 : memref<64x128xf32, #tpu.memory_space<vmem>>) target(%dma_start3A_374 : memref<10016x128xf32, #tpu.memory_space<vmem_shared>>) offsets(%dma_start3A_371 : memref<64xi32, #tpu.memory_space<vmem>>) semaphore(%arg18 : memref<!tpu.dma_semaphore, #tpu.memory_space<semaphore_mem>>) {add = true}
    %dma_start3A_375 = arith.constant 2 : i32
    %dma_start3A_376 = arith.constant 0 : i32
    %dma_start3A_377 = tpu.memref_slice %arg6[%dma_start3A_375, %dma_start3A_376] : memref<40x64xi32, #tpu.memory_space<vmem>> -> memref<1x64xi32, #tpu.memory_space<vmem>>
    %dma_start3A_378 = tpu.memref_squeeze %dma_start3A_377 : memref<1x64xi32, #tpu.memory_space<vmem>> -> memref<64xi32, #tpu.memory_space<vmem>>
    %dma_start3A_379 = arith.constant 0 : i32
    %dma_start3A_380 = arith.constant 0 : i32
    %dma_start3A_381 = tpu.memref_slice %arg2[%dma_start3A_379, %dma_start3A_380] : memref<10000x128xf32, #tpu.memory_space<hbm>> -> memref<10000x128xf32, #tpu.memory_space<hbm>>
    tpu.enqueue_indirect_dma source(%dma_start3A_381 : memref<10000x128xf32, #tpu.memory_space<hbm>>) target(%arg10 : memref<64x128xf32, #tpu.memory_space<vmem>>) offsets(%dma_start3A_378 : memref<64xi32, #tpu.memory_space<vmem>>) semaphore(%arg15 : memref<!tpu.dma_semaphore, #tpu.memory_space<semaphore_mem>>)
    %dma_start3A_382 = arith.constant 3 : i32
    %dma_start3A_383 = arith.constant 0 : i32
    %dma_start3A_384 = tpu.memref_slice %arg6[%dma_start3A_382, %dma_start3A_383] : memref<40x64xi32, #tpu.memory_space<vmem>> -> memref<1x64xi32, #tpu.memory_space<vmem>>
    %dma_start3A_385 = tpu.memref_squeeze %dma_start3A_384 : memref<1x64xi32, #tpu.memory_space<vmem>> -> memref<64xi32, #tpu.memory_space<vmem>>
    %dma_start3A_386 = arith.constant 0 : i32
    %dma_start3A_387 = arith.constant 0 : i32
    %dma_start3A_388 = tpu.memref_slice %arg2[%dma_start3A_386, %dma_start3A_387] : memref<10000x128xf32, #tpu.memory_space<hbm>> -> memref<10000x128xf32, #tpu.memory_space<hbm>>
    tpu.enqueue_indirect_dma source(%dma_start3A_388 : memref<10000x128xf32, #tpu.memory_space<hbm>>) target(%arg11 : memref<64x128xf32, #tpu.memory_space<vmem>>) offsets(%dma_start3A_385 : memref<64xi32, #tpu.memory_space<vmem>>) semaphore(%arg16 : memref<!tpu.dma_semaphore, #tpu.memory_space<semaphore_mem>>)
    %scan3A_389 = arith.constant 0 : i32
    %scan3A_390 = arith.constant 0 : i32
    %scan3A_391 = arith.constant 9 : i32
    %scan3A_392 = arith.addi %scan3A_390, %scan3A_391 : i32
    %scan3A_393 = arith.constant 1 : i32
    %scan3A_394 = scf.for %scan3A_452 = %scan3A_390 to %scan3A_392 step %scan3A_393 iter_args(%scan3A_453 = %scan3A_389) -> (i32)  : i32 {
      %mul3A_454 = arith.constant 4 : i32
      %mul3A_455 = arith.muli %scan3A_452, %mul3A_454 : i32
      %dma_wait3A_456 = arith.constant 0 : i32
      %dma_wait3A_457 = arith.constant 0 : i32
      %dma_wait3A_458 = tpu.memref_slice %arg2[%dma_wait3A_456, %dma_wait3A_457] : memref<10000x128xf32, #tpu.memory_space<hbm>> -> memref<64x128xf32, #tpu.memory_space<hbm>>
      %dma_wait3A_459 = arith.constant 0 : i32
      %dma_wait3A_460 = arith.constant 0 : i32
      %dma_wait3A_461 = tpu.memref_slice %arg2[%dma_wait3A_459, %dma_wait3A_460] : memref<10000x128xf32, #tpu.memory_space<hbm>> -> memref<64x128xf32, #tpu.memory_space<hbm>>
      tpu.wait_dma2 semaphore(%arg15 : memref<!tpu.dma_semaphore, #tpu.memory_space<semaphore_mem>>) src(%dma_wait3A_461 : memref<64x128xf32, #tpu.memory_space<hbm>>) dst(%arg10 : memref<64x128xf32, #tpu.memory_space<vmem>>)
      %add3A_462 = arith.constant 2 : i32
      %add3A_463 = arith.addi %mul3A_455, %add3A_462 : i32
      %dma_start3A_464 = arith.constant 0 : i32
      %dma_start3A_465 = tpu.memref_slice %arg7[%add3A_463, %dma_start3A_464] : memref<40x64xi32, #tpu.memory_space<vmem>> -> memref<1x64xi32, #tpu.memory_space<vmem>>
      %dma_start3A_466 = tpu.memref_squeeze %dma_start3A_465 : memref<1x64xi32, #tpu.memory_space<vmem>> -> memref<64xi32, #tpu.memory_space<vmem>>
      %dma_start3A_467 = arith.constant 0 : i32
      %dma_start3A_468 = arith.constant 0 : i32
      %dma_start3A_469 = tpu.memref_slice %arg12[%dma_start3A_467, %dma_start3A_468] : memref<10016x128xf32, #tpu.memory_space<vmem_shared>> -> memref<10016x128xf32, #tpu.memory_space<vmem_shared>>
      tpu.enqueue_indirect_dma source(%arg10 : memref<64x128xf32, #tpu.memory_space<vmem>>) target(%dma_start3A_469 : memref<10016x128xf32, #tpu.memory_space<vmem_shared>>) offsets(%dma_start3A_466 : memref<64xi32, #tpu.memory_space<vmem>>) semaphore(%arg19 : memref<!tpu.dma_semaphore, #tpu.memory_space<semaphore_mem>>) {add = true}
      %dma_wait3A_470 = arith.constant 0 : i32
      %dma_wait3A_471 = arith.constant 0 : i32
      %dma_wait3A_472 = tpu.memref_slice %arg2[%dma_wait3A_470, %dma_wait3A_471] : memref<10000x128xf32, #tpu.memory_space<hbm>> -> memref<64x128xf32, #tpu.memory_space<hbm>>
      %dma_wait3A_473 = arith.constant 0 : i32
      %dma_wait3A_474 = arith.constant 0 : i32
      %dma_wait3A_475 = tpu.memref_slice %arg2[%dma_wait3A_473, %dma_wait3A_474] : memref<10000x128xf32, #tpu.memory_space<hbm>> -> memref<64x128xf32, #tpu.memory_space<hbm>>
      tpu.wait_dma2 semaphore(%arg16 : memref<!tpu.dma_semaphore, #tpu.memory_space<semaphore_mem>>) src(%dma_wait3A_475 : memref<64x128xf32, #tpu.memory_space<hbm>>) dst(%arg11 : memref<64x128xf32, #tpu.memory_space<vmem>>)
      %add3A_476 = arith.constant 3 : i32
      %add3A_477 = arith.addi %mul3A_455, %add3A_476 : i32
      %dma_start3A_478 = arith.constant 0 : i32
      %dma_start3A_479 = tpu.memref_slice %arg7[%add3A_477, %dma_start3A_478] : memref<40x64xi32, #tpu.memory_space<vmem>> -> memref<1x64xi32, #tpu.memory_space<vmem>>
      %dma_start3A_480 = tpu.memref_squeeze %dma_start3A_479 : memref<1x64xi32, #tpu.memory_space<vmem>> -> memref<64xi32, #tpu.memory_space<vmem>>
      %dma_start3A_481 = arith.constant 0 : i32
      %dma_start3A_482 = arith.constant 0 : i32
      %dma_start3A_483 = tpu.memref_slice %arg12[%dma_start3A_481, %dma_start3A_482] : memref<10016x128xf32, #tpu.memory_space<vmem_shared>> -> memref<10016x128xf32, #tpu.memory_space<vmem_shared>>
      tpu.enqueue_indirect_dma source(%arg11 : memref<64x128xf32, #tpu.memory_space<vmem>>) target(%dma_start3A_483 : memref<10016x128xf32, #tpu.memory_space<vmem_shared>>) offsets(%dma_start3A_480 : memref<64xi32, #tpu.memory_space<vmem>>) semaphore(%arg20 : memref<!tpu.dma_semaphore, #tpu.memory_space<semaphore_mem>>) {add = true}
      %dma_wait3A_484 = arith.constant 0 : i32
      %dma_wait3A_485 = arith.constant 0 : i32
      %dma_wait3A_486 = tpu.memref_slice %arg2[%dma_wait3A_484, %dma_wait3A_485] : memref<10000x128xf32, #tpu.memory_space<hbm>> -> memref<64x128xf32, #tpu.memory_space<hbm>>
      %dma_wait3A_487 = arith.constant 0 : i32
      %dma_wait3A_488 = arith.constant 0 : i32
      %dma_wait3A_489 = tpu.memref_slice %arg2[%dma_wait3A_487, %dma_wait3A_488] : memref<10000x128xf32, #tpu.memory_space<hbm>> -> memref<64x128xf32, #tpu.memory_space<hbm>>
      tpu.wait_dma2 semaphore(%arg17 : memref<!tpu.dma_semaphore, #tpu.memory_space<semaphore_mem>>) src(%dma_wait3A_489 : memref<64x128xf32, #tpu.memory_space<hbm>>) dst(%arg8 : memref<64x128xf32, #tpu.memory_space<vmem>>)
      %add3A_490 = arith.constant 4 : i32
      %add3A_491 = arith.addi %mul3A_455, %add3A_490 : i32
      %dma_start3A_492 = arith.constant 0 : i32
      %dma_start3A_493 = tpu.memref_slice %arg6[%add3A_491, %dma_start3A_492] : memref<40x64xi32, #tpu.memory_space<vmem>> -> memref<1x64xi32, #tpu.memory_space<vmem>>
      %dma_start3A_494 = tpu.memref_squeeze %dma_start3A_493 : memref<1x64xi32, #tpu.memory_space<vmem>> -> memref<64xi32, #tpu.memory_space<vmem>>
      %dma_start3A_495 = arith.constant 0 : i32
      %dma_start3A_496 = arith.constant 0 : i32
      %dma_start3A_497 = tpu.memref_slice %arg2[%dma_start3A_495, %dma_start3A_496] : memref<10000x128xf32, #tpu.memory_space<hbm>> -> memref<10000x128xf32, #tpu.memory_space<hbm>>
      tpu.enqueue_indirect_dma source(%dma_start3A_497 : memref<10000x128xf32, #tpu.memory_space<hbm>>) target(%arg8 : memref<64x128xf32, #tpu.memory_space<vmem>>) offsets(%dma_start3A_494 : memref<64xi32, #tpu.memory_space<vmem>>) semaphore(%arg13 : memref<!tpu.dma_semaphore, #tpu.memory_space<semaphore_mem>>)
      %dma_wait3A_498 = arith.constant 0 : i32
      %dma_wait3A_499 = arith.constant 0 : i32
      %dma_wait3A_500 = tpu.memref_slice %arg2[%dma_wait3A_498, %dma_wait3A_499] : memref<10000x128xf32, #tpu.memory_space<hbm>> -> memref<64x128xf32, #tpu.memory_space<hbm>>
      %dma_wait3A_501 = arith.constant 0 : i32
      %dma_wait3A_502 = arith.constant 0 : i32
      %dma_wait3A_503 = tpu.memref_slice %arg2[%dma_wait3A_501, %dma_wait3A_502] : memref<10000x128xf32, #tpu.memory_space<hbm>> -> memref<64x128xf32, #tpu.memory_space<hbm>>
      tpu.wait_dma2 semaphore(%arg18 : memref<!tpu.dma_semaphore, #tpu.memory_space<semaphore_mem>>) src(%dma_wait3A_503 : memref<64x128xf32, #tpu.memory_space<hbm>>) dst(%arg9 : memref<64x128xf32, #tpu.memory_space<vmem>>)
      %add3A_504 = arith.constant 5 : i32
      %add3A_505 = arith.addi %mul3A_455, %add3A_504 : i32
      %dma_start3A_506 = arith.constant 0 : i32
      %dma_start3A_507 = tpu.memref_slice %arg6[%add3A_505, %dma_start3A_506] : memref<40x64xi32, #tpu.memory_space<vmem>> -> memref<1x64xi32, #tpu.memory_space<vmem>>
      %dma_start3A_508 = tpu.memref_squeeze %dma_start3A_507 : memref<1x64xi32, #tpu.memory_space<vmem>> -> memref<64xi32, #tpu.memory_space<vmem>>
      %dma_start3A_509 = arith.constant 0 : i32
      %dma_start3A_510 = arith.constant 0 : i32
      %dma_start3A_511 = tpu.memref_slice %arg2[%dma_start3A_509, %dma_start3A_510] : memref<10000x128xf32, #tpu.memory_space<hbm>> -> memref<10000x128xf32, #tpu.memory_space<hbm>>
      tpu.enqueue_indirect_dma source(%dma_start3A_511 : memref<10000x128xf32, #tpu.memory_space<hbm>>) target(%arg9 : memref<64x128xf32, #tpu.memory_space<vmem>>) offsets(%dma_start3A_508 : memref<64xi32, #tpu.memory_space<vmem>>) semaphore(%arg14 : memref<!tpu.dma_semaphore, #tpu.memory_space<semaphore_mem>>)
      %dma_wait3A_512 = arith.constant 0 : i32
      %dma_wait3A_513 = arith.constant 0 : i32
      %dma_wait3A_514 = tpu.memref_slice %arg2[%dma_wait3A_512, %dma_wait3A_513] : memref<10000x128xf32, #tpu.memory_space<hbm>> -> memref<64x128xf32, #tpu.memory_space<hbm>>
      %dma_wait3A_515 = arith.constant 0 : i32
      %dma_wait3A_516 = arith.constant 0 : i32
      %dma_wait3A_517 = tpu.memref_slice %arg2[%dma_wait3A_515, %dma_wait3A_516] : memref<10000x128xf32, #tpu.memory_space<hbm>> -> memref<64x128xf32, #tpu.memory_space<hbm>>
      tpu.wait_dma2 semaphore(%arg13 : memref<!tpu.dma_semaphore, #tpu.memory_space<semaphore_mem>>) src(%dma_wait3A_517 : memref<64x128xf32, #tpu.memory_space<hbm>>) dst(%arg8 : memref<64x128xf32, #tpu.memory_space<vmem>>)
      %add3A_518 = arith.constant 4 : i32
      %add3A_519 = arith.addi %mul3A_455, %add3A_518 : i32
      %dma_start3A_520 = arith.constant 0 : i32
      %dma_start3A_521 = tpu.memref_slice %arg7[%add3A_519, %dma_start3A_520] : memref<40x64xi32, #tpu.memory_space<vmem>> -> memref<1x64xi32, #tpu.memory_space<vmem>>
      %dma_start3A_522 = tpu.memref_squeeze %dma_start3A_521 : memref<1x64xi32, #tpu.memory_space<vmem>> -> memref<64xi32, #tpu.memory_space<vmem>>
      %dma_start3A_523 = arith.constant 0 : i32
      %dma_start3A_524 = arith.constant 0 : i32
      %dma_start3A_525 = tpu.memref_slice %arg12[%dma_start3A_523, %dma_start3A_524] : memref<10016x128xf32, #tpu.memory_space<vmem_shared>> -> memref<10016x128xf32, #tpu.memory_space<vmem_shared>>
      tpu.enqueue_indirect_dma source(%arg8 : memref<64x128xf32, #tpu.memory_space<vmem>>) target(%dma_start3A_525 : memref<10016x128xf32, #tpu.memory_space<vmem_shared>>) offsets(%dma_start3A_522 : memref<64xi32, #tpu.memory_space<vmem>>) semaphore(%arg17 : memref<!tpu.dma_semaphore, #tpu.memory_space<semaphore_mem>>) {add = true}
      %dma_wait3A_526 = arith.constant 0 : i32
      %dma_wait3A_527 = arith.constant 0 : i32
      %dma_wait3A_528 = tpu.memref_slice %arg2[%dma_wait3A_526, %dma_wait3A_527] : memref<10000x128xf32, #tpu.memory_space<hbm>> -> memref<64x128xf32, #tpu.memory_space<hbm>>
      %dma_wait3A_529 = arith.constant 0 : i32
      %dma_wait3A_530 = arith.constant 0 : i32
      %dma_wait3A_531 = tpu.memref_slice %arg2[%dma_wait3A_529, %dma_wait3A_530] : memref<10000x128xf32, #tpu.memory_space<hbm>> -> memref<64x128xf32, #tpu.memory_space<hbm>>
      tpu.wait_dma2 semaphore(%arg14 : memref<!tpu.dma_semaphore, #tpu.memory_space<semaphore_mem>>) src(%dma_wait3A_531 : memref<64x128xf32, #tpu.memory_space<hbm>>) dst(%arg9 : memref<64x128xf32, #tpu.memory_space<vmem>>)
      %add3A_532 = arith.constant 5 : i32
      %add3A_533 = arith.addi %mul3A_455, %add3A_532 : i32
      %dma_start3A_534 = arith.constant 0 : i32
      %dma_start3A_535 = tpu.memref_slice %arg7[%add3A_533, %dma_start3A_534] : memref<40x64xi32, #tpu.memory_space<vmem>> -> memref<1x64xi32, #tpu.memory_space<vmem>>
      %dma_start3A_536 = tpu.memref_squeeze %dma_start3A_535 : memref<1x64xi32, #tpu.memory_space<vmem>> -> memref<64xi32, #tpu.memory_space<vmem>>
      %dma_start3A_537 = arith.constant 0 : i32
      %dma_start3A_538 = arith.constant 0 : i32
      %dma_start3A_539 = tpu.memref_slice %arg12[%dma_start3A_537, %dma_start3A_538] : memref<10016x128xf32, #tpu.memory_space<vmem_shared>> -> memref<10016x128xf32, #tpu.memory_space<vmem_shared>>
      tpu.enqueue_indirect_dma source(%arg9 : memref<64x128xf32, #tpu.memory_space<vmem>>) target(%dma_start3A_539 : memref<10016x128xf32, #tpu.memory_space<vmem_shared>>) offsets(%dma_start3A_536 : memref<64xi32, #tpu.memory_space<vmem>>) semaphore(%arg18 : memref<!tpu.dma_semaphore, #tpu.memory_space<semaphore_mem>>) {add = true}
      %dma_wait3A_540 = arith.constant 0 : i32
      %dma_wait3A_541 = arith.constant 0 : i32
      %dma_wait3A_542 = tpu.memref_slice %arg2[%dma_wait3A_540, %dma_wait3A_541] : memref<10000x128xf32, #tpu.memory_space<hbm>> -> memref<64x128xf32, #tpu.memory_space<hbm>>
      %dma_wait3A_543 = arith.constant 0 : i32
      %dma_wait3A_544 = arith.constant 0 : i32
      %dma_wait3A_545 = tpu.memref_slice %arg2[%dma_wait3A_543, %dma_wait3A_544] : memref<10000x128xf32, #tpu.memory_space<hbm>> -> memref<64x128xf32, #tpu.memory_space<hbm>>
      tpu.wait_dma2 semaphore(%arg19 : memref<!tpu.dma_semaphore, #tpu.memory_space<semaphore_mem>>) src(%dma_wait3A_545 : memref<64x128xf32, #tpu.memory_space<hbm>>) dst(%arg10 : memref<64x128xf32, #tpu.memory_space<vmem>>)
      %add3A_546 = arith.constant 6 : i32
      %add3A_547 = arith.addi %mul3A_455, %add3A_546 : i32
      %dma_start3A_548 = arith.constant 0 : i32
      %dma_start3A_549 = tpu.memref_slice %arg6[%add3A_547, %dma_start3A_548] : memref<40x64xi32, #tpu.memory_space<vmem>> -> memref<1x64xi32, #tpu.memory_space<vmem>>
      %dma_start3A_550 = tpu.memref_squeeze %dma_start3A_549 : memref<1x64xi32, #tpu.memory_space<vmem>> -> memref<64xi32, #tpu.memory_space<vmem>>
      %dma_start3A_551 = arith.constant 0 : i32
      %dma_start3A_552 = arith.constant 0 : i32
      %dma_start3A_553 = tpu.memref_slice %arg2[%dma_start3A_551, %dma_start3A_552] : memref<10000x128xf32, #tpu.memory_space<hbm>> -> memref<10000x128xf32, #tpu.memory_space<hbm>>
      tpu.enqueue_indirect_dma source(%dma_start3A_553 : memref<10000x128xf32, #tpu.memory_space<hbm>>) target(%arg10 : memref<64x128xf32, #tpu.memory_space<vmem>>) offsets(%dma_start3A_550 : memref<64xi32, #tpu.memory_space<vmem>>) semaphore(%arg15 : memref<!tpu.dma_semaphore, #tpu.memory_space<semaphore_mem>>)
      %dma_wait3A_554 = arith.constant 0 : i32
      %dma_wait3A_555 = arith.constant 0 : i32
      %dma_wait3A_556 = tpu.memref_slice %arg2[%dma_wait3A_554, %dma_wait3A_555] : memref<10000x128xf32, #tpu.memory_space<hbm>> -> memref<64x128xf32, #tpu.memory_space<hbm>>
      %dma_wait3A_557 = arith.constant 0 : i32
      %dma_wait3A_558 = arith.constant 0 : i32
      %dma_wait3A_559 = tpu.memref_slice %arg2[%dma_wait3A_557, %dma_wait3A_558] : memref<10000x128xf32, #tpu.memory_space<hbm>> -> memref<64x128xf32, #tpu.memory_space<hbm>>
      tpu.wait_dma2 semaphore(%arg20 : memref<!tpu.dma_semaphore, #tpu.memory_space<semaphore_mem>>) src(%dma_wait3A_559 : memref<64x128xf32, #tpu.memory_space<hbm>>) dst(%arg11 : memref<64x128xf32, #tpu.memory_space<vmem>>)
      %add3A_560 = arith.constant 7 : i32
      %add3A_561 = arith.addi %mul3A_455, %add3A_560 : i32
      %dma_start3A_562 = arith.constant 0 : i32
      %dma_start3A_563 = tpu.memref_slice %arg6[%add3A_561, %dma_start3A_562] : memref<40x64xi32, #tpu.memory_space<vmem>> -> memref<1x64xi32, #tpu.memory_space<vmem>>
      %dma_start3A_564 = tpu.memref_squeeze %dma_start3A_563 : memref<1x64xi32, #tpu.memory_space<vmem>> -> memref<64xi32, #tpu.memory_space<vmem>>
      %dma_start3A_565 = arith.constant 0 : i32
      %dma_start3A_566 = arith.constant 0 : i32
      %dma_start3A_567 = tpu.memref_slice %arg2[%dma_start3A_565, %dma_start3A_566] : memref<10000x128xf32, #tpu.memory_space<hbm>> -> memref<10000x128xf32, #tpu.memory_space<hbm>>
      tpu.enqueue_indirect_dma source(%dma_start3A_567 : memref<10000x128xf32, #tpu.memory_space<hbm>>) target(%arg11 : memref<64x128xf32, #tpu.memory_space<vmem>>) offsets(%dma_start3A_564 : memref<64xi32, #tpu.memory_space<vmem>>) semaphore(%arg16 : memref<!tpu.dma_semaphore, #tpu.memory_space<semaphore_mem>>)
      %scan3A_568 = arith.constant 0 : i32
      scf.yield %scan3A_568 : i32
    }
    %scan3A_395 = arith.constant 9 : i32
    %dma_wait3A_396 = arith.constant 0 : i32
    %dma_wait3A_397 = arith.constant 0 : i32
    %dma_wait3A_398 = tpu.memref_slice %arg2[%dma_wait3A_396, %dma_wait3A_397] : memref<10000x128xf32, #tpu.memory_space<hbm>> -> memref<64x128xf32, #tpu.memory_space<hbm>>
    %dma_wait3A_399 = arith.constant 0 : i32
    %dma_wait3A_400 = arith.constant 0 : i32
    %dma_wait3A_401 = tpu.memref_slice %arg2[%dma_wait3A_399, %dma_wait3A_400] : memref<10000x128xf32, #tpu.memory_space<hbm>> -> memref<64x128xf32, #tpu.memory_space<hbm>>
    tpu.wait_dma2 semaphore(%arg15 : memref<!tpu.dma_semaphore, #tpu.memory_space<semaphore_mem>>) src(%dma_wait3A_401 : memref<64x128xf32, #tpu.memory_space<hbm>>) dst(%arg10 : memref<64x128xf32, #tpu.memory_space<vmem>>)
    %dma_start3A_402 = arith.constant 38 : i32
    %dma_start3A_403 = arith.constant 0 : i32
    %dma_start3A_404 = tpu.memref_slice %arg7[%dma_start3A_402, %dma_start3A_403] : memref<40x64xi32, #tpu.memory_space<vmem>> -> memref<1x64xi32, #tpu.memory_space<vmem>>
    %dma_start3A_405 = tpu.memref_squeeze %dma_start3A_404 : memref<1x64xi32, #tpu.memory_space<vmem>> -> memref<64xi32, #tpu.memory_space<vmem>>
    %dma_start3A_406 = arith.constant 0 : i32
    %dma_start3A_407 = arith.constant 0 : i32
    %dma_start3A_408 = tpu.memref_slice %arg12[%dma_start3A_406, %dma_start3A_407] : memref<10016x128xf32, #tpu.memory_space<vmem_shared>> -> memref<10016x128xf32, #tpu.memory_space<vmem_shared>>
    tpu.enqueue_indirect_dma source(%arg10 : memref<64x128xf32, #tpu.memory_space<vmem>>) target(%dma_start3A_408 : memref<10016x128xf32, #tpu.memory_space<vmem_shared>>) offsets(%dma_start3A_405 : memref<64xi32, #tpu.memory_space<vmem>>) semaphore(%arg19 : memref<!tpu.dma_semaphore, #tpu.memory_space<semaphore_mem>>) {add = true}
    %dma_wait3A_409 = arith.constant 0 : i32
    %dma_wait3A_410 = arith.constant 0 : i32
    %dma_wait3A_411 = tpu.memref_slice %arg2[%dma_wait3A_409, %dma_wait3A_410] : memref<10000x128xf32, #tpu.memory_space<hbm>> -> memref<64x128xf32, #tpu.memory_space<hbm>>
    %dma_wait3A_412 = arith.constant 0 : i32
    %dma_wait3A_413 = arith.constant 0 : i32
    %dma_wait3A_414 = tpu.memref_slice %arg2[%dma_wait3A_412, %dma_wait3A_413] : memref<10000x128xf32, #tpu.memory_space<hbm>> -> memref<64x128xf32, #tpu.memory_space<hbm>>
    tpu.wait_dma2 semaphore(%arg16 : memref<!tpu.dma_semaphore, #tpu.memory_space<semaphore_mem>>) src(%dma_wait3A_414 : memref<64x128xf32, #tpu.memory_space<hbm>>) dst(%arg11 : memref<64x128xf32, #tpu.memory_space<vmem>>)
    %dma_start3A_415 = arith.constant 39 : i32
    %dma_start3A_416 = arith.constant 0 : i32
    %dma_start3A_417 = tpu.memref_slice %arg7[%dma_start3A_415, %dma_start3A_416] : memref<40x64xi32, #tpu.memory_space<vmem>> -> memref<1x64xi32, #tpu.memory_space<vmem>>
    %dma_start3A_418 = tpu.memref_squeeze %dma_start3A_417 : memref<1x64xi32, #tpu.memory_space<vmem>> -> memref<64xi32, #tpu.memory_space<vmem>>
    %dma_start3A_419 = arith.constant 0 : i32
    %dma_start3A_420 = arith.constant 0 : i32
    %dma_start3A_421 = tpu.memref_slice %arg12[%dma_start3A_419, %dma_start3A_420] : memref<10016x128xf32, #tpu.memory_space<vmem_shared>> -> memref<10016x128xf32, #tpu.memory_space<vmem_shared>>
    tpu.enqueue_indirect_dma source(%arg11 : memref<64x128xf32, #tpu.memory_space<vmem>>) target(%dma_start3A_421 : memref<10016x128xf32, #tpu.memory_space<vmem_shared>>) offsets(%dma_start3A_418 : memref<64xi32, #tpu.memory_space<vmem>>) semaphore(%arg20 : memref<!tpu.dma_semaphore, #tpu.memory_space<semaphore_mem>>) {add = true}
    %dma_wait3A_422 = arith.constant 0 : i32
    %dma_wait3A_423 = arith.constant 0 : i32
    %dma_wait3A_424 = tpu.memref_slice %arg2[%dma_wait3A_422, %dma_wait3A_423] : memref<10000x128xf32, #tpu.memory_space<hbm>> -> memref<64x128xf32, #tpu.memory_space<hbm>>
    %dma_wait3A_425 = arith.constant 0 : i32
    %dma_wait3A_426 = arith.constant 0 : i32
    %dma_wait3A_427 = tpu.memref_slice %arg2[%dma_wait3A_425, %dma_wait3A_426] : memref<10000x128xf32, #tpu.memory_space<hbm>> -> memref<64x128xf32, #tpu.memory_space<hbm>>
    tpu.wait_dma2 semaphore(%arg17 : memref<!tpu.dma_semaphore, #tpu.memory_space<semaphore_mem>>) src(%dma_wait3A_427 : memref<64x128xf32, #tpu.memory_space<hbm>>) dst(%arg8 : memref<64x128xf32, #tpu.memory_space<vmem>>)
    %dma_wait3A_428 = arith.constant 0 : i32
    %dma_wait3A_429 = arith.constant 0 : i32
    %dma_wait3A_430 = tpu.memref_slice %arg2[%dma_wait3A_428, %dma_wait3A_429] : memref<10000x128xf32, #tpu.memory_space<hbm>> -> memref<64x128xf32, #tpu.memory_space<hbm>>
    %dma_wait3A_431 = arith.constant 0 : i32
    %dma_wait3A_432 = arith.constant 0 : i32
    %dma_wait3A_433 = tpu.memref_slice %arg2[%dma_wait3A_431, %dma_wait3A_432] : memref<10000x128xf32, #tpu.memory_space<hbm>> -> memref<64x128xf32, #tpu.memory_space<hbm>>
    tpu.wait_dma2 semaphore(%arg18 : memref<!tpu.dma_semaphore, #tpu.memory_space<semaphore_mem>>) src(%dma_wait3A_433 : memref<64x128xf32, #tpu.memory_space<hbm>>) dst(%arg9 : memref<64x128xf32, #tpu.memory_space<vmem>>)
    %dma_wait3A_434 = arith.constant 0 : i32
    %dma_wait3A_435 = arith.constant 0 : i32
    %dma_wait3A_436 = tpu.memref_slice %arg2[%dma_wait3A_434, %dma_wait3A_435] : memref<10000x128xf32, #tpu.memory_space<hbm>> -> memref<64x128xf32, #tpu.memory_space<hbm>>
    %dma_wait3A_437 = arith.constant 0 : i32
    %dma_wait3A_438 = arith.constant 0 : i32
    %dma_wait3A_439 = tpu.memref_slice %arg2[%dma_wait3A_437, %dma_wait3A_438] : memref<10000x128xf32, #tpu.memory_space<hbm>> -> memref<64x128xf32, #tpu.memory_space<hbm>>
    tpu.wait_dma2 semaphore(%arg19 : memref<!tpu.dma_semaphore, #tpu.memory_space<semaphore_mem>>) src(%dma_wait3A_439 : memref<64x128xf32, #tpu.memory_space<hbm>>) dst(%arg10 : memref<64x128xf32, #tpu.memory_space<vmem>>)
    %dma_wait3A_440 = arith.constant 0 : i32
    %dma_wait3A_441 = arith.constant 0 : i32
    %dma_wait3A_442 = tpu.memref_slice %arg2[%dma_wait3A_440, %dma_wait3A_441] : memref<10000x128xf32, #tpu.memory_space<hbm>> -> memref<64x128xf32, #tpu.memory_space<hbm>>
    %dma_wait3A_443 = arith.constant 0 : i32
    %dma_wait3A_444 = arith.constant 0 : i32
    %dma_wait3A_445 = tpu.memref_slice %arg2[%dma_wait3A_443, %dma_wait3A_444] : memref<10000x128xf32, #tpu.memory_space<hbm>> -> memref<64x128xf32, #tpu.memory_space<hbm>>
    tpu.wait_dma2 semaphore(%arg20 : memref<!tpu.dma_semaphore, #tpu.memory_space<semaphore_mem>>) src(%dma_wait3A_445 : memref<64x128xf32, #tpu.memory_space<hbm>>) dst(%arg11 : memref<64x128xf32, #tpu.memory_space<vmem>>)
    %barrier3A_446 = arith.constant 0 : index
    tpu.barrier barrier_id(%barrier3A_446)
    "tpu.region"() ({
      %run_scoped3A = tpu.sem_alloc : memref<!tpu.dma_semaphore, #tpu.memory_space<semaphore_mem>>
      %dma_start3A_452 = arith.constant 0 : i32
      %dma_start3A_453 = arith.constant 0 : i32
      %dma_start3A_454 = tpu.memref_slice %arg5[%arg0, %dma_start3A_452, %dma_start3A_453] : memref<2x10000x128xf32, #tpu.memory_space<hbm>> -> memref<1x10000x128xf32, #tpu.memory_space<hbm>>
      %dma_start3A_455 = tpu.memref_squeeze %dma_start3A_454 : memref<1x10000x128xf32, #tpu.memory_space<hbm>> -> memref<10000x128xf32, #tpu.memory_space<hbm>>
      %dma_start3A_456 = arith.constant 0 : i32
      %dma_start3A_457 = tpu.memref_slice %dma_start3A_455[%mul3A_2, %dma_start3A_456] : memref<10000x128xf32, #tpu.memory_space<hbm>> -> memref<624x128xf32, #tpu.memory_space<hbm>>
      %dma_start3A_458 = arith.constant 0 : i32
      %dma_start3A_459 = tpu.memref_slice %arg12[%mul3A_2, %dma_start3A_458] : memref<10016x128xf32, #tpu.memory_space<vmem_shared>> -> memref<624x128xf32, #tpu.memory_space<vmem_shared>>
      tpu.enqueue_dma source(%dma_start3A_459 : memref<624x128xf32, #tpu.memory_space<vmem_shared>>) target(%dma_start3A_457 : memref<624x128xf32, #tpu.memory_space<hbm>>) target_semaphore(%run_scoped3A : memref<!tpu.dma_semaphore, #tpu.memory_space<semaphore_mem>>)
      %dma_wait3A_460 = arith.constant 0 : i32
      %dma_wait3A_461 = arith.constant 0 : i32
      %dma_wait3A_462 = tpu.memref_slice %arg5[%arg0, %dma_wait3A_460, %dma_wait3A_461] : memref<2x10000x128xf32, #tpu.memory_space<hbm>> -> memref<1x10000x128xf32, #tpu.memory_space<hbm>>
      %dma_wait3A_463 = tpu.memref_squeeze %dma_wait3A_462 : memref<1x10000x128xf32, #tpu.memory_space<hbm>> -> memref<10000x128xf32, #tpu.memory_space<hbm>>
      %dma_wait3A_464 = arith.constant 0 : i32
      %dma_wait3A_465 = tpu.memref_slice %dma_wait3A_463[%mul3A_2, %dma_wait3A_464] : memref<10000x128xf32, #tpu.memory_space<hbm>> -> memref<624x128xf32, #tpu.memory_space<hbm>>
      %dma_wait3A_466 = arith.constant 0 : i32
      %dma_wait3A_467 = tpu.memref_slice %arg12[%mul3A_2, %dma_wait3A_466] : memref<10016x128xf32, #tpu.memory_space<vmem_shared>> -> memref<624x128xf32, #tpu.memory_space<vmem_shared>>
      tpu.wait_dma2 semaphore(%run_scoped3A : memref<!tpu.dma_semaphore, #tpu.memory_space<semaphore_mem>>) src(%dma_wait3A_467 : memref<624x128xf32, #tpu.memory_space<vmem_shared>>) dst(%dma_wait3A_465 : memref<624x128xf32, #tpu.memory_space<hbm>>)
      tpu.yield
    }) : () -> ()
    %eq3A_447 = arith.constant 0 : i32
    %eq3A_448 = arith.cmpi eq, %arg1, %eq3A_447 : i32
    %convert_element_type3A_449 = arith.extui %eq3A_448 : i1 to i32
    %cond3A_450 = arith.constant 0 : i32
    %cond3A_451 = arith.cmpi ne, %convert_element_type3A_449, %cond3A_450 : i32
    scf.if %cond3A_451 {
      "tpu.region"() ({
        %run_scoped3A = tpu.sem_alloc : memref<!tpu.dma_semaphore, #tpu.memory_space<semaphore_mem>>
        %dma_start3A_452 = arith.constant 0 : i32
        %dma_start3A_453 = arith.constant 0 : i32
        %dma_start3A_454 = tpu.memref_slice %arg5[%arg0, %dma_start3A_452, %dma_start3A_453] : memref<2x10000x128xf32, #tpu.memory_space<hbm>> -> memref<1x10000x128xf32, #tpu.memory_space<hbm>>
        %dma_start3A_455 = tpu.memref_squeeze %dma_start3A_454 : memref<1x10000x128xf32, #tpu.memory_space<hbm>> -> memref<10000x128xf32, #tpu.memory_space<hbm>>
        %dma_start3A_456 = arith.constant 9984 : i32
        %dma_start3A_457 = arith.constant 0 : i32
        %dma_start3A_458 = tpu.memref_slice %dma_start3A_455[%dma_start3A_456, %dma_start3A_457] : memref<10000x128xf32, #tpu.memory_space<hbm>> -> memref<16x128xf32, #tpu.memory_space<hbm>>
        %dma_start3A_459 = arith.constant 9984 : i32
        %dma_start3A_460 = arith.constant 0 : i32
        %dma_start3A_461 = tpu.memref_slice %arg12[%dma_start3A_459, %dma_start3A_460] : memref<10016x128xf32, #tpu.memory_space<vmem_shared>> -> memref<16x128xf32, #tpu.memory_space<vmem_shared>>
        tpu.enqueue_dma source(%dma_start3A_461 : memref<16x128xf32, #tpu.memory_space<vmem_shared>>) target(%dma_start3A_458 : memref<16x128xf32, #tpu.memory_space<hbm>>) target_semaphore(%run_scoped3A : memref<!tpu.dma_semaphore, #tpu.memory_space<semaphore_mem>>)
        %dma_wait3A_462 = arith.constant 0 : i32
        %dma_wait3A_463 = arith.constant 0 : i32
        %dma_wait3A_464 = tpu.memref_slice %arg5[%arg0, %dma_wait3A_462, %dma_wait3A_463] : memref<2x10000x128xf32, #tpu.memory_space<hbm>> -> memref<1x10000x128xf32, #tpu.memory_space<hbm>>
        %dma_wait3A_465 = tpu.memref_squeeze %dma_wait3A_464 : memref<1x10000x128xf32, #tpu.memory_space<hbm>> -> memref<10000x128xf32, #tpu.memory_space<hbm>>
        %dma_wait3A_466 = arith.constant 9984 : i32
        %dma_wait3A_467 = arith.constant 0 : i32
        %dma_wait3A_468 = tpu.memref_slice %dma_wait3A_465[%dma_wait3A_466, %dma_wait3A_467] : memref<10000x128xf32, #tpu.memory_space<hbm>> -> memref<16x128xf32, #tpu.memory_space<hbm>>
        %dma_wait3A_469 = arith.constant 9984 : i32
        %dma_wait3A_470 = arith.constant 0 : i32
        %dma_wait3A_471 = tpu.memref_slice %arg12[%dma_wait3A_469, %dma_wait3A_470] : memref<10016x128xf32, #tpu.memory_space<vmem_shared>> -> memref<16x128xf32, #tpu.memory_space<vmem_shared>>
        tpu.wait_dma2 semaphore(%run_scoped3A : memref<!tpu.dma_semaphore, #tpu.memory_space<semaphore_mem>>) src(%dma_wait3A_471 : memref<16x128xf32, #tpu.memory_space<vmem_shared>>) dst(%dma_wait3A_468 : memref<16x128xf32, #tpu.memory_space<hbm>>)
        tpu.yield
      }) : () -> ()
    } else {
    }
    return
  }
}

module attributes {stable_mosaic.version = 14 : i64} {
  func.func @_scale_body(%arg0: memref<10000x2xf32, #tpu.memory_space<vmem>>, %arg1: memref<10000x128xf32, #tpu.memory_space<vmem>>, %arg2: memref<10000x128xf32, #tpu.memory_space<vmem>>, %arg3: memref<10000x1xf32, #tpu.memory_space<vmem>>) attributes {dimension_semantics = [], scalar_prefetch = 0 : i64, scratch_operands = 0 : i64, tpu.core_type = #tpu.core_type<tc>} {
    %get3A = arith.constant 0 : index
    %get3A_0 = arith.constant 0 : index
    %get3A_1 = vector.load %arg0[%get3A, %get3A_0] : memref<10000x2xf32, #tpu.memory_space<vmem>>, vector<10000x2xf32>
    %reduce_sum3A = arith.constant dense<0.000000e+00> : vector<10000xf32>
    %reduce_sum3A_2 = vector.multi_reduction <add>, %get3A_1, %reduce_sum3A [1] : vector<10000x2xf32> to vector<10000xf32>
    %broadcast_in_dim3A = vector.shape_cast %reduce_sum3A_2 : vector<10000xf32> to vector<10000x1xf32>
    %add3A = arith.constant 1.000000e+00 : f32
    %add3A_3 = vector.broadcast %add3A : f32 to vector<10000x1xf32>
    %add3A_4 = arith.addf %broadcast_in_dim3A, %add3A_3 : vector<10000x1xf32>
    %rsqrt3A = math.rsqrt %add3A_4 : vector<10000x1xf32>
    %swap3A = arith.constant 0 : index
    %swap3A_5 = arith.constant 0 : index
    %swap3A_6 = vector.load %arg3[%swap3A, %swap3A_5] : memref<10000x1xf32, #tpu.memory_space<vmem>>, vector<10000x1xf32>
    tpu.vector_store %arg3[%swap3A, %swap3A_5], %rsqrt3A {strides = array<i32>} : memref<10000x1xf32, #tpu.memory_space<vmem>>, vector<10000x1xf32>,
    %get3A_7 = arith.constant 0 : index
    %get3A_8 = arith.constant 0 : index
    %get3A_9 = vector.load %arg1[%get3A_7, %get3A_8] : memref<10000x128xf32, #tpu.memory_space<vmem>>, vector<10000x128xf32>
    %mul3A = vector.broadcast %rsqrt3A : vector<10000x1xf32> to vector<10000x128xf32>
    %mul3A_10 = arith.mulf %get3A_9, %mul3A : vector<10000x128xf32>
    %swap3A_11 = arith.constant 0 : index
    %swap3A_12 = arith.constant 0 : index
    %swap3A_13 = vector.load %arg2[%swap3A_11, %swap3A_12] : memref<10000x128xf32, #tpu.memory_space<vmem>>, vector<10000x128xf32>
    tpu.vector_store %arg2[%swap3A_11, %swap3A_12], %mul3A_10 {strides = array<i32>} : memref<10000x128xf32, #tpu.memory_space<vmem>>, vector<10000x128xf32>,
    return
  }
}

module attributes {stable_mosaic.version = 14 : i64} {
  func.func @_final_body(%arg0: memref<2x10000x128xf32, #tpu.memory_space<vmem>>, %arg1: memref<10000x128xf32, #tpu.memory_space<vmem>>, %arg2: memref<10000x1xf32, #tpu.memory_space<vmem>>, %arg3: memref<128x128xf32, #tpu.memory_space<vmem>>, %arg4: memref<10000x128xf32, #tpu.memory_space<vmem>>) attributes {dimension_semantics = [], scalar_prefetch = 0 : i64, scratch_operands = 0 : i64, tpu.core_type = #tpu.core_type<tc>} {
    %get3A = arith.constant 0 : index
    %get3A_0 = arith.constant 0 : index
    %get3A_1 = arith.constant 0 : index
    %get3A_2 = vector.load %arg0[%get3A, %get3A_0, %get3A_1] : memref<2x10000x128xf32, #tpu.memory_space<vmem>>, vector<1x10000x128xf32>
    %get3A_3 = vector.shape_cast %get3A_2 : vector<1x10000x128xf32> to vector<10000x128xf32>
    %get3A_4 = arith.constant 1 : index
    %get3A_5 = arith.constant 0 : index
    %get3A_6 = arith.constant 0 : index
    %get3A_7 = vector.load %arg0[%get3A_4, %get3A_5, %get3A_6] : memref<2x10000x128xf32, #tpu.memory_space<vmem>>, vector<1x10000x128xf32>
    %get3A_8 = vector.shape_cast %get3A_7 : vector<1x10000x128xf32> to vector<10000x128xf32>
    %add3A = arith.addf %get3A_3, %get3A_8 : vector<10000x128xf32>
    %get3A_9 = arith.constant 0 : index
    %get3A_10 = arith.constant 0 : index
    %get3A_11 = vector.load %arg1[%get3A_9, %get3A_10] : memref<10000x128xf32, #tpu.memory_space<vmem>>, vector<10000x128xf32>
    %sub3A = arith.subf %add3A, %get3A_11 : vector<10000x128xf32>
    %get3A_12 = arith.constant 0 : index
    %get3A_13 = arith.constant 0 : index
    %get3A_14 = vector.load %arg2[%get3A_12, %get3A_13] : memref<10000x1xf32, #tpu.memory_space<vmem>>, vector<10000x1xf32>
    %mul3A = vector.broadcast %get3A_14 : vector<10000x1xf32> to vector<10000x128xf32>
    %mul3A_15 = arith.mulf %sub3A, %mul3A : vector<10000x128xf32>
    %get3A_16 = arith.constant 0 : index
    %get3A_17 = arith.constant 0 : index
    %get3A_18 = vector.load %arg3[%get3A_16, %get3A_17] : memref<128x128xf32, #tpu.memory_space<vmem>>, vector<128x128xf32>
    %dot_general3A = arith.constant dense<0.000000e+00> : vector<10000x128xf32>
    %dot_general3A_19 = tpu.matmul %mul3A_15, %get3A_18, %dot_general3A {dimension_numbers = #tpu.dot_dimension_numbers<[1], [0], [0], [1], [0, 0, 1, 1], [], []>, transpose_lhs_hint = false} : vector<10000x128xf32>, vector<128x128xf32>, vector<10000x128xf32> -> vector<10000x128xf32>
    %swap3A = arith.constant 0 : index
    %swap3A_20 = arith.constant 0 : index
    %swap3A_21 = vector.load %arg4[%swap3A, %swap3A_20] : memref<10000x128xf32, #tpu.memory_space<vmem>>, vector<10000x128xf32>
    tpu.vector_store %arg4[%swap3A, %swap3A_20], %dot_general3A_19 {strides = array<i32>} : memref<10000x128xf32, #tpu.memory_space<vmem>>, vector<10000x128xf32>,
    return
  }
}

</mosaic_0001>

<sc_bundles>
// kernel: kernel.6.cloned.1.call-start
scs
__scs_entry_jumppad:
0x0: {  	(pc) =	sbr.rel $0x88, $3  }
0x1: {  	(tag) =	ssettag $0x0;
	lr =	simm.s32 $0x1  }
0x2: {  	[smem:$0x3F9E] =	sst lr;
	_ =	strace $0xD0000000  }
0x3: {  	_ = 	snop  }
0x4: {  	_ = 	snop  }
0x5: {  	_ = 	snop  }
0x6: {  	_ = 	snop  }
0x7: {  	_ = 	snop  }
__scs_overlays_trampoline_lowered:
0x8: {  	[smem:$0x3FAD] =	sst s0  }
0x9: {  	[smem:$0x3FAE] =	sst s1  }
0xa: {  	[smem:$0x3FAF] =	sst s2  }
0xb: {  	[smem:$0x3FB0] =	sst s3  }
0xc: {  	[smem:$0x3FB1] =	sst s4  }
0xd: {  	[smem:$0x3FB2] =	sst s5  }
0xe: {  	[smem:$0x3FB3] =	sst s6  }
0xf: {  	[smem:$0x3FB4] =	sst s7  }
0x10: {  	[smem:$0x3FB5] =	sst s8  }
0x11: {  	[smem:$0x3FB6] =	sst s9;
	s0 =	simm.s32 @!p0 $0x0  }
0x12: {  	s1 =	sld [smem:$0x3F9C];
	s0 =	simm.s32 @p0 $0x1  }
0x13: {  	[smem:$0x3FB7] =	sst s0;
	s0 =	simm.s32 @!p1 $0x0  }
0x14: {  	s2 =	sld [smem:$0x3F9B];
	s0 =	simm.s32 @p1 $0x1  }
0x15: {  	[smem:$0x3FB8] =	sst s0;
	s0 =	simm.s32 @!p2 $0x0  }
0x16: {  	s3 =	sld [smem:$0x3FDB];
	s0 =	simm.s32 @p2 $0x1  }
0x17: {  	s4 =	simm.s32 $0x1BF5;
	[smem:$0x3FBA] =	sst s0  }
0x18: {  	s0 =	sld [smem:$0x3F9D];
	_ =	swait.ge [sflag:s4], $0x0  }
0x19: {  	s7 =	sld [smem:$0x3F9E]  }
0x1a: {  	s8 =	sadd.s32 $0xFFFFE003, lr  }
0x1b: {  	s9 =	sadd.s32 $0xFFFFFEF7, lr;
	s5 =	simm.s32 $0xFFFFFFFF;
	p2 =	slt.u32 s8, $0xFFFFF086  }
0x1c: {  	p1 =	slt.u32 s9, $0xF7A;
	s5 =	simm.s32 @!p2 $0x0  }
0x1d: {  	s5 =	simm.s32 @p1 $0x1;
	p0 =	seq.s32 s7, s2  }
0x1e: {  	s7 =	smul.u32 @!p0 $0xF7A, s2;
	p2 =	seq.s32 @!p0 s5, $0x0  }
0x1f: {  	s9 =	smul.u32 $0xF7A, s1;
	s8 =	simm.s32 @!p0 $0x1BF5;
	p2 =	por !p2, p0  }
0x20: {  	[sflag:s8] =	ssyncset.s32 @!p0 $0xFFFFF086;
	s6 =	sadd.s32 @!p0 s3, s7;
	s7 =	simm.s32 @!p0 $0x108  }
0x21: {  	s3 =	sadd.s32 s3, s9;
	s6 =	sadd.s32 @!p0 $0x88, s6;
	s7 =	simm.s32 @p2 $0x1082  }
0x22: {  	[simem:s7], [sflag:s8] =	dma.local @!p0 [hbm:s6], $0xF7A  }
0x23: {  	s9 =	sor.u32 $0xD0000000, s2;
	s6 =	simm.s32 $0x108;
	_ =	swait.ge @!p0 [sflag:s8], $0x0  }
0x24: {  	s3 =	sadd.s32 $0x88, s3;
	s6 =	simm.s32 @!p1 $0x1082;
	[sflag:s4] =	ssyncset.s32 $0xFFFFF086  }
0x25: {  	[simem:s6], [sflag:s4] =	dma.local [hbm:s3], $0xF7A  }
0x26: {  	[smem:$0x3F9E] =	sst s1;
	(tag) =	ssettag s2;
	_ =	strace s9  }
0x27: {  	s1 =	sld [smem:$0x3FAE]  }
0x28: {  	s2 =	sld [smem:$0x3FAF]  }
0x29: {  	s4 =	sld [smem:$0x3FB1]  }
0x2a: {  	p0 =	seq.s32 s5, $0x0;
	s5 =	sld [smem:$0x3FB2]  }
0x2b: {  	s6 =	sld [smem:$0x3FB3]  }
0x2c: {  	s7 =	sld [smem:$0x3FB4]  }
0x2d: {  	s3 =	simm.s32 $0x108;
	s8 =	sld [smem:$0x3FB5]  }
0x2e: {  	s3 =	simm.s32 @!p0 $0x1082;
	s9 =	sld [smem:$0x3FB6]  }
0x2f: {  	lr =	sadd.s32 s0, s3;
	s0 =	sld [smem:$0x3FAD]  }
0x30: {  	s3 =	sld [smem:$0x3FB0]  }
0x31: {  	[smem:$0x3FB9] =	sst s10  }
0x32: {  	s10 =	sld [smem:$0x3FB7];
	_ =	sdelay $0x3  }
0x33: {  	p0 =	seq.s32 s10, $0x1;
	s10 =	sld [smem:$0x3FB9];
	_ =	sdelay $0x3  }
0x34: {  	[smem:$0x3FB9] =	sst s10  }
0x35: {  	s10 =	sld [smem:$0x3FB8];
	_ =	sdelay $0x3  }
0x36: {  	p1 =	seq.s32 s10, $0x1;
	s10 =	sld [smem:$0x3FB9];
	_ =	sdelay $0x3  }
0x37: {  	[smem:$0x3FB9] =	sst s10  }
0x38: {  	s10 =	sld [smem:$0x3FBA]  }
0x39: {  	_ = 	snop;
	(pc) =	sbr.ind lr, $3  }
0x3a: {  	_ = 	snop  }
0x3b: {  	_ = 	snop  }
0x3c: {  	p2 =	seq.s32 s10, $0x1;
	s10 =	sld [smem:$0x3FB9]  }
0x3d: {  	_ =	shalt  }
0x3e: {  	_ =	shalt  }
0x3f: {  	_ =	shalt  }
0x40: {  	_ =	shalt  }
0x41: {  	_ =	shalt  }
0x42: {  	_ =	shalt  }
0x43: {  	_ =	shalt  }
0x44: {  	_ =	shalt  }
0x45: {  	_ =	shalt  }
0x46: {  	_ =	shalt  }
0x47: {  	_ =	shalt  }
0x48: {  	_ =	shalt  }
0x49: {  	_ =	shalt  }
0x4a: {  	_ =	shalt  }
0x4b: {  	_ =	shalt  }
0x4c: {  	_ =	shalt  }
0x4d: {  	_ =	shalt  }
0x4e: {  	_ =	shalt  }
0x4f: {  	_ =	shalt  }
0x50: {  	_ =	shalt  }
0x51: {  	_ =	shalt  }
0x52: {  	_ =	shalt  }
0x53: {  	_ =	shalt  }
0x54: {  	_ =	shalt  }
0x55: {  	_ =	shalt  }
0x56: {  	_ =	shalt  }
0x57: {  	_ =	shalt  }
0x58: {  	_ =	shalt  }
0x59: {  	_ =	shalt  }
0x5a: {  	_ =	shalt  }
0x5b: {  	_ =	shalt  }
0x5c: {  	_ =	shalt  }
0x5d: {  	_ =	shalt  }
0x5e: {  	_ =	shalt  }
0x5f: {  	_ =	shalt  }
0x60: {  	_ =	shalt  }
0x61: {  	_ =	shalt  }
0x62: {  	_ =	shalt  }
0x63: {  	_ =	shalt  }
0x64: {  	_ =	shalt  }
0x65: {  	_ =	shalt  }
0x66: {  	_ =	shalt  }
0x67: {  	_ =	shalt  }
0x68: {  	_ =	shalt  }
0x69: {  	_ =	shalt  }
0x6a: {  	_ =	shalt  }
0x6b: {  	_ =	shalt  }
0x6c: {  	_ =	shalt  }
0x6d: {  	_ =	shalt  }
0x6e: {  	_ =	shalt  }
0x6f: {  	_ =	shalt  }
0x70: {  	_ =	shalt  }
0x71: {  	_ =	shalt  }
0x72: {  	_ =	shalt  }
0x73: {  	_ =	shalt  }
0x74: {  	_ =	shalt  }
0x75: {  	_ =	shalt  }
0x76: {  	_ =	shalt  }
0x77: {  	_ =	shalt  }
0x78: {  	_ =	shalt  }
0x79: {  	_ =	shalt  }
0x7a: {  	_ =	shalt  }
0x7b: {  	_ =	shalt  }
0x7c: {  	_ =	shalt  }
0x7d: {  	_ =	shalt  }
0x7e: {  	_ =	shalt  }
0x7f: {  	_ =	shalt  }
0x80: {  	_ =	shalt  }
0x81: {  	_ =	shalt  }
0x82: {  	_ =	shalt  }
0x83: {  	_ =	shalt  }
0x84: {  	_ =	shalt  }
0x85: {  	_ =	shalt  }
0x86: {  	_ =	shalt  }
0x87: {  	_ =	shalt  }
.Lfunc_end0:
.L_simem_size_0:
called_computation_lowered:
.L_overlay_start_0:
0x88: {  	s2 =	sld [smem:$0x3FD9]  }
0x89: {  	s3 =	sld [smem:$0x3FFE];
	_ =	sdelay $0x1  }
0x8a: {  	s1 =	srdreg.scid  }
0x8b: {  	s0 =	sand.u32 $0x1, s1  }
0x8c: {  	s17 =	sshll.u32 s0, $0xA;
	s2 =	sadd.s32 s3, s2  }
0x8d: {  	s2 =	sadd.s32 s2, s17  }
0x8e: {  	[smem:$0x3FC5] =	sst s2  }
0x8f: {  	_ = 	snop  }
0x90: {  	s2 =	sld [smem:$0x3FD0];
	(tm) =	ssettm $0x1  }
0x91: {  	s18 =	sld [smem:$0x3FFB];
	_ =	sdelay $0x3  }
0x92: {  	_ =	strace s18  }
0x93: {  	s3 =	sld [smem:$0x3FFC];
	_ =	sdelay $0x3  }
0x94: {  	_ =	strace s3  }
0x95: {  	s3 =	sld [smem:$0x3FFD];
	_ =	sdelay $0x3  }
0x96: {  	_ =	strace s3  }
0x97: {  	_ =	strace $0x8FFFFFFF  }
0x98: {  	s19 =	sld [smem:$0x3FDB];
	_ =	sdelay $0x1  }
0x99: {  	s4 =	simm.s32 $_scs_section_size  }
0x9a: {  	s5 =	simm.s32 $_size__tile_overlayer_lowered;
	s6 =	simm.s32 $_tile_overlayer_lowered  }
0x9b: {  	s22 =	simm.s32 $0x1BFF;
	s21 =	sshll.u32 s6, $0x1;
	s3 =	sadd.s32 s4, s19  }
0x9c: {  	s7 =	simm.s32 $0x0;
	s20 =	sshll.u32 s5, $0x1;
	s5 =	sadd.s32 s21, s3  }
0x9d: {  	[timem:s7], [sflag:s22] =	dma.local [hbm:s5], s20  }
0x9e: {  	_ =	swait.ge [sflag:s22], s20  }
0x9f: {  	s4 =	ssub.s32 $0x0, s20;
	[sflag:s22] =	ssyncset.done $0x0  }
0xa0: {  	[sflag:s22] =	ssyncadd.s32 s4;
	_ =	sdelay $0x1  }
0xa1: {  	s23 =	simm.s32 $0x1B8B  }
0xa2: {  	_ =	swait.ge [sflag:s23], $0x1  }
0xa3: {  	[sflag:s23] =	ssyncset.done $0x0  }
0xa4: {  	s25 =	simm.s32 $0x1B8E;
	s24 =	sld [smem:$0x3FFE];
	[sflag:s23] =	ssyncadd.s32 $0xFFFFFFFF  }
0xa5: {  	s26 =	simm.s32 $execute0_lowered;
	[smem:$0x3FD2] =	sst s25  }
0xa6: {  	s5 =	sshll.u32 s26, $0x1;
	_ =	strace $0x80000046;
	[dreg:$0x1] =	wrdreg $0xFFFFFFFF  }
0xa7: {  	s28 =	simm.s32 $_size_execute0_lowered;
	s3 =	sadd.s32 s3, s5;
	[dreg:$0x0] =	wrdreg $0x0  }
0xa8: {  	s5 =	sshll.u32 s28, $0x1;
	[dreg:$0x2] =	wrdreg s3  }
0xa9: {  	[dreg:$0x3] =	wrdreg s5  }
0xaa: {  	[dreg:$0x4] =	wrdreg $0xC0  }
0xab: {  	_ =	task [dreg:s7], $0x5FFFF  }
0xac: {  	[dreg:$0x1] =	wrdreg $0xFFFFFFFF  }
0xad: {  	[dreg:$0x0] =	wrdreg $0x60  }
0xae: {  	[dreg:$0x2] =	wrdreg s2  }
0xaf: {  	[dreg:$0x3] =	wrdreg s24  }
0xb0: {  	[dreg:$0x4] =	wrdreg $0x28800  }
0xb1: {  	[dreg:$0x5] =	wrdreg $0x9  }
0xb2: {  	_ =	task.clear_ibuf [dreg:s7], $0x6FFFF;
	_ =	strace $0x90000046  }
0xb3: {  	s29 =	simm.s32 $0x9;
	_ =	strace $0x80000048  }
0xb4: {  	_ =	swait.ge [sflag:s29], $0x1  }
0xb5: {  	[sflag:s29] =	ssyncadd.s32 $0xFFFFFFFF  }
0xb6: {  	_ =	strace $0x90000048  }
0xb7: {  	_ =	sfence  }
0xb8: {  	s30 =	sld [smem:$0x0];
	_ =	sdelay $0x2  }
0xb9: {  	s31 =	sshll.u32 s1, $0xD;
	s1 =	sshrl.u32 s1, $0x2  }
0xba: {  	s3 =	sand.u32 $0x4000, s31;
	s1 =	sadd.s32 s1, s30  }
0xbb: {  	s0 =	sor.u32 s3, s0;
	s1 =	sshll.u32 s1, $0x11  }
0xbc: {  	s0 =	sor.u32 s1, s0  }
0xbd: {  	s0 =	sadd.s32 $0x8F2B, s0  }
0xbe: {  	[sflag:s0] =	ssyncadd.remote.s32 $0x1  }
0xbf: {  	_ =	sfence.sel $0xFFFF  }
0xc0: {  	[dreg:$0x0] =	wrdreg $0xFFFFFFFF;
	(pc) =	sbr.abs _section_cstart, $3  }
0xc1: {  	[dreg:$0x1] =	wrdreg $0xFFFFFFFF  }
0xc2: {  	_ =	task.clear_ibuf [dreg:s7], $0x2FFFF;
	_ =	strace $0x9FFFFFFF  }
0xc3: {  	(tm) =	ssettm $0x7FFFFFFF  }
tec
execute0_lowered:
.L_overlay_start_1:
0x0: {  	(tag) =	ssettag $0x1  }
0x1: {  	s4 =	rddreg [dreg:$0x0]  }
0x2: {  	s5 =	rddreg [dreg:$0x1]  }
0x3: {  	s2 =	rddreg [dreg:$0x2]  }
0x4: {  	s0 =	rddreg [dreg:$0x3]  }
0x5: {  	s3 =	simm.s32 $0x0;
	s6 =	srdreg.scid;
	s1 =	stileid.u32  }
0x6: {  	s12 =	simm.s32 $0x2800;
	s13 =	simm.s32 $0x80;
	s14 =	simm.s32 $0x1  }
0x7: {  	s18 =	simm.s32 $0x20;
	s19 =	simm.s32 $0x10;
	s20 =	simm.s32 $0x0  }
0x8: {  	[smem:$0x7FF] =	sst s3;
	s6 =	sand.u32 $0x1, s6;
	s8 =	smul.u32 $0xA00, s1  }
0x9: {  	s7 =	sshll.u32 s1, $0x1;
	s16 =	smul.u32 $0xA0, s1;
	s17 =	sshll.u32 s1, $0x6  }
0xa: {  	s7 =	sor.u32 s6, s7;
	s9 =	sshll.u32 s6, $0x4;
	s6 =	ssub.s32 $0x2, s6  }
0xb: {  	_ =	strace $0x80000047;
	s7 =	smul.u32 $0x500, s7;
	s31 =	sshrl.u32 s6, $0x1  }
0xc: {  	s10 =	sadd.s32 s9, s5;
	s8 =	sshrl.u32 s8, $0x2;
	s11 =	ssub.s32 s6, s31  }
0xd: {  	s5 =	sadd.s32 s8, s2;
	s15 =	sadd.s32 $0x1C00, s10;
	s4 =	sadd.s32 s4, s7  }
0xe: {  	s6 =	sadd.s32 $0x80, s5;
	s7 =	sadd.s32 $0x100, s5;
	s8 =	sadd.s32 $0x180, s5  }
0xf: {  	s9 =	sadd.s32 $0x200, s5;
	s10 =	smax.u32 s11, $0x1;
	s11 =	simm.s32 $0x2  }
0x10: {  	v0 =	vimm.f32 $0.0e+00;
	v1 =	vimm.f32 $1.000000000e+00;
	s15 =	sadd.s32 s16, s15;
	s16 =	sor.u32 $0x1C02, s17;
	s17 =	sshrl.u32 s5, $0x3  }
.LBB2_1:
0x11: {  	[tilespmem:s3], [sflag:$0x2] =	stream.linear.gather [hbm4b:s4+s3], $0x2800, $0x38;
	[tilespmem:$0x2B00] =	vst v63  }
0x12: {  	_ =	swait.ge [sflag:s11], $0x2800  }
0x13: {  	[sflag:s11] =	ssyncset.done $0x0  }
0x14: {  	[sflag:s11] =	ssyncadd.s32 $0xFFFFD800  }
0x15: {  	[tilespmem:$0x2800] =	vst v0  }
0x16: {  	[tilespmem:$0x2810] =	vst v0  }
0x17: {  	[tilespmem:$0x2820] =	vst v0  }
0x18: {  	[tilespmem:$0x2830] =	vst v0  }
0x19: {  	[tilespmem:$0x2840] =	vst v0  }
0x1a: {  	[tilespmem:$0x2850] =	vst v0  }
0x1b: {  	[tilespmem:$0x2860] =	vst v0  }
0x1c: {  	[tilespmem:$0x2870] =	vst v0  }
0x1d: {  	[spmem:s5] =	stream.linear.scatter [tilespmem:s12], [sflag:$0x2], $0x80, $0x38;
	[tilespmem:$0x2B00] =	vst v63  }
0x1e: {  	_ =	swait.ge [sflag:s11], $0x80  }
0x1f: {  	[sflag:s11] =	ssyncset.done $0x0  }
0x20: {  	[sflag:s11] =	ssyncadd.s32 $0xFFFFFF80  }
0x21: {  	[spmem:s6] =	stream.linear.scatter [tilespmem:s12], [sflag:$0x2], $0x80, $0x38;
	[tilespmem:$0x2B00] =	vst v63  }
0x22: {  	_ =	swait.ge [sflag:s11], $0x80  }
0x23: {  	[sflag:s11] =	ssyncset.done $0x0  }
0x24: {  	[sflag:s11] =	ssyncadd.s32 $0xFFFFFF80  }
0x25: {  	[spmem:s7] =	stream.linear.scatter [tilespmem:s12], [sflag:$0x2], $0x80, $0x38;
	[tilespmem:$0x2B00] =	vst v63  }
0x26: {  	_ =	swait.ge [sflag:s11], $0x80  }
0x27: {  	[sflag:s11] =	ssyncset.done $0x0  }
0x28: {  	[sflag:s11] =	ssyncadd.s32 $0xFFFFFF80  }
0x29: {  	[spmem:s8] =	stream.linear.scatter [tilespmem:s12], [sflag:$0x2], $0x80, $0x38;
	[tilespmem:$0x2B00] =	vst v63  }
0x2a: {  	_ =	swait.ge [sflag:s11], $0x80  }
0x2b: {  	[sflag:s11] =	ssyncset.done $0x0  }
0x2c: {  	[sflag:s11] =	ssyncadd.s32 $0xFFFFFF80  }
0x2d: {  	[spmem:s9] =	stream.linear.scatter [tilespmem:s12], [sflag:$0x2], $0x80, $0x38;
	[tilespmem:$0x2B00] =	vst v63  }
0x2e: {  	_ =	swait.ge [sflag:s11], $0x80  }
0x2f: {  	[sflag:s11] =	ssyncset.done $0x0  }
0x30: {  	[sflag:s11] =	ssyncadd.s32 $0xFFFFFF80  }
0x31: {  	[bflag:$0x0] =	sbarrier.arrive $0xFFFF  }
0x32: {  	[tilespmem:$0x2800] =	vst v1  }
0x33: {  	[tilespmem:$0x2810] =	vst v1  }
0x34: {  	[tilespmem:$0x2820] =	vst v1  }
0x35: {  	[tilespmem:$0x2830] =	vst v1  }
0x36: {  	[tilespmem:$0x2840] =	vst v1  }
0x37: {  	[tilespmem:$0x2850] =	vst v1  }
0x38: {  	[tilespmem:$0x2860] =	vst v1  }
0x39: {  	s21 =	simm.s32 $0x0;
	[tilespmem:$0x2870] =	vst v1  }
0x3a: {  	[spmem:s2] =	stream.indirect.scatter.add.f32 [tilespmem:s12], [sflag:$0x1], $0x1, s21, s13, $0xb8;
	[tilespmem:$0x2B00] =	vst v63  }
0x3b: {  	s29 =	simm.s32 $0x80  }
0x3c: {  	[spmem:s2] =	stream.indirect.scatter.add.f32 [tilespmem:s12], [sflag:$0x1], $0x1, s29, s13, $0xb8;
	[tilespmem:$0x2B00] =	vst v63  }
0x3d: {  	s30 =	simm.s32 $0x100  }
0x3e: {  	[spmem:s2] =	stream.indirect.scatter.add.f32 [tilespmem:s12], [sflag:$0x1], $0x1, s30, s13, $0xb8;
	[tilespmem:$0x2B00] =	vst v63  }
0x3f: {  	s31 =	simm.s32 $0x180  }
0x40: {  	[spmem:s2] =	stream.indirect.scatter.add.f32 [tilespmem:s12], [sflag:$0x1], $0x1, s31, s13, $0xb8;
	[tilespmem:$0x2B00] =	vst v63  }
0x41: {  	_ =	swait.ge [sflag:s14], $0x80  }
0x42: {  	[sflag:s14] =	ssyncset.done $0x0  }
0x43: {  	[sflag:s14] =	ssyncadd.s32 $0xFFFFFF80  }
0x44: {  	_ =	swait.ge [sflag:s14], $0x80  }
0x45: {  	[sflag:s14] =	ssyncset.done $0x0  }
0x46: {  	[sflag:s14] =	ssyncadd.s32 $0xFFFFFF80  }
0x47: {  	_ =	swait.ge [sflag:s14], $0x80  }
0x48: {  	[sflag:s14] =	ssyncset.done $0x0  }
0x49: {  	[sflag:s14] =	ssyncadd.s32 $0xFFFFFF80  }
0x4a: {  	_ =	swait.ge [sflag:s14], $0x80  }
0x4b: {  	s22 =	simm.s32 $0x1000;
	s21 =	simm.s32 $0x800;
	[sflag:s14] =	ssyncset.done $0x0  }
.LBB2_2:
0x4c: {  	s23 =	sshra.s32 s21, $0x2  }
0x4d: {  	[sflag:s14] =	ssyncadd.s32 $0xFFFFFF80;
	s21 =	smov.u32 s22;
	s24 =	sadd.s32 $0x800, s22  }
0x4e: {  	[spmem:s2] =	stream.indirect.scatter.add.f32 [tilespmem:s12], [sflag:$0x1], $0x1, s23, s13, $0xb8;
	[tilespmem:$0x2B00] =	vst v63  }
0x4f: {  	p0 =	sne.s32 s22, $0x9800;
	s22 =	sadd.s32 $0x80, s23  }
0x50: {  	[spmem:s2] =	stream.indirect.scatter.add.f32 [tilespmem:s12], [sflag:$0x1], $0x1, s22, s13, $0xb8;
	[tilespmem:$0x2B00] =	vst v63  }
0x51: {  	s22 =	sadd.s32 $0x100, s23  }
0x52: {  	[spmem:s2] =	stream.indirect.scatter.add.f32 [tilespmem:s12], [sflag:$0x1], $0x1, s22, s13, $0xb8;
	[tilespmem:$0x2B00] =	vst v63  }
0x53: {  	s22 =	sadd.s32 $0x180, s23  }
0x54: {  	[spmem:s2] =	stream.indirect.scatter.add.f32 [tilespmem:s12], [sflag:$0x1], $0x1, s22, s13, $0xb8;
	[tilespmem:$0x2B00] =	vst v63  }
0x55: {  	_ =	swait.ge [sflag:s14], $0x80  }
0x56: {  	[sflag:s14] =	ssyncset.done $0x0  }
0x57: {  	[sflag:s14] =	ssyncadd.s32 $0xFFFFFF80  }
0x58: {  	_ =	swait.ge [sflag:s14], $0x80  }
0x59: {  	[sflag:s14] =	ssyncset.done $0x0  }
0x5a: {  	[sflag:s14] =	ssyncadd.s32 $0xFFFFFF80  }
.Ltmp0:
0x5b: {  	_ =	swait.ge [sflag:s14], $0x80;
	(pc) =	sbr.rel @p0 .LBB2_2-.Ltmp0, $4  }
0x5c: {  	[sflag:s14] =	ssyncset.done $0x0  }
0x5d: {  	[sflag:s14] =	ssyncadd.s32 $0xFFFFFF80  }
0x5e: {  	_ =	swait.ge [sflag:s14], $0x80  }
0x5f: {  	s22 =	smov.u32 s24;
	[sflag:s14] =	ssyncset.done $0x0  }
0x60: {  	s21 =	sshra.s32 s21, $0x2;
	[sflag:s14] =	ssyncadd.s32 $0xFFFFFF80  }
0x61: {  	[spmem:s2] =	stream.indirect.scatter.add.f32 [tilespmem:s12], [sflag:$0x1], $0x1, s21, s13, $0xb8;
	[tilespmem:$0x2B00] =	vst v63  }
0x62: {  	s22 =	sadd.s32 $0x80, s21  }
0x63: {  	[spmem:s2] =	stream.indirect.scatter.add.f32 [tilespmem:s12], [sflag:$0x1], $0x1, s22, s13, $0xb8;
	[tilespmem:$0x2B00] =	vst v63  }
0x64: {  	s31 =	sadd.s32 $0x100, s21  }
0x65: {  	[spmem:s2] =	stream.indirect.scatter.add.f32 [tilespmem:s12], [sflag:$0x1], $0x1, s31, s13, $0xb8;
	[tilespmem:$0x2B00] =	vst v63  }
0x66: {  	s21 =	sadd.s32 $0x180, s21  }
0x67: {  	[spmem:s2] =	stream.indirect.scatter.add.f32 [tilespmem:s12], [sflag:$0x1], $0x1, s21, s13, $0xb8;
	[tilespmem:$0x2B00] =	vst v63  }
0x68: {  	_ =	swait.ge [sflag:s14], $0x80  }
0x69: {  	[sflag:s14] =	ssyncset.done $0x0  }
0x6a: {  	[sflag:s14] =	ssyncadd.s32 $0xFFFFFF80  }
0x6b: {  	_ =	swait.ge [sflag:s14], $0x80  }
0x6c: {  	[sflag:s14] =	ssyncset.done $0x0  }
0x6d: {  	[sflag:s14] =	ssyncadd.s32 $0xFFFFFF80  }
0x6e: {  	_ =	swait.ge [sflag:s14], $0x80  }
0x6f: {  	[sflag:s14] =	ssyncset.done $0x0  }
0x70: {  	[sflag:s14] =	ssyncadd.s32 $0xFFFFFF80  }
0x71: {  	_ =	swait.ge [sflag:s14], $0x80  }
0x72: {  	s20 =	sadd.s32 $0x1, s20;
	[sflag:s14] =	ssyncset.done $0x0  }
0x73: {  	p0 =	sne.s32 s20, s10;
	[sflag:s14] =	ssyncadd.s32 $0xFFFFFF80  }
.Ltmp1:
0x74: {  	[bflag:$0x0] =	sbarrier.arrive $0xFFFF;
	(pc) =	sbr.rel @p0 .LBB2_1-.Ltmp1, $4  }
0x75: {  	[hbm:s15@s18], [sflag:s16] =	dma.strided [spmem:s17@s19], $0x50, s14, $0x10   }
0x76: {  	_ =	swait.ge [sflag:s11], $0x50  }
0x77: {  	[sflag:s11] =	ssyncset.done $0x0  }
0x78: {  	[sflag:s11] =	ssyncadd.s32 $0xFFFFFFB0  }
0x79: {  	_ =	sfence.sel $0x180000  }
0x7a: {  	[bflag:$0x0] =	sbarrier.arrive $0xFFFF  }
0x7b: {  	p0 =	sne.s32 s1, $0x0;
	_ =	strace $0x90000047  }
0x7c: {  	s0 =	sadd.s32 @!p0 $0x100000, s0;
	[bflag:$0x2] =	sbarrier.arrive $0xFFFF  }
0x7d: {  	[sflag:s0] =	ssyncadd.tile.s32 @!p0 $0x1;
	_ =	shalt  }
.Lfunc_end2:
_tile_overlayer_lowered:
.L_overlay_start_2:
0x7e: {  	(tag) =	ssettag $0x2  }
0x7f: {  	s0 =	rddreg [dreg:$0x0];
	s2 =	stileid.u32  }
0x80: {  	s1 =	rddreg [dreg:$0x1];
	p0 =	sne.s32 s2, $0x0  }
0x81: {  	s3 =	rddreg [dreg:$0x2];
	[bflag:$0x3] =	sbarrier.arrive $0xFFFF;
	s2 =	simm.s32 @!p0 $0x1C02  }
0x82: {  	[timem:s3], [sflag:s2] =	dma.local @!p0 [hbm:s0], s1  }
0x83: {  	s0 =	simm.s32 @!p0 $0x2  }
0x84: {  	_ =	swait.ge @!p0 [sflag:s0], s1  }
0x85: {  	s1 =	ssub.s32 @!p0 $0x0, s1;
	[sflag:s0] =	ssyncset.done @!p0 $0x0  }
0x86: {  	[sflag:s0] =	ssyncadd.s32 @!p0 s1  }
0x87: {  	[bflag:$0x3] =	sbarrier.arrive $0xFFFF  }
0x88: {  	_ =	shalt  }

// kernel: kernel.9.cloned.1.call-start
scs
__scs_entry_jumppad:
0x0: {  	(pc) =	sbr.rel $0x88, $3  }
0x1: {  	(tag) =	ssettag $0x0;
	lr =	simm.s32 $0x1  }
0x2: {  	[smem:$0x3F9E] =	sst lr;
	_ =	strace $0xD0000000  }
0x3: {  	_ = 	snop  }
0x4: {  	_ = 	snop  }
0x5: {  	_ = 	snop  }
0x6: {  	_ = 	snop  }
0x7: {  	_ = 	snop  }
__scs_overlays_trampoline_lowered:
0x8: {  	[smem:$0x3FAD] =	sst s0  }
0x9: {  	[smem:$0x3FAE] =	sst s1  }
0xa: {  	[smem:$0x3FAF] =	sst s2  }
0xb: {  	[smem:$0x3FB0] =	sst s3  }
0xc: {  	[smem:$0x3FB1] =	sst s4  }
0xd: {  	[smem:$0x3FB2] =	sst s5  }
0xe: {  	[smem:$0x3FB3] =	sst s6  }
0xf: {  	[smem:$0x3FB4] =	sst s7  }
0x10: {  	[smem:$0x3FB5] =	sst s8  }
0x11: {  	[smem:$0x3FB6] =	sst s9;
	s0 =	simm.s32 @!p0 $0x0  }
0x12: {  	s1 =	sld [smem:$0x3F9C];
	s0 =	simm.s32 @p0 $0x1  }
0x13: {  	[smem:$0x3FB7] =	sst s0;
	s0 =	simm.s32 @!p1 $0x0  }
0x14: {  	s2 =	sld [smem:$0x3F9B];
	s0 =	simm.s32 @p1 $0x1  }
0x15: {  	[smem:$0x3FB8] =	sst s0;
	s0 =	simm.s32 @!p2 $0x0  }
0x16: {  	s3 =	sld [smem:$0x3FDB];
	s0 =	simm.s32 @p2 $0x1  }
0x17: {  	s4 =	simm.s32 $0x1BF5;
	[smem:$0x3FBA] =	sst s0  }
0x18: {  	s0 =	sld [smem:$0x3F9D];
	_ =	swait.ge [sflag:s4], $0x0  }
0x19: {  	s7 =	sld [smem:$0x3F9E]  }
0x1a: {  	s8 =	sadd.s32 $0xFFFFE003, lr  }
0x1b: {  	s9 =	sadd.s32 $0xFFFFFEF7, lr;
	s5 =	simm.s32 $0xFFFFFFFF;
	p2 =	slt.u32 s8, $0xFFFFF086  }
0x1c: {  	p1 =	slt.u32 s9, $0xF7A;
	s5 =	simm.s32 @!p2 $0x0  }
0x1d: {  	s5 =	simm.s32 @p1 $0x1;
	p0 =	seq.s32 s7, s2  }
0x1e: {  	s7 =	smul.u32 @!p0 $0xF7A, s2;
	p2 =	seq.s32 @!p0 s5, $0x0  }
0x1f: {  	s9 =	smul.u32 $0xF7A, s1;
	s8 =	simm.s32 @!p0 $0x1BF5;
	p2 =	por !p2, p0  }
0x20: {  	[sflag:s8] =	ssyncset.s32 @!p0 $0xFFFFF086;
	s6 =	sadd.s32 @!p0 s3, s7;
	s7 =	simm.s32 @!p0 $0x108  }
0x21: {  	s3 =	sadd.s32 s3, s9;
	s6 =	sadd.s32 @!p0 $0x88, s6;
	s7 =	simm.s32 @p2 $0x1082  }
0x22: {  	[simem:s7], [sflag:s8] =	dma.local @!p0 [hbm:s6], $0xF7A  }
0x23: {  	s9 =	sor.u32 $0xD0000000, s2;
	s6 =	simm.s32 $0x108;
	_ =	swait.ge @!p0 [sflag:s8], $0x0  }
0x24: {  	s3 =	sadd.s32 $0x88, s3;
	s6 =	simm.s32 @!p1 $0x1082;
	[sflag:s4] =	ssyncset.s32 $0xFFFFF086  }
0x25: {  	[simem:s6], [sflag:s4] =	dma.local [hbm:s3], $0xF7A  }
0x26: {  	[smem:$0x3F9E] =	sst s1;
	(tag) =	ssettag s2;
	_ =	strace s9  }
0x27: {  	s1 =	sld [smem:$0x3FAE]  }
0x28: {  	s2 =	sld [smem:$0x3FAF]  }
0x29: {  	s4 =	sld [smem:$0x3FB1]  }
0x2a: {  	p0 =	seq.s32 s5, $0x0;
	s5 =	sld [smem:$0x3FB2]  }
0x2b: {  	s6 =	sld [smem:$0x3FB3]  }
0x2c: {  	s7 =	sld [smem:$0x3FB4]  }
0x2d: {  	s3 =	simm.s32 $0x108;
	s8 =	sld [smem:$0x3FB5]  }
0x2e: {  	s3 =	simm.s32 @!p0 $0x1082;
	s9 =	sld [smem:$0x3FB6]  }
0x2f: {  	lr =	sadd.s32 s0, s3;
	s0 =	sld [smem:$0x3FAD]  }
0x30: {  	s3 =	sld [smem:$0x3FB0]  }
0x31: {  	[smem:$0x3FB9] =	sst s10  }
0x32: {  	s10 =	sld [smem:$0x3FB7];
	_ =	sdelay $0x3  }
0x33: {  	p0 =	seq.s32 s10, $0x1;
	s10 =	sld [smem:$0x3FB9];
	_ =	sdelay $0x3  }
0x34: {  	[smem:$0x3FB9] =	sst s10  }
0x35: {  	s10 =	sld [smem:$0x3FB8];
	_ =	sdelay $0x3  }
0x36: {  	p1 =	seq.s32 s10, $0x1;
	s10 =	sld [smem:$0x3FB9];
	_ =	sdelay $0x3  }
0x37: {  	[smem:$0x3FB9] =	sst s10  }
0x38: {  	s10 =	sld [smem:$0x3FBA]  }
0x39: {  	_ = 	snop;
	(pc) =	sbr.ind lr, $3  }
0x3a: {  	_ = 	snop  }
0x3b: {  	_ = 	snop  }
0x3c: {  	p2 =	seq.s32 s10, $0x1;
	s10 =	sld [smem:$0x3FB9]  }
0x3d: {  	_ =	shalt  }
0x3e: {  	_ =	shalt  }
0x3f: {  	_ =	shalt  }
0x40: {  	_ =	shalt  }
0x41: {  	_ =	shalt  }
0x42: {  	_ =	shalt  }
0x43: {  	_ =	shalt  }
0x44: {  	_ =	shalt  }
0x45: {  	_ =	shalt  }
0x46: {  	_ =	shalt  }
0x47: {  	_ =	shalt  }
0x48: {  	_ =	shalt  }
0x49: {  	_ =	shalt  }
0x4a: {  	_ =	shalt  }
0x4b: {  	_ =	shalt  }
0x4c: {  	_ =	shalt  }
0x4d: {  	_ =	shalt  }
0x4e: {  	_ =	shalt  }
0x4f: {  	_ =	shalt  }
0x50: {  	_ =	shalt  }
0x51: {  	_ =	shalt  }
0x52: {  	_ =	shalt  }
0x53: {  	_ =	shalt  }
0x54: {  	_ =	shalt  }
0x55: {  	_ =	shalt  }
0x56: {  	_ =	shalt  }
0x57: {  	_ =	shalt  }
0x58: {  	_ =	shalt  }
0x59: {  	_ =	shalt  }
0x5a: {  	_ =	shalt  }
0x5b: {  	_ =	shalt  }
0x5c: {  	_ =	shalt  }
0x5d: {  	_ =	shalt  }
0x5e: {  	_ =	shalt  }
0x5f: {  	_ =	shalt  }
0x60: {  	_ =	shalt  }
0x61: {  	_ =	shalt  }
0x62: {  	_ =	shalt  }
0x63: {  	_ =	shalt  }
0x64: {  	_ =	shalt  }
0x65: {  	_ =	shalt  }
0x66: {  	_ =	shalt  }
0x67: {  	_ =	shalt  }
0x68: {  	_ =	shalt  }
0x69: {  	_ =	shalt  }
0x6a: {  	_ =	shalt  }
0x6b: {  	_ =	shalt  }
0x6c: {  	_ =	shalt  }
0x6d: {  	_ =	shalt  }
0x6e: {  	_ =	shalt  }
0x6f: {  	_ =	shalt  }
0x70: {  	_ =	shalt  }
0x71: {  	_ =	shalt  }
0x72: {  	_ =	shalt  }
0x73: {  	_ =	shalt  }
0x74: {  	_ =	shalt  }
0x75: {  	_ =	shalt  }
0x76: {  	_ =	shalt  }
0x77: {  	_ =	shalt  }
0x78: {  	_ =	shalt  }
0x79: {  	_ =	shalt  }
0x7a: {  	_ =	shalt  }
0x7b: {  	_ =	shalt  }
0x7c: {  	_ =	shalt  }
0x7d: {  	_ =	shalt  }
0x7e: {  	_ =	shalt  }
0x7f: {  	_ =	shalt  }
0x80: {  	_ =	shalt  }
0x81: {  	_ =	shalt  }
0x82: {  	_ =	shalt  }
0x83: {  	_ =	shalt  }
0x84: {  	_ =	shalt  }
0x85: {  	_ =	shalt  }
0x86: {  	_ =	shalt  }
0x87: {  	_ =	shalt  }
.Lfunc_end0:
.L_simem_size_0:
called_computation.1_lowered:
.L_overlay_start_0:
0x88: {  	s2 =	sld [smem:$0x3FD9]  }
0x89: {  	s3 =	sld [smem:$0x3FFE];
	_ =	sdelay $0x1  }
0x8a: {  	s1 =	srdreg.scid  }
0x8b: {  	s0 =	sand.u32 $0x1, s1  }
0x8c: {  	s17 =	sshll.u32 s0, $0xA;
	s2 =	sadd.s32 s3, s2  }
0x8d: {  	s2 =	sadd.s32 s2, s17  }
0x8e: {  	[smem:$0x3FC5] =	sst s2  }
0x8f: {  	_ = 	snop  }
0x90: {  	s2 =	sld [smem:$0x3FD0];
	(tm) =	ssettm $0x1  }
0x91: {  	s18 =	sld [smem:$0x3FFB];
	_ =	sdelay $0x3  }
0x92: {  	_ =	strace s18  }
0x93: {  	s3 =	sld [smem:$0x3FFC];
	_ =	sdelay $0x3  }
0x94: {  	_ =	strace s3  }
0x95: {  	s3 =	sld [smem:$0x3FFD];
	_ =	sdelay $0x3  }
0x96: {  	_ =	strace s3  }
0x97: {  	_ =	strace $0x8FFFFFFF  }
0x98: {  	s19 =	sld [smem:$0x3FDB];
	_ =	sdelay $0x1  }
0x99: {  	s4 =	simm.s32 $_scs_section_size  }
0x9a: {  	s5 =	simm.s32 $_size__tile_overlayer_lowered;
	s6 =	simm.s32 $_tile_overlayer_lowered  }
0x9b: {  	s22 =	simm.s32 $0x1BFF;
	s21 =	sshll.u32 s6, $0x1;
	s3 =	sadd.s32 s4, s19  }
0x9c: {  	s7 =	simm.s32 $0x0;
	s20 =	sshll.u32 s5, $0x1;
	s5 =	sadd.s32 s21, s3  }
0x9d: {  	[timem:s7], [sflag:s22] =	dma.local [hbm:s5], s20  }
0x9e: {  	_ =	swait.ge [sflag:s22], s20  }
0x9f: {  	s4 =	ssub.s32 $0x0, s20;
	[sflag:s22] =	ssyncset.done $0x0  }
0xa0: {  	[sflag:s22] =	ssyncadd.s32 s4;
	_ =	sdelay $0x1  }
0xa1: {  	s23 =	simm.s32 $0x1B8B  }
0xa2: {  	_ =	swait.ge [sflag:s23], $0x1  }
0xa3: {  	[sflag:s23] =	ssyncset.done $0x0  }
0xa4: {  	s25 =	simm.s32 $0x1B8E;
	s24 =	sld [smem:$0x3FFE];
	[sflag:s23] =	ssyncadd.s32 $0xFFFFFFFF  }
0xa5: {  	s26 =	simm.s32 $execute0_lowered;
	[smem:$0x3FD2] =	sst s25  }
0xa6: {  	s5 =	sshll.u32 s26, $0x1;
	_ =	strace $0x80000049;
	[dreg:$0x1] =	wrdreg $0xFFFFFFFF  }
0xa7: {  	s28 =	simm.s32 $_size_execute0_lowered;
	s3 =	sadd.s32 s3, s5;
	[dreg:$0x0] =	wrdreg $0x0  }
0xa8: {  	s5 =	sshll.u32 s28, $0x1;
	[dreg:$0x2] =	wrdreg s3  }
0xa9: {  	[dreg:$0x3] =	wrdreg s5  }
0xaa: {  	[dreg:$0x4] =	wrdreg $0xC0  }
0xab: {  	_ =	task [dreg:s7], $0x5FFFF  }
0xac: {  	[dreg:$0x1] =	wrdreg $0xFFFFFFFF  }
0xad: {  	[dreg:$0x0] =	wrdreg $0x60  }
0xae: {  	[dreg:$0x2] =	wrdreg s2  }
0xaf: {  	[dreg:$0x3] =	wrdreg s24  }
0xb0: {  	[dreg:$0x4] =	wrdreg $0xA8000  }
0xb1: {  	[dreg:$0x5] =	wrdreg $0x9  }
0xb2: {  	_ =	task.clear_ibuf [dreg:s7], $0x6FFFF;
	_ =	strace $0x90000049  }
0xb3: {  	s29 =	simm.s32 $0x9;
	_ =	strace $0x8000004B  }
0xb4: {  	_ =	swait.ge [sflag:s29], $0x1  }
0xb5: {  	[sflag:s29] =	ssyncadd.s32 $0xFFFFFFFF  }
0xb6: {  	_ =	strace $0x9000004B  }
0xb7: {  	_ =	sfence  }
0xb8: {  	s30 =	sld [smem:$0x0];
	_ =	sdelay $0x2  }
0xb9: {  	s31 =	sshll.u32 s1, $0xD;
	s1 =	sshrl.u32 s1, $0x2  }
0xba: {  	s3 =	sand.u32 $0x4000, s31;
	s1 =	sadd.s32 s1, s30  }
0xbb: {  	s0 =	sor.u32 s3, s0;
	s1 =	sshll.u32 s1, $0x11  }
0xbc: {  	s0 =	sor.u32 s1, s0  }
0xbd: {  	s0 =	sadd.s32 $0x8F2B, s0  }
0xbe: {  	[sflag:s0] =	ssyncadd.remote.s32 $0x1  }
0xbf: {  	_ =	sfence.sel $0xFFFF  }
0xc0: {  	[dreg:$0x0] =	wrdreg $0xFFFFFFFF;
	(pc) =	sbr.abs _section_cstart, $3  }
0xc1: {  	[dreg:$0x1] =	wrdreg $0xFFFFFFFF  }
0xc2: {  	_ =	task.clear_ibuf [dreg:s7], $0x2FFFF;
	_ =	strace $0x9FFFFFFF  }
0xc3: {  	(tm) =	ssettm $0x7FFFFFFF  }
tec
execute0_lowered:
.L_overlay_start_1:
0x0: {  	(tag) =	ssettag $0x1  }
0x1: {  	s0 =	rddreg [dreg:$0x0]  }
0x2: {  	s1 =	srdreg.scid;
	s4 =	rddreg [dreg:$0x1]  }
0x3: {  	s3 =	stileid.u32;
	s2 =	rddreg [dreg:$0x2];
	s6 =	simm.s32 $0x0  }
0x4: {  	s13 =	simm.s32 $0x9;
	s15 =	simm.s32 $0x1400;
	s16 =	simm.s32 $0x40  }
0x5: {  	s17 =	simm.s32 $0x2800;
	s19 =	simm.s32 $0x4800;
	s20 =	simm.s32 $0x1  }
0x6: {  	s21 =	simm.s32 $0x2;
	s22 =	simm.s32 $0x1480;
	s28 =	simm.s32 $0x3  }
0x7: {  	s29 =	simm.s32 $0x4;
	s30 =	simm.s32 $0x5;
	s31 =	simm.s32 $0x6  }
0x8: {  	s11 =	simm.s32 $0x2780;
	s1 =	sand.u32 $0x1, s1;
	s7 =	smul.u32 $0x4E000, s3  }
0x9: {  	s5 =	sshll.u32 s3, $0x1;
	[smem:$0x7FF] =	sst s6;
	s8 =	smul.u32 $0x2700, s3  }
0xa: {  	s25 =	sshll.u32 s3, $0x6;
	s10 =	sadd.s32 $0x138000, s2;
	s26 =	sadd.s32 $0x27000, s0  }
0xb: {  	p0 =	sne.s32 s3, $0x0;
	s5 =	sor.u32 s1, s5;
	s23 =	smul.u32 $0x27100, s1  }
0xc: {  	_ =	strace $0x8000004A;
	s1 =	ssub.s32 $0x2, s1;
	s6 =	sor.u32 $0x1C09, s25  }
0xd: {  	[dreg:$0x6] =	wrdreg s26;
	s14 =	sshrl.u32 @!p0 s10, $0x3;
	s25 =	simm.s32 $0x180  }
0xe: {  	s26 =	simm.s32 $0x8800;
	s5 =	smul.u32 $0xA00, s5;
	s24 =	sshrl.u32 s1, $0x1  }
0xf: {  	s7 =	sshrl.u32 s7, $0x2;
	[dreg:$0x4] =	wrdreg s8;
	s8 =	sadd.s32 s0, s8  }
0x10: {  	s1 =	ssub.s32 s1, s24;
	s7 =	sadd.s32 s7, s2;
	[dreg:$0x5] =	wrdreg s8  }
0x11: {  	s24 =	simm.s32 $0x6800;
	s5 =	sadd.s32 s5, s4;
	s4 =	sadd.s32 s23, s4  }
0x12: {  	s1 =	smax.u32 s1, $0x1;
	s12 =	sshrl.u32 s7, $0x3;
	s23 =	simm.s32 $0x100  }
0x13: {  	s7 =	simm.s32 $0x2700;
	s8 =	sadd.s32 $0x16600, s5;
	s9 =	sadd.s32 $0x2600, s5  }
0x14: {  	s4 =	sadd.s32 $0x2A600, s4;
	[dreg:$0x8] =	wrdreg s1;
	s1 =	simm.s32 $0x7  }
0x15: {  	s5 =	simm.s32 $0x8;
	[dreg:$0x7] =	wrdreg s4;
	s4 =	simm.s32 $0x0  }
.LBB2_1:
0x16: {  	s3 =	rddreg [dreg:$0x5]  }
0x17: {  	[spmem:s12], [sflag:s6] =	dma.local [hbm:s3], $0x2700  }
0x18: {  	_ =	swait.ge [sflag:s13], $0x2700  }
0x19: {  	[sflag:s13] =	ssyncset.done $0x0  }
0x1a: {  	s3 =	rddreg [dreg:$0x6];
	[sflag:s13] =	ssyncadd.s32 $0xFFFFD900  }
0x1b: {  	[spmem:s14], [sflag:s6] =	dma.local @!p0 [hbm:s3], $0x100  }
0x1c: {  	s3 =	simm.s32 @!p0 $0x9  }
0x1d: {  	_ =	swait.ge @!p0 [sflag:s3], $0x100  }
0x1e: {  	[sflag:s3] =	ssyncset.done @!p0 $0x0  }
0x1f: {  	[sflag:s3] =	ssyncadd.s32 @!p0 $0xFFFFFF00  }
0x20: {  	s18 =	smov.u32 s12;
	s12 =	simm.s32 $0x0;
	[bflag:$0x0] =	sbarrier.arrive $0xFFFF  }
0x21: {  	[tilespmem:s12], [sflag:$0x9] =	stream.linear.gather [hbm4b:s8+s12], $0x1400, $0x38;
	[tilespmem:$0x1E100] =	vst v63  }
0x22: {  	_ =	swait.ge [sflag:s13], $0x1400  }
0x23: {  	[sflag:s13] =	ssyncset.done $0x0  }
0x24: {  	[sflag:s13] =	ssyncadd.s32 $0xFFFFEC00  }
0x25: {  	[tilespmem:s15], [sflag:$0x9] =	stream.linear.gather [hbm4b:s9+s12], $0x1400, $0x38;
	[tilespmem:$0x1E100] =	vst v63  }
0x26: {  	_ =	swait.ge [sflag:s13], $0x1400  }
0x27: {  	[sflag:s13] =	ssyncset.done $0x0  }
0x28: {  	[sflag:s13] =	ssyncadd.s32 $0xFFFFEC00  }
0x29: {  	[tilespmem:s17], [sflag:$0x1] =	stream.indirect.gather [hbm4b:s0+s16], $0x80, s12, s16, $0xb8;
	[tilespmem:$0x1E100] =	vst v63  }
0x2a: {  	s10 =	simm.s32 $0x80  }
0x2b: {  	[tilespmem:s19], [sflag:$0x2] =	stream.indirect.gather [hbm4b:s0+s16], $0x80, s10, s16, $0xb8;
	[tilespmem:$0x1E100] =	vst v63  }
0x2c: {  	_ =	swait.ge [sflag:s20], $0x2000  }
0x2d: {  	[sflag:s20] =	ssyncset.done $0x0  }
0x2e: {  	[sflag:s20] =	ssyncadd.s32 $0xFFFFE000  }
0x2f: {  	[spmem:s2] =	stream.indirect.scatter.add.f32 [tilespmem:s17], [sflag:$0x5], $0x80, s15, s16, $0xb8;
	[tilespmem:$0x1E100] =	vst v63  }
0x30: {  	_ =	swait.ge [sflag:s21], $0x2000  }
0x31: {  	[sflag:s21] =	ssyncset.done $0x0  }
0x32: {  	[sflag:s21] =	ssyncadd.s32 $0xFFFFE000  }
0x33: {  	[spmem:s2] =	stream.indirect.scatter.add.f32 [tilespmem:s19], [sflag:$0x6], $0x80, s22, s16, $0xb8;
	[tilespmem:$0x1E100] =	vst v63  }
0x34: {  	_ = 	snop  }
0x35: {  	[tilespmem:s24], [sflag:$0x3] =	stream.indirect.gather [hbm4b:s0+s16], $0x80, s23, s16, $0xb8;
	[tilespmem:$0x1E100] =	vst v63  }
0x36: {  	_ = 	snop  }
0x37: {  	[tilespmem:s26], [sflag:$0x4] =	stream.indirect.gather [hbm4b:s0+s16], $0x80, s25, s16, $0xb8;
	[tilespmem:$0x1E100] =	vst v63  }
0x38: {  	_ =	swait.ge [sflag:s28], $0x2000  }
0x39: {  	[sflag:s28] =	ssyncset.done $0x0  }
0x3a: {  	s12 =	simm.s32 $0x1500;
	[sflag:s28] =	ssyncadd.s32 $0xFFFFE000  }
0x3b: {  	[spmem:s2] =	stream.indirect.scatter.add.f32 [tilespmem:s24], [sflag:$0x7], $0x80, s12, s16, $0xb8;
	[tilespmem:$0x1E100] =	vst v63  }
0x3c: {  	_ =	swait.ge [sflag:s29], $0x2000  }
0x3d: {  	[sflag:s29] =	ssyncset.done $0x0  }
0x3e: {  	s10 =	simm.s32 $0x1580;
	[sflag:s29] =	ssyncadd.s32 $0xFFFFE000  }
0x3f: {  	[spmem:s2] =	stream.indirect.scatter.add.f32 [tilespmem:s26], [sflag:$0x8], $0x80, s10, s16, $0xb8;
	[tilespmem:$0x1E100] =	vst v63  }
0x40: {  	_ =	swait.ge [sflag:s30], $0x2000  }
0x41: {  	[sflag:s30] =	ssyncset.done $0x0  }
0x42: {  	s12 =	simm.s32 $0x200;
	[sflag:s30] =	ssyncadd.s32 $0xFFFFE000  }
0x43: {  	[tilespmem:s17], [sflag:$0x1] =	stream.indirect.gather [hbm4b:s0+s16], $0x80, s12, s16, $0xb8;
	[tilespmem:$0x1E100] =	vst v63  }
0x44: {  	_ =	swait.ge [sflag:s31], $0x2000  }
0x45: {  	[sflag:s31] =	ssyncset.done $0x0  }
0x46: {  	s10 =	simm.s32 $0x280;
	[sflag:s31] =	ssyncadd.s32 $0xFFFFE000  }
0x47: {  	[tilespmem:s19], [sflag:$0x2] =	stream.indirect.gather [hbm4b:s0+s16], $0x80, s10, s16, $0xb8;
	[tilespmem:$0x1E100] =	vst v63  }
0x48: {  	_ =	swait.ge [sflag:s20], $0x2000  }
0x49: {  	[sflag:s20] =	ssyncset.done $0x0  }
0x4a: {  	s12 =	simm.s32 $0x1600;
	[sflag:s20] =	ssyncadd.s32 $0xFFFFE000  }
0x4b: {  	[spmem:s2] =	stream.indirect.scatter.add.f32 [tilespmem:s17], [sflag:$0x5], $0x80, s12, s16, $0xb8;
	[tilespmem:$0x1E100] =	vst v63  }
0x4c: {  	_ =	swait.ge [sflag:s21], $0x2000  }
0x4d: {  	[sflag:s21] =	ssyncset.done $0x0  }
0x4e: {  	s10 =	simm.s32 $0x1680;
	[sflag:s21] =	ssyncadd.s32 $0xFFFFE000  }
0x4f: {  	[spmem:s2] =	stream.indirect.scatter.add.f32 [tilespmem:s19], [sflag:$0x6], $0x80, s10, s16, $0xb8;
	[tilespmem:$0x1E100] =	vst v63  }
0x50: {  	_ =	swait.ge [sflag:s1], $0x2000  }
0x51: {  	[sflag:s1] =	ssyncset.done $0x0  }
0x52: {  	s12 =	simm.s32 $0x300;
	[sflag:s1] =	ssyncadd.s32 $0xFFFFE000  }
0x53: {  	[tilespmem:s24], [sflag:$0x3] =	stream.indirect.gather [hbm4b:s0+s16], $0x80, s12, s16, $0xb8;
	[tilespmem:$0x1E100] =	vst v63  }
0x54: {  	_ =	swait.ge [sflag:s5], $0x2000  }
0x55: {  	[sflag:s5] =	ssyncset.done $0x0  }
0x56: {  	s3 =	simm.s32 $0x800;
	s10 =	simm.s32 $0x380;
	[sflag:s5] =	ssyncadd.s32 $0xFFFFE000  }
.LBB2_2:
0x57: {  	[tilespmem:s26], [sflag:$0x4] =	stream.indirect.gather [hbm4b:s0+s16], $0x80, s10, s16, $0xb8;
	[tilespmem:$0x1E100] =	vst v63  }
0x58: {  	s10 =	smov.u32 s3  }
0x59: {  	p1 =	sne.s32 s3, $0x4000;
	s3 =	sadd.s32 $0x800, s3;
	_ =	swait.ge [sflag:s28], $0x2000  }
0x5a: {  	s10 =	sshra.s32 s10, $0x2;
	[sflag:s28] =	ssyncset.done $0x0  }
0x5b: {  	s12 =	sadd.s32 $0x1500, s10;
	[sflag:s28] =	ssyncadd.s32 $0xFFFFE000  }
0x5c: {  	[spmem:s2] =	stream.indirect.scatter.add.f32 [tilespmem:s24], [sflag:$0x7], $0x80, s12, s16, $0xb8;
	[tilespmem:$0x1E100] =	vst v63  }
0x5d: {  	_ =	swait.ge [sflag:s29], $0x2000  }
0x5e: {  	[sflag:s29] =	ssyncset.done $0x0  }
0x5f: {  	s12 =	sadd.s32 $0x1580, s10;
	[sflag:s29] =	ssyncadd.s32 $0xFFFFE000  }
0x60: {  	[spmem:s2] =	stream.indirect.scatter.add.f32 [tilespmem:s26], [sflag:$0x8], $0x80, s12, s16, $0xb8;
	[tilespmem:$0x1E100] =	vst v63  }
0x61: {  	_ =	swait.ge [sflag:s30], $0x2000  }
0x62: {  	[sflag:s30] =	ssyncset.done $0x0  }
0x63: {  	s12 =	sadd.s32 $0x200, s10;
	[sflag:s30] =	ssyncadd.s32 $0xFFFFE000  }
0x64: {  	[tilespmem:s17], [sflag:$0x1] =	stream.indirect.gather [hbm4b:s0+s16], $0x80, s12, s16, $0xb8;
	[tilespmem:$0x1E100] =	vst v63  }
0x65: {  	_ =	swait.ge [sflag:s31], $0x2000  }
0x66: {  	[sflag:s31] =	ssyncset.done $0x0  }
0x67: {  	s12 =	sadd.s32 $0x280, s10;
	[sflag:s31] =	ssyncadd.s32 $0xFFFFE000  }
0x68: {  	[tilespmem:s19], [sflag:$0x2] =	stream.indirect.gather [hbm4b:s0+s16], $0x80, s12, s16, $0xb8;
	[tilespmem:$0x1E100] =	vst v63  }
0x69: {  	_ =	swait.ge [sflag:s20], $0x2000  }
0x6a: {  	[sflag:s20] =	ssyncset.done $0x0  }
0x6b: {  	s12 =	sadd.s32 $0x1600, s10;
	[sflag:s20] =	ssyncadd.s32 $0xFFFFE000  }
0x6c: {  	[spmem:s2] =	stream.indirect.scatter.add.f32 [tilespmem:s17], [sflag:$0x5], $0x80, s12, s16, $0xb8;
	[tilespmem:$0x1E100] =	vst v63  }
0x6d: {  	_ =	swait.ge [sflag:s21], $0x2000  }
0x6e: {  	[sflag:s21] =	ssyncset.done $0x0  }
0x6f: {  	s12 =	sadd.s32 $0x1680, s10;
	[sflag:s21] =	ssyncadd.s32 $0xFFFFE000  }
0x70: {  	[spmem:s2] =	stream.indirect.scatter.add.f32 [tilespmem:s19], [sflag:$0x6], $0x80, s12, s16, $0xb8;
	[tilespmem:$0x1E100] =	vst v63  }
0x71: {  	_ =	swait.ge [sflag:s1], $0x2000  }
0x72: {  	[sflag:s1] =	ssyncset.done $0x0  }
.Ltmp0:
0x73: {  	s12 =	sadd.s32 $0x300, s10;
	[sflag:s1] =	ssyncadd.s32 $0xFFFFE000;
	(pc) =	sbr.rel @p1 .LBB2_2-.Ltmp0, $4  }
0x74: {  	[tilespmem:s24], [sflag:$0x3] =	stream.indirect.gather [hbm4b:s0+s16], $0x80, s12, s16, $0xb8;
	[tilespmem:$0x1E100] =	vst v63  }
0x75: {  	_ =	swait.ge [sflag:s5], $0x2000  }
0x76: {  	[sflag:s5] =	ssyncset.done $0x0  }
0x77: {  	s10 =	sadd.s32 $0x380, s10;
	[sflag:s5] =	ssyncadd.s32 $0xFFFFE000  }
0x78: {  	[tilespmem:s26], [sflag:$0x4] =	stream.indirect.gather [hbm4b:s0+s16], $0x80, s10, s16, $0xb8;
	[tilespmem:$0x1E100] =	vst v63  }
0x79: {  	_ =	swait.ge [sflag:s28], $0x2000  }
0x7a: {  	[sflag:s28] =	ssyncset.done $0x0  }
0x7b: {  	[sflag:s28] =	ssyncadd.s32 $0xFFFFE000  }
0x7c: {  	[spmem:s2] =	stream.indirect.scatter.add.f32 [tilespmem:s24], [sflag:$0x7], $0x80, s7, s16, $0xb8;
	[tilespmem:$0x1E100] =	vst v63  }
0x7d: {  	_ =	swait.ge [sflag:s29], $0x2000  }
0x7e: {  	[sflag:s29] =	ssyncset.done $0x0  }
0x7f: {  	[sflag:s29] =	ssyncadd.s32 $0xFFFFE000  }
0x80: {  	[spmem:s2] =	stream.indirect.scatter.add.f32 [tilespmem:s26], [sflag:$0x8], $0x80, s11, s16, $0xb8;
	[tilespmem:$0x1E100] =	vst v63  }
0x81: {  	_ =	swait.ge [sflag:s30], $0x2000  }
0x82: {  	[sflag:s30] =	ssyncset.done $0x0  }
0x83: {  	[sflag:s30] =	ssyncadd.s32 $0xFFFFE000  }
0x84: {  	_ =	swait.ge [sflag:s31], $0x2000  }
0x85: {  	[sflag:s31] =	ssyncset.done $0x0  }
0x86: {  	[sflag:s31] =	ssyncadd.s32 $0xFFFFE000  }
0x87: {  	_ =	swait.ge [sflag:s1], $0x2000  }
0x88: {  	[sflag:s1] =	ssyncset.done $0x0  }
0x89: {  	[sflag:s1] =	ssyncadd.s32 $0xFFFFE000  }
0x8a: {  	_ =	swait.ge [sflag:s5], $0x2000  }
0x8b: {  	[sflag:s5] =	ssyncset.done $0x0  }
0x8c: {  	s3 =	sadd.s32 $0x280, s8;
	s10 =	simm.s32 $0x0;
	[sflag:s5] =	ssyncadd.s32 $0xFFFFE000  }
0x8d: {  	[tilespmem:s10], [sflag:$0x9] =	stream.linear.gather [hbm4b:s3+s10], $0x1400, $0x38;
	[tilespmem:$0x1E100] =	vst v63  }
0x8e: {  	_ =	swait.ge [sflag:s13], $0x1400  }
0x8f: {  	[sflag:s13] =	ssyncset.done $0x0  }
0x90: {  	s12 =	sadd.s32 $0x280, s9;
	[sflag:s13] =	ssyncadd.s32 $0xFFFFEC00  }
0x91: {  	[tilespmem:s15], [sflag:$0x9] =	stream.linear.gather [hbm4b:s12+s10], $0x1400, $0x38;
	[tilespmem:$0x1E100] =	vst v63  }
0x92: {  	_ =	swait.ge [sflag:s13], $0x1400  }
0x93: {  	[sflag:s13] =	ssyncset.done $0x0  }
0x94: {  	[sflag:s13] =	ssyncadd.s32 $0xFFFFEC00  }
0x95: {  	[tilespmem:s17], [sflag:$0x1] =	stream.indirect.gather [hbm4b:s0+s16], $0x80, s10, s16, $0xb8;
	[tilespmem:$0x1E100] =	vst v63  }
0x96: {  	s10 =	simm.s32 $0x80  }
0x97: {  	[tilespmem:s19], [sflag:$0x2] =	stream.indirect.gather [hbm4b:s0+s16], $0x80, s10, s16, $0xb8;
	[tilespmem:$0x1E100] =	vst v63  }
0x98: {  	_ =	swait.ge [sflag:s20], $0x2000  }
0x99: {  	[sflag:s20] =	ssyncset.done $0x0  }
0x9a: {  	[sflag:s20] =	ssyncadd.s32 $0xFFFFE000  }
0x9b: {  	[spmem:s2] =	stream.indirect.scatter.add.f32 [tilespmem:s17], [sflag:$0x5], $0x80, s15, s16, $0xb8;
	[tilespmem:$0x1E100] =	vst v63  }
0x9c: {  	_ =	swait.ge [sflag:s21], $0x2000  }
0x9d: {  	[sflag:s21] =	ssyncset.done $0x0  }
0x9e: {  	[sflag:s21] =	ssyncadd.s32 $0xFFFFE000  }
0x9f: {  	[spmem:s2] =	stream.indirect.scatter.add.f32 [tilespmem:s19], [sflag:$0x6], $0x80, s22, s16, $0xb8;
	[tilespmem:$0x1E100] =	vst v63  }
0xa0: {  	_ = 	snop  }
0xa1: {  	[tilespmem:s24], [sflag:$0x3] =	stream.indirect.gather [hbm4b:s0+s16], $0x80, s23, s16, $0xb8;
	[tilespmem:$0x1E100] =	vst v63  }
0xa2: {  	_ = 	snop  }
0xa3: {  	[tilespmem:s26], [sflag:$0x4] =	stream.indirect.gather [hbm4b:s0+s16], $0x80, s25, s16, $0xb8;
	[tilespmem:$0x1E100] =	vst v63  }
0xa4: {  	_ =	swait.ge [sflag:s28], $0x2000  }
0xa5: {  	[sflag:s28] =	ssyncset.done $0x0  }
0xa6: {  	s12 =	simm.s32 $0x1500;
	[sflag:s28] =	ssyncadd.s32 $0xFFFFE000  }
0xa7: {  	[spmem:s2] =	stream.indirect.scatter.add.f32 [tilespmem:s24], [sflag:$0x7], $0x80, s12, s16, $0xb8;
	[tilespmem:$0x1E100] =	vst v63  }
0xa8: {  	_ =	swait.ge [sflag:s29], $0x2000  }
0xa9: {  	[sflag:s29] =	ssyncset.done $0x0  }
0xaa: {  	s10 =	simm.s32 $0x1580;
	[sflag:s29] =	ssyncadd.s32 $0xFFFFE000  }
0xab: {  	[spmem:s2] =	stream.indirect.scatter.add.f32 [tilespmem:s26], [sflag:$0x8], $0x80, s10, s16, $0xb8;
	[tilespmem:$0x1E100] =	vst v63  }
0xac: {  	_ =	swait.ge [sflag:s30], $0x2000  }
0xad: {  	[sflag:s30] =	ssyncset.done $0x0  }
0xae: {  	s12 =	simm.s32 $0x200;
	[sflag:s30] =	ssyncadd.s32 $0xFFFFE000  }
0xaf: {  	[tilespmem:s17], [sflag:$0x1] =	stream.indirect.gather [hbm4b:s0+s16], $0x80, s12, s16, $0xb8;
	[tilespmem:$0x1E100] =	vst v63  }
0xb0: {  	_ =	swait.ge [sflag:s31], $0x2000  }
0xb1: {  	[sflag:s31] =	ssyncset.done $0x0  }
0xb2: {  	s10 =	simm.s32 $0x280;
	[sflag:s31] =	ssyncadd.s32 $0xFFFFE000  }
0xb3: {  	[tilespmem:s19], [sflag:$0x2] =	stream.indirect.gather [hbm4b:s0+s16], $0x80, s10, s16, $0xb8;
	[tilespmem:$0x1E100] =	vst v63  }
0xb4: {  	_ =	swait.ge [sflag:s20], $0x2000  }
0xb5: {  	[sflag:s20] =	ssyncset.done $0x0  }
0xb6: {  	s12 =	simm.s32 $0x1600;
	[sflag:s20] =	ssyncadd.s32 $0xFFFFE000  }
0xb7: {  	[spmem:s2] =	stream.indirect.scatter.add.f32 [tilespmem:s17], [sflag:$0x5], $0x80, s12, s16, $0xb8;
	[tilespmem:$0x1E100] =	vst v63  }
0xb8: {  	_ =	swait.ge [sflag:s21], $0x2000  }
0xb9: {  	[sflag:s21] =	ssyncset.done $0x0  }
0xba: {  	s10 =	simm.s32 $0x1680;
	[sflag:s21] =	ssyncadd.s32 $0xFFFFE000  }
0xbb: {  	[spmem:s2] =	stream.indirect.scatter.add.f32 [tilespmem:s19], [sflag:$0x6], $0x80, s10, s16, $0xb8;
	[tilespmem:$0x1E100] =	vst v63  }
0xbc: {  	_ =	swait.ge [sflag:s1], $0x2000  }
0xbd: {  	[sflag:s1] =	ssyncset.done $0x0  }
0xbe: {  	s12 =	simm.s32 $0x300;
	[sflag:s1] =	ssyncadd.s32 $0xFFFFE000  }
0xbf: {  	[tilespmem:s24], [sflag:$0x3] =	stream.indirect.gather [hbm4b:s0+s16], $0x80, s12, s16, $0xb8;
	[tilespmem:$0x1E100] =	vst v63  }
0xc0: {  	_ =	swait.ge [sflag:s5], $0x2000  }
0xc1: {  	[sflag:s5] =	ssyncset.done $0x0  }
0xc2: {  	s3 =	simm.s32 $0x800;
	s10 =	simm.s32 $0x380;
	[sflag:s5] =	ssyncadd.s32 $0xFFFFE000  }
.LBB2_4:
0xc3: {  	[tilespmem:s26], [sflag:$0x4] =	stream.indirect.gather [hbm4b:s0+s16], $0x80, s10, s16, $0xb8;
	[tilespmem:$0x1E100] =	vst v63  }
0xc4: {  	s10 =	smov.u32 s3  }
0xc5: {  	p1 =	sne.s32 s3, $0x4000;
	s3 =	sadd.s32 $0x800, s3;
	_ =	swait.ge [sflag:s28], $0x2000  }
0xc6: {  	s10 =	sshra.s32 s10, $0x2;
	[sflag:s28] =	ssyncset.done $0x0  }
0xc7: {  	s12 =	sadd.s32 $0x1500, s10;
	[sflag:s28] =	ssyncadd.s32 $0xFFFFE000  }
0xc8: {  	[spmem:s2] =	stream.indirect.scatter.add.f32 [tilespmem:s24], [sflag:$0x7], $0x80, s12, s16, $0xb8;
	[tilespmem:$0x1E100] =	vst v63  }
0xc9: {  	_ =	swait.ge [sflag:s29], $0x2000  }
0xca: {  	[sflag:s29] =	ssyncset.done $0x0  }
0xcb: {  	s12 =	sadd.s32 $0x1580, s10;
	[sflag:s29] =	ssyncadd.s32 $0xFFFFE000  }
0xcc: {  	[spmem:s2] =	stream.indirect.scatter.add.f32 [tilespmem:s26], [sflag:$0x8], $0x80, s12, s16, $0xb8;
	[tilespmem:$0x1E100] =	vst v63  }
0xcd: {  	_ =	swait.ge [sflag:s30], $0x2000  }
0xce: {  	[sflag:s30] =	ssyncset.done $0x0  }
0xcf: {  	s12 =	sadd.s32 $0x200, s10;
	[sflag:s30] =	ssyncadd.s32 $0xFFFFE000  }
0xd0: {  	[tilespmem:s17], [sflag:$0x1] =	stream.indirect.gather [hbm4b:s0+s16], $0x80, s12, s16, $0xb8;
	[tilespmem:$0x1E100] =	vst v63  }
0xd1: {  	_ =	swait.ge [sflag:s31], $0x2000  }
0xd2: {  	[sflag:s31] =	ssyncset.done $0x0  }
0xd3: {  	s12 =	sadd.s32 $0x280, s10;
	[sflag:s31] =	ssyncadd.s32 $0xFFFFE000  }
0xd4: {  	[tilespmem:s19], [sflag:$0x2] =	stream.indirect.gather [hbm4b:s0+s16], $0x80, s12, s16, $0xb8;
	[tilespmem:$0x1E100] =	vst v63  }
0xd5: {  	_ =	swait.ge [sflag:s20], $0x2000  }
0xd6: {  	[sflag:s20] =	ssyncset.done $0x0  }
0xd7: {  	s12 =	sadd.s32 $0x1600, s10;
	[sflag:s20] =	ssyncadd.s32 $0xFFFFE000  }
0xd8: {  	[spmem:s2] =	stream.indirect.scatter.add.f32 [tilespmem:s17], [sflag:$0x5], $0x80, s12, s16, $0xb8;
	[tilespmem:$0x1E100] =	vst v63  }
0xd9: {  	_ =	swait.ge [sflag:s21], $0x2000  }
0xda: {  	[sflag:s21] =	ssyncset.done $0x0  }
0xdb: {  	s12 =	sadd.s32 $0x1680, s10;
	[sflag:s21] =	ssyncadd.s32 $0xFFFFE000  }
0xdc: {  	[spmem:s2] =	stream.indirect.scatter.add.f32 [tilespmem:s19], [sflag:$0x6], $0x80, s12, s16, $0xb8;
	[tilespmem:$0x1E100] =	vst v63  }
0xdd: {  	_ =	swait.ge [sflag:s1], $0x2000  }
0xde: {  	[sflag:s1] =	ssyncset.done $0x0  }
.Ltmp1:
0xdf: {  	s12 =	sadd.s32 $0x300, s10;
	[sflag:s1] =	ssyncadd.s32 $0xFFFFE000;
	(pc) =	sbr.rel @p1 .LBB2_4-.Ltmp1, $4  }
0xe0: {  	[tilespmem:s24], [sflag:$0x3] =	stream.indirect.gather [hbm4b:s0+s16], $0x80, s12, s16, $0xb8;
	[tilespmem:$0x1E100] =	vst v63  }
0xe1: {  	_ =	swait.ge [sflag:s5], $0x2000  }
0xe2: {  	[sflag:s5] =	ssyncset.done $0x0  }
0xe3: {  	s10 =	sadd.s32 $0x380, s10;
	[sflag:s5] =	ssyncadd.s32 $0xFFFFE000  }
0xe4: {  	[tilespmem:s26], [sflag:$0x4] =	stream.indirect.gather [hbm4b:s0+s16], $0x80, s10, s16, $0xb8;
	[tilespmem:$0x1E100] =	vst v63  }
0xe5: {  	_ =	swait.ge [sflag:s28], $0x2000  }
0xe6: {  	[sflag:s28] =	ssyncset.done $0x0  }
0xe7: {  	[sflag:s28] =	ssyncadd.s32 $0xFFFFE000  }
0xe8: {  	[spmem:s2] =	stream.indirect.scatter.add.f32 [tilespmem:s24], [sflag:$0x7], $0x80, s7, s16, $0xb8;
	[tilespmem:$0x1E100] =	vst v63  }
0xe9: {  	_ =	swait.ge [sflag:s29], $0x2000  }
0xea: {  	[sflag:s29] =	ssyncset.done $0x0  }
0xeb: {  	[sflag:s29] =	ssyncadd.s32 $0xFFFFE000  }
0xec: {  	[spmem:s2] =	stream.indirect.scatter.add.f32 [tilespmem:s26], [sflag:$0x8], $0x80, s11, s16, $0xb8;
	[tilespmem:$0x1E100] =	vst v63  }
0xed: {  	_ =	swait.ge [sflag:s30], $0x2000  }
0xee: {  	[sflag:s30] =	ssyncset.done $0x0  }
0xef: {  	[sflag:s30] =	ssyncadd.s32 $0xFFFFE000  }
0xf0: {  	_ =	swait.ge [sflag:s31], $0x2000  }
0xf1: {  	[sflag:s31] =	ssyncset.done $0x0  }
0xf2: {  	[sflag:s31] =	ssyncadd.s32 $0xFFFFE000  }
0xf3: {  	_ =	swait.ge [sflag:s1], $0x2000  }
0xf4: {  	[sflag:s1] =	ssyncset.done $0x0  }
0xf5: {  	[sflag:s1] =	ssyncadd.s32 $0xFFFFE000  }
0xf6: {  	_ =	swait.ge [sflag:s5], $0x2000  }
0xf7: {  	[sflag:s5] =	ssyncset.done $0x0  }
0xf8: {  	s3 =	sadd.s32 $0x500, s8;
	s10 =	simm.s32 $0x0;
	[sflag:s5] =	ssyncadd.s32 $0xFFFFE000  }
0xf9: {  	[tilespmem:s10], [sflag:$0x9] =	stream.linear.gather [hbm4b:s3+s10], $0x1400, $0x38;
	[tilespmem:$0x1E100] =	vst v63  }
0xfa: {  	_ =	swait.ge [sflag:s13], $0x1400  }
0xfb: {  	[sflag:s13] =	ssyncset.done $0x0  }
0xfc: {  	s12 =	sadd.s32 $0x500, s9;
	[sflag:s13] =	ssyncadd.s32 $0xFFFFEC00  }
0xfd: {  	[tilespmem:s15], [sflag:$0x9] =	stream.linear.gather [hbm4b:s12+s10], $0x1400, $0x38;
	[tilespmem:$0x1E100] =	vst v63  }
0xfe: {  	_ =	swait.ge [sflag:s13], $0x1400  }
0xff: {  	[sflag:s13] =	ssyncset.done $0x0  }
0x100: {  	[sflag:s13] =	ssyncadd.s32 $0xFFFFEC00  }
0x101: {  	[tilespmem:s17], [sflag:$0x1] =	stream.indirect.gather [hbm4b:s0+s16], $0x80, s10, s16, $0xb8;
	[tilespmem:$0x1E100] =	vst v63  }
0x102: {  	s10 =	simm.s32 $0x80  }
0x103: {  	[tilespmem:s19], [sflag:$0x2] =	stream.indirect.gather [hbm4b:s0+s16], $0x80, s10, s16, $0xb8;
	[tilespmem:$0x1E100] =	vst v63  }
0x104: {  	_ =	swait.ge [sflag:s20], $0x2000  }
0x105: {  	[sflag:s20] =	ssyncset.done $0x0  }
0x106: {  	[sflag:s20] =	ssyncadd.s32 $0xFFFFE000  }
0x107: {  	[spmem:s2] =	stream.indirect.scatter.add.f32 [tilespmem:s17], [sflag:$0x5], $0x80, s15, s16, $0xb8;
	[tilespmem:$0x1E100] =	vst v63  }
0x108: {  	_ =	swait.ge [sflag:s21], $0x2000  }
0x109: {  	[sflag:s21] =	ssyncset.done $0x0  }
0x10a: {  	[sflag:s21] =	ssyncadd.s32 $0xFFFFE000  }
0x10b: {  	[spmem:s2] =	stream.indirect.scatter.add.f32 [tilespmem:s19], [sflag:$0x6], $0x80, s22, s16, $0xb8;
	[tilespmem:$0x1E100] =	vst v63  }
0x10c: {  	_ = 	snop  }
0x10d: {  	[tilespmem:s24], [sflag:$0x3] =	stream.indirect.gather [hbm4b:s0+s16], $0x80, s23, s16, $0xb8;
	[tilespmem:$0x1E100] =	vst v63  }
0x10e: {  	_ = 	snop  }
0x10f: {  	[tilespmem:s26], [sflag:$0x4] =	stream.indirect.gather [hbm4b:s0+s16], $0x80, s25, s16, $0xb8;
	[tilespmem:$0x1E100] =	vst v63  }
0x110: {  	_ =	swait.ge [sflag:s28], $0x2000  }
0x111: {  	[sflag:s28] =	ssyncset.done $0x0  }
0x112: {  	s12 =	simm.s32 $0x1500;
	[sflag:s28] =	ssyncadd.s32 $0xFFFFE000  }
0x113: {  	[spmem:s2] =	stream.indirect.scatter.add.f32 [tilespmem:s24], [sflag:$0x7], $0x80, s12, s16, $0xb8;
	[tilespmem:$0x1E100] =	vst v63  }
0x114: {  	_ =	swait.ge [sflag:s29], $0x2000  }
0x115: {  	[sflag:s29] =	ssyncset.done $0x0  }
0x116: {  	s10 =	simm.s32 $0x1580;
	[sflag:s29] =	ssyncadd.s32 $0xFFFFE000  }
0x117: {  	[spmem:s2] =	stream.indirect.scatter.add.f32 [tilespmem:s26], [sflag:$0x8], $0x80, s10, s16, $0xb8;
	[tilespmem:$0x1E100] =	vst v63  }
0x118: {  	_ =	swait.ge [sflag:s30], $0x2000  }
0x119: {  	[sflag:s30] =	ssyncset.done $0x0  }
0x11a: {  	s12 =	simm.s32 $0x200;
	[sflag:s30] =	ssyncadd.s32 $0xFFFFE000  }
0x11b: {  	[tilespmem:s17], [sflag:$0x1] =	stream.indirect.gather [hbm4b:s0+s16], $0x80, s12, s16, $0xb8;
	[tilespmem:$0x1E100] =	vst v63  }
0x11c: {  	_ =	swait.ge [sflag:s31], $0x2000  }
0x11d: {  	[sflag:s31] =	ssyncset.done $0x0  }
0x11e: {  	s10 =	simm.s32 $0x280;
	[sflag:s31] =	ssyncadd.s32 $0xFFFFE000  }
0x11f: {  	[tilespmem:s19], [sflag:$0x2] =	stream.indirect.gather [hbm4b:s0+s16], $0x80, s10, s16, $0xb8;
	[tilespmem:$0x1E100] =	vst v63  }
0x120: {  	_ =	swait.ge [sflag:s20], $0x2000  }
0x121: {  	[sflag:s20] =	ssyncset.done $0x0  }
0x122: {  	s12 =	simm.s32 $0x1600;
	[sflag:s20] =	ssyncadd.s32 $0xFFFFE000  }
0x123: {  	[spmem:s2] =	stream.indirect.scatter.add.f32 [tilespmem:s17], [sflag:$0x5], $0x80, s12, s16, $0xb8;
	[tilespmem:$0x1E100] =	vst v63  }
0x124: {  	_ =	swait.ge [sflag:s21], $0x2000  }
0x125: {  	[sflag:s21] =	ssyncset.done $0x0  }
0x126: {  	s10 =	simm.s32 $0x1680;
	[sflag:s21] =	ssyncadd.s32 $0xFFFFE000  }
0x127: {  	[spmem:s2] =	stream.indirect.scatter.add.f32 [tilespmem:s19], [sflag:$0x6], $0x80, s10, s16, $0xb8;
	[tilespmem:$0x1E100] =	vst v63  }
0x128: {  	_ =	swait.ge [sflag:s1], $0x2000  }
0x129: {  	[sflag:s1] =	ssyncset.done $0x0  }
0x12a: {  	s12 =	simm.s32 $0x300;
	[sflag:s1] =	ssyncadd.s32 $0xFFFFE000  }
0x12b: {  	[tilespmem:s24], [sflag:$0x3] =	stream.indirect.gather [hbm4b:s0+s16], $0x80, s12, s16, $0xb8;
	[tilespmem:$0x1E100] =	vst v63  }
0x12c: {  	_ =	swait.ge [sflag:s5], $0x2000  }
0x12d: {  	[sflag:s5] =	ssyncset.done $0x0  }
0x12e: {  	s3 =	simm.s32 $0x800;
	s10 =	simm.s32 $0x380;
	[sflag:s5] =	ssyncadd.s32 $0xFFFFE000  }
.LBB2_6:
0x12f: {  	[tilespmem:s26], [sflag:$0x4] =	stream.indirect.gather [hbm4b:s0+s16], $0x80, s10, s16, $0xb8;
	[tilespmem:$0x1E100] =	vst v63  }
0x130: {  	s10 =	smov.u32 s3  }
0x131: {  	p1 =	sne.s32 s3, $0x4000;
	s3 =	sadd.s32 $0x800, s3;
	_ =	swait.ge [sflag:s28], $0x2000  }
0x132: {  	s10 =	sshra.s32 s10, $0x2;
	[sflag:s28] =	ssyncset.done $0x0  }
0x133: {  	s12 =	sadd.s32 $0x1500, s10;
	[sflag:s28] =	ssyncadd.s32 $0xFFFFE000  }
0x134: {  	[spmem:s2] =	stream.indirect.scatter.add.f32 [tilespmem:s24], [sflag:$0x7], $0x80, s12, s16, $0xb8;
	[tilespmem:$0x1E100] =	vst v63  }
0x135: {  	_ =	swait.ge [sflag:s29], $0x2000  }
0x136: {  	[sflag:s29] =	ssyncset.done $0x0  }
0x137: {  	s12 =	sadd.s32 $0x1580, s10;
	[sflag:s29] =	ssyncadd.s32 $0xFFFFE000  }
0x138: {  	[spmem:s2] =	stream.indirect.scatter.add.f32 [tilespmem:s26], [sflag:$0x8], $0x80, s12, s16, $0xb8;
	[tilespmem:$0x1E100] =	vst v63  }
0x139: {  	_ =	swait.ge [sflag:s30], $0x2000  }
0x13a: {  	[sflag:s30] =	ssyncset.done $0x0  }
0x13b: {  	s12 =	sadd.s32 $0x200, s10;
	[sflag:s30] =	ssyncadd.s32 $0xFFFFE000  }
0x13c: {  	[tilespmem:s17], [sflag:$0x1] =	stream.indirect.gather [hbm4b:s0+s16], $0x80, s12, s16, $0xb8;
	[tilespmem:$0x1E100] =	vst v63  }
0x13d: {  	_ =	swait.ge [sflag:s31], $0x2000  }
0x13e: {  	[sflag:s31] =	ssyncset.done $0x0  }
0x13f: {  	s12 =	sadd.s32 $0x280, s10;
	[sflag:s31] =	ssyncadd.s32 $0xFFFFE000  }
0x140: {  	[tilespmem:s19], [sflag:$0x2] =	stream.indirect.gather [hbm4b:s0+s16], $0x80, s12, s16, $0xb8;
	[tilespmem:$0x1E100] =	vst v63  }
0x141: {  	_ =	swait.ge [sflag:s20], $0x2000  }
0x142: {  	[sflag:s20] =	ssyncset.done $0x0  }
0x143: {  	s12 =	sadd.s32 $0x1600, s10;
	[sflag:s20] =	ssyncadd.s32 $0xFFFFE000  }
0x144: {  	[spmem:s2] =	stream.indirect.scatter.add.f32 [tilespmem:s17], [sflag:$0x5], $0x80, s12, s16, $0xb8;
	[tilespmem:$0x1E100] =	vst v63  }
0x145: {  	_ =	swait.ge [sflag:s21], $0x2000  }
0x146: {  	[sflag:s21] =	ssyncset.done $0x0  }
0x147: {  	s12 =	sadd.s32 $0x1680, s10;
	[sflag:s21] =	ssyncadd.s32 $0xFFFFE000  }
0x148: {  	[spmem:s2] =	stream.indirect.scatter.add.f32 [tilespmem:s19], [sflag:$0x6], $0x80, s12, s16, $0xb8;
	[tilespmem:$0x1E100] =	vst v63  }
0x149: {  	_ =	swait.ge [sflag:s1], $0x2000  }
0x14a: {  	[sflag:s1] =	ssyncset.done $0x0  }
.Ltmp2:
0x14b: {  	s12 =	sadd.s32 $0x300, s10;
	[sflag:s1] =	ssyncadd.s32 $0xFFFFE000;
	(pc) =	sbr.rel @p1 .LBB2_6-.Ltmp2, $4  }
0x14c: {  	[tilespmem:s24], [sflag:$0x3] =	stream.indirect.gather [hbm4b:s0+s16], $0x80, s12, s16, $0xb8;
	[tilespmem:$0x1E100] =	vst v63  }
0x14d: {  	_ =	swait.ge [sflag:s5], $0x2000  }
0x14e: {  	[sflag:s5] =	ssyncset.done $0x0  }
0x14f: {  	s10 =	sadd.s32 $0x380, s10;
	[sflag:s5] =	ssyncadd.s32 $0xFFFFE000  }
0x150: {  	[tilespmem:s26], [sflag:$0x4] =	stream.indirect.gather [hbm4b:s0+s16], $0x80, s10, s16, $0xb8;
	[tilespmem:$0x1E100] =	vst v63  }
0x151: {  	_ =	swait.ge [sflag:s28], $0x2000  }
0x152: {  	[sflag:s28] =	ssyncset.done $0x0  }
0x153: {  	[sflag:s28] =	ssyncadd.s32 $0xFFFFE000  }
0x154: {  	[spmem:s2] =	stream.indirect.scatter.add.f32 [tilespmem:s24], [sflag:$0x7], $0x80, s7, s16, $0xb8;
	[tilespmem:$0x1E100] =	vst v63  }
0x155: {  	_ =	swait.ge [sflag:s29], $0x2000  }
0x156: {  	[sflag:s29] =	ssyncset.done $0x0  }
0x157: {  	[sflag:s29] =	ssyncadd.s32 $0xFFFFE000  }
0x158: {  	[spmem:s2] =	stream.indirect.scatter.add.f32 [tilespmem:s26], [sflag:$0x8], $0x80, s11, s16, $0xb8;
	[tilespmem:$0x1E100] =	vst v63  }
0x159: {  	_ =	swait.ge [sflag:s30], $0x2000  }
0x15a: {  	[sflag:s30] =	ssyncset.done $0x0  }
0x15b: {  	[sflag:s30] =	ssyncadd.s32 $0xFFFFE000  }
0x15c: {  	_ =	swait.ge [sflag:s31], $0x2000  }
0x15d: {  	[sflag:s31] =	ssyncset.done $0x0  }
0x15e: {  	[sflag:s31] =	ssyncadd.s32 $0xFFFFE000  }
0x15f: {  	_ =	swait.ge [sflag:s1], $0x2000  }
0x160: {  	[sflag:s1] =	ssyncset.done $0x0  }
0x161: {  	[sflag:s1] =	ssyncadd.s32 $0xFFFFE000  }
0x162: {  	_ =	swait.ge [sflag:s5], $0x2000  }
0x163: {  	[sflag:s5] =	ssyncset.done $0x0  }
0x164: {  	s3 =	sadd.s32 $0x780, s8;
	s10 =	simm.s32 $0x0;
	[sflag:s5] =	ssyncadd.s32 $0xFFFFE000  }
0x165: {  	[tilespmem:s10], [sflag:$0x9] =	stream.linear.gather [hbm4b:s3+s10], $0x1400, $0x38;
	[tilespmem:$0x1E100] =	vst v63  }
0x166: {  	_ =	swait.ge [sflag:s13], $0x1400  }
0x167: {  	[sflag:s13] =	ssyncset.done $0x0  }
0x168: {  	s12 =	sadd.s32 $0x780, s9;
	[sflag:s13] =	ssyncadd.s32 $0xFFFFEC00  }
0x169: {  	[tilespmem:s15], [sflag:$0x9] =	stream.linear.gather [hbm4b:s12+s10], $0x1400, $0x38;
	[tilespmem:$0x1E100] =	vst v63  }
0x16a: {  	_ =	swait.ge [sflag:s13], $0x1400  }
0x16b: {  	[sflag:s13] =	ssyncset.done $0x0  }
0x16c: {  	[sflag:s13] =	ssyncadd.s32 $0xFFFFEC00  }
0x16d: {  	[tilespmem:s17], [sflag:$0x1] =	stream.indirect.gather [hbm4b:s0+s16], $0x80, s10, s16, $0xb8;
	[tilespmem:$0x1E100] =	vst v63  }
0x16e: {  	s10 =	simm.s32 $0x80  }
0x16f: {  	[tilespmem:s19], [sflag:$0x2] =	stream.indirect.gather [hbm4b:s0+s16], $0x80, s10, s16, $0xb8;
	[tilespmem:$0x1E100] =	vst v63  }
0x170: {  	_ =	swait.ge [sflag:s20], $0x2000  }
0x171: {  	[sflag:s20] =	ssyncset.done $0x0  }
0x172: {  	[sflag:s20] =	ssyncadd.s32 $0xFFFFE000  }
0x173: {  	[spmem:s2] =	stream.indirect.scatter.add.f32 [tilespmem:s17], [sflag:$0x5], $0x80, s15, s16, $0xb8;
	[tilespmem:$0x1E100] =	vst v63  }
0x174: {  	_ =	swait.ge [sflag:s21], $0x2000  }
0x175: {  	[sflag:s21] =	ssyncset.done $0x0  }
0x176: {  	[sflag:s21] =	ssyncadd.s32 $0xFFFFE000  }
0x177: {  	[spmem:s2] =	stream.indirect.scatter.add.f32 [tilespmem:s19], [sflag:$0x6], $0x80, s22, s16, $0xb8;
	[tilespmem:$0x1E100] =	vst v63  }
0x178: {  	_ = 	snop  }
0x179: {  	[tilespmem:s24], [sflag:$0x3] =	stream.indirect.gather [hbm4b:s0+s16], $0x80, s23, s16, $0xb8;
	[tilespmem:$0x1E100] =	vst v63  }
0x17a: {  	_ = 	snop  }
0x17b: {  	[tilespmem:s26], [sflag:$0x4] =	stream.indirect.gather [hbm4b:s0+s16], $0x80, s25, s16, $0xb8;
	[tilespmem:$0x1E100] =	vst v63  }
0x17c: {  	_ =	swait.ge [sflag:s28], $0x2000  }
0x17d: {  	[sflag:s28] =	ssyncset.done $0x0  }
0x17e: {  	s12 =	simm.s32 $0x1500;
	[sflag:s28] =	ssyncadd.s32 $0xFFFFE000  }
0x17f: {  	[spmem:s2] =	stream.indirect.scatter.add.f32 [tilespmem:s24], [sflag:$0x7], $0x80, s12, s16, $0xb8;
	[tilespmem:$0x1E100] =	vst v63  }
0x180: {  	_ =	swait.ge [sflag:s29], $0x2000  }
0x181: {  	[sflag:s29] =	ssyncset.done $0x0  }
0x182: {  	s10 =	simm.s32 $0x1580;
	[sflag:s29] =	ssyncadd.s32 $0xFFFFE000  }
0x183: {  	[spmem:s2] =	stream.indirect.scatter.add.f32 [tilespmem:s26], [sflag:$0x8], $0x80, s10, s16, $0xb8;
	[tilespmem:$0x1E100] =	vst v63  }
0x184: {  	_ =	swait.ge [sflag:s30], $0x2000  }
0x185: {  	[sflag:s30] =	ssyncset.done $0x0  }
0x186: {  	s12 =	simm.s32 $0x200;
	[sflag:s30] =	ssyncadd.s32 $0xFFFFE000  }
0x187: {  	[tilespmem:s17], [sflag:$0x1] =	stream.indirect.gather [hbm4b:s0+s16], $0x80, s12, s16, $0xb8;
	[tilespmem:$0x1E100] =	vst v63  }
0x188: {  	_ =	swait.ge [sflag:s31], $0x2000  }
0x189: {  	[sflag:s31] =	ssyncset.done $0x0  }
0x18a: {  	s10 =	simm.s32 $0x280;
	[sflag:s31] =	ssyncadd.s32 $0xFFFFE000  }
0x18b: {  	[tilespmem:s19], [sflag:$0x2] =	stream.indirect.gather [hbm4b:s0+s16], $0x80, s10, s16, $0xb8;
	[tilespmem:$0x1E100] =	vst v63  }
0x18c: {  	_ =	swait.ge [sflag:s20], $0x2000  }
0x18d: {  	[sflag:s20] =	ssyncset.done $0x0  }
0x18e: {  	s12 =	simm.s32 $0x1600;
	[sflag:s20] =	ssyncadd.s32 $0xFFFFE000  }
0x18f: {  	[spmem:s2] =	stream.indirect.scatter.add.f32 [tilespmem:s17], [sflag:$0x5], $0x80, s12, s16, $0xb8;
	[tilespmem:$0x1E100] =	vst v63  }
0x190: {  	_ =	swait.ge [sflag:s21], $0x2000  }
0x191: {  	[sflag:s21] =	ssyncset.done $0x0  }
0x192: {  	s10 =	simm.s32 $0x1680;
	[sflag:s21] =	ssyncadd.s32 $0xFFFFE000  }
0x193: {  	[spmem:s2] =	stream.indirect.scatter.add.f32 [tilespmem:s19], [sflag:$0x6], $0x80, s10, s16, $0xb8;
	[tilespmem:$0x1E100] =	vst v63  }
0x194: {  	_ =	swait.ge [sflag:s1], $0x2000  }
0x195: {  	[sflag:s1] =	ssyncset.done $0x0  }
0x196: {  	s12 =	simm.s32 $0x300;
	[sflag:s1] =	ssyncadd.s32 $0xFFFFE000  }
0x197: {  	[tilespmem:s24], [sflag:$0x3] =	stream.indirect.gather [hbm4b:s0+s16], $0x80, s12, s16, $0xb8;
	[tilespmem:$0x1E100] =	vst v63  }
0x198: {  	_ =	swait.ge [sflag:s5], $0x2000  }
0x199: {  	[sflag:s5] =	ssyncset.done $0x0  }
0x19a: {  	s3 =	simm.s32 $0x800;
	s10 =	simm.s32 $0x380;
	[sflag:s5] =	ssyncadd.s32 $0xFFFFE000  }
.LBB2_8:
0x19b: {  	[tilespmem:s26], [sflag:$0x4] =	stream.indirect.gather [hbm4b:s0+s16], $0x80, s10, s16, $0xb8;
	[tilespmem:$0x1E100] =	vst v63  }
0x19c: {  	s10 =	smov.u32 s3  }
0x19d: {  	p1 =	sne.s32 s3, $0x4000;
	s3 =	sadd.s32 $0x800, s3;
	_ =	swait.ge [sflag:s28], $0x2000  }
0x19e: {  	s10 =	sshra.s32 s10, $0x2;
	[sflag:s28] =	ssyncset.done $0x0  }
0x19f: {  	s12 =	sadd.s32 $0x1500, s10;
	[sflag:s28] =	ssyncadd.s32 $0xFFFFE000  }
0x1a0: {  	[spmem:s2] =	stream.indirect.scatter.add.f32 [tilespmem:s24], [sflag:$0x7], $0x80, s12, s16, $0xb8;
	[tilespmem:$0x1E100] =	vst v63  }
0x1a1: {  	_ =	swait.ge [sflag:s29], $0x2000  }
0x1a2: {  	[sflag:s29] =	ssyncset.done $0x0  }
0x1a3: {  	s12 =	sadd.s32 $0x1580, s10;
	[sflag:s29] =	ssyncadd.s32 $0xFFFFE000  }
0x1a4: {  	[spmem:s2] =	stream.indirect.scatter.add.f32 [tilespmem:s26], [sflag:$0x8], $0x80, s12, s16, $0xb8;
	[tilespmem:$0x1E100] =	vst v63  }
0x1a5: {  	_ =	swait.ge [sflag:s30], $0x2000  }
0x1a6: {  	[sflag:s30] =	ssyncset.done $0x0  }
0x1a7: {  	s12 =	sadd.s32 $0x200, s10;
	[sflag:s30] =	ssyncadd.s32 $0xFFFFE000  }
0x1a8: {  	[tilespmem:s17], [sflag:$0x1] =	stream.indirect.gather [hbm4b:s0+s16], $0x80, s12, s16, $0xb8;
	[tilespmem:$0x1E100] =	vst v63  }
0x1a9: {  	_ =	swait.ge [sflag:s31], $0x2000  }
0x1aa: {  	[sflag:s31] =	ssyncset.done $0x0  }
0x1ab: {  	s12 =	sadd.s32 $0x280, s10;
	[sflag:s31] =	ssyncadd.s32 $0xFFFFE000  }
0x1ac: {  	[tilespmem:s19], [sflag:$0x2] =	stream.indirect.gather [hbm4b:s0+s16], $0x80, s12, s16, $0xb8;
	[tilespmem:$0x1E100] =	vst v63  }
0x1ad: {  	_ =	swait.ge [sflag:s20], $0x2000  }
0x1ae: {  	[sflag:s20] =	ssyncset.done $0x0  }
0x1af: {  	s12 =	sadd.s32 $0x1600, s10;
	[sflag:s20] =	ssyncadd.s32 $0xFFFFE000  }
0x1b0: {  	[spmem:s2] =	stream.indirect.scatter.add.f32 [tilespmem:s17], [sflag:$0x5], $0x80, s12, s16, $0xb8;
	[tilespmem:$0x1E100] =	vst v63  }
0x1b1: {  	_ =	swait.ge [sflag:s21], $0x2000  }
0x1b2: {  	[sflag:s21] =	ssyncset.done $0x0  }
0x1b3: {  	s12 =	sadd.s32 $0x1680, s10;
	[sflag:s21] =	ssyncadd.s32 $0xFFFFE000  }
0x1b4: {  	[spmem:s2] =	stream.indirect.scatter.add.f32 [tilespmem:s19], [sflag:$0x6], $0x80, s12, s16, $0xb8;
	[tilespmem:$0x1E100] =	vst v63  }
0x1b5: {  	_ =	swait.ge [sflag:s1], $0x2000  }
0x1b6: {  	[sflag:s1] =	ssyncset.done $0x0  }
.Ltmp3:
0x1b7: {  	s12 =	sadd.s32 $0x300, s10;
	[sflag:s1] =	ssyncadd.s32 $0xFFFFE000;
	(pc) =	sbr.rel @p1 .LBB2_8-.Ltmp3, $4  }
0x1b8: {  	[tilespmem:s24], [sflag:$0x3] =	stream.indirect.gather [hbm4b:s0+s16], $0x80, s12, s16, $0xb8;
	[tilespmem:$0x1E100] =	vst v63  }
0x1b9: {  	_ =	swait.ge [sflag:s5], $0x2000  }
0x1ba: {  	[sflag:s5] =	ssyncset.done $0x0  }
0x1bb: {  	s10 =	sadd.s32 $0x380, s10;
	[sflag:s5] =	ssyncadd.s32 $0xFFFFE000  }
0x1bc: {  	[tilespmem:s26], [sflag:$0x4] =	stream.indirect.gather [hbm4b:s0+s16], $0x80, s10, s16, $0xb8;
	[tilespmem:$0x1E100] =	vst v63  }
0x1bd: {  	_ =	swait.ge [sflag:s28], $0x2000  }
0x1be: {  	[sflag:s28] =	ssyncset.done $0x0  }
0x1bf: {  	[sflag:s28] =	ssyncadd.s32 $0xFFFFE000  }
0x1c0: {  	[spmem:s2] =	stream.indirect.scatter.add.f32 [tilespmem:s24], [sflag:$0x7], $0x80, s7, s16, $0xb8;
	[tilespmem:$0x1E100] =	vst v63  }
0x1c1: {  	_ =	swait.ge [sflag:s29], $0x2000  }
0x1c2: {  	[sflag:s29] =	ssyncset.done $0x0  }
0x1c3: {  	[sflag:s29] =	ssyncadd.s32 $0xFFFFE000  }
0x1c4: {  	[spmem:s2] =	stream.indirect.scatter.add.f32 [tilespmem:s26], [sflag:$0x8], $0x80, s11, s16, $0xb8;
	[tilespmem:$0x1E100] =	vst v63  }
0x1c5: {  	_ =	swait.ge [sflag:s30], $0x2000  }
0x1c6: {  	[sflag:s30] =	ssyncset.done $0x0  }
0x1c7: {  	[sflag:s30] =	ssyncadd.s32 $0xFFFFE000  }
0x1c8: {  	_ =	swait.ge [sflag:s31], $0x2000  }
0x1c9: {  	[sflag:s31] =	ssyncset.done $0x0  }
0x1ca: {  	[sflag:s31] =	ssyncadd.s32 $0xFFFFE000  }
0x1cb: {  	_ =	swait.ge [sflag:s1], $0x2000  }
0x1cc: {  	[sflag:s1] =	ssyncset.done $0x0  }
0x1cd: {  	[sflag:s1] =	ssyncadd.s32 $0xFFFFE000  }
0x1ce: {  	_ =	swait.ge [sflag:s5], $0x2000  }
0x1cf: {  	[sflag:s5] =	ssyncset.done $0x0  }
0x1d0: {  	[sflag:s5] =	ssyncadd.s32 $0xFFFFE000  }
0x1d1: {  	[bflag:$0x0] =	sbarrier.arrive $0xFFFF  }
0x1d2: {  	s3 =	rddreg [dreg:$0x4]  }
0x1d3: {  	s10 =	rddreg [dreg:$0x7]  }
0x1d4: {  	s3 =	sadd.s32 s3, s10  }
0x1d5: {  	[hbm:s3], [sflag:s6] =	dma.local [spmem:s18], $0x2700  }
0x1d6: {  	_ =	swait.ge [sflag:s13], $0x2700  }
0x1d7: {  	[sflag:s13] =	ssyncset.done $0x0  }
0x1d8: {  	s3 =	sadd.s32 @!p0 $0x27000, s10;
	[sflag:s13] =	ssyncadd.s32 $0xFFFFD900  }
0x1d9: {  	[hbm:s3], [sflag:s6] =	dma.local @!p0 [spmem:s14], $0x100  }
0x1da: {  	s3 =	simm.s32 @!p0 $0x9  }
0x1db: {  	_ =	swait.ge @!p0 [sflag:s3], $0x100  }
0x1dc: {  	s12 =	smov.u32 s18;
	s4 =	sadd.s32 $0x1, s4;
	s18 =	rddreg [dreg:$0x8]  }
0x1dd: {  	p1 =	sne.s32 s4, s18  }
.Ltmp4:
0x1de: {  	_ = 	snop;
	(pc) =	sbr.rel @p1 .LBB2_1-.Ltmp4, $3  }
0x1df: {  	_ =	sdelay $0x1  }
0x1e0: {  	[sflag:s3] =	ssyncset.done @!p0 $0x0  }
0x1e1: {  	[sflag:s3] =	ssyncadd.s32 @!p0 $0xFFFFFF00  }
0x1e2: {  	_ =	sfence.sel $0x180000  }
0x1e3: {  	[bflag:$0x0] =	sbarrier.arrive $0xFFFF  }
0x1e4: {  	_ =	strace $0x9000004A  }
0x1e5: {  	[bflag:$0x2] =	sbarrier.arrive $0xFFFF  }
0x1e6: {  	s0 =	rddreg [dreg:$0x3]  }
0x1e7: {  	s0 =	sadd.s32 @!p0 $0x100000, s0  }
0x1e8: {  	[sflag:s0] =	ssyncadd.tile.s32 @!p0 $0x1;
	_ =	shalt  }
.Lfunc_end2:
_tile_overlayer_lowered:
.L_overlay_start_2:
0x1e9: {  	(tag) =	ssettag $0x2  }
0x1ea: {  	s0 =	rddreg [dreg:$0x0];
	s2 =	stileid.u32  }
0x1eb: {  	s1 =	rddreg [dreg:$0x1];
	p0 =	sne.s32 s2, $0x0  }
0x1ec: {  	s3 =	rddreg [dreg:$0x2];
	[bflag:$0x3] =	sbarrier.arrive $0xFFFF;
	s2 =	simm.s32 @!p0 $0x1C09  }
0x1ed: {  	[timem:s3], [sflag:s2] =	dma.local @!p0 [hbm:s0], s1  }
0x1ee: {  	s0 =	simm.s32 @!p0 $0x9  }
0x1ef: {  	_ =	swait.ge @!p0 [sflag:s0], s1  }
0x1f0: {  	s1 =	ssub.s32 @!p0 $0x0, s1;
	[sflag:s0] =	ssyncset.done @!p0 $0x0  }
0x1f1: {  	[sflag:s0] =	ssyncadd.s32 @!p0 s1  }
0x1f2: {  	[bflag:$0x3] =	sbarrier.arrive $0xFFFF  }
0x1f3: {  	_ =	shalt  }

</sc_bundles>
